<compile_context>
chip_gen: v7x
topology: tpu7x:2x2x1
jax: 0.10.2.dev20260603
libtpu: 0.0.44.dev20260713+nightly
codegen_flags: <defaults>
</compile_context>

<pallas_src>
import functools

import jax
import jax.numpy as jnp
from jax import lax
from jax.experimental import pallas as pl
from jax.experimental.pallas import tpu as pltpu
from jax.experimental.pallas import tpu_sc as plsc

_BATCH = 16384
_EMB = 16
_LANE = 128
_H = 8
_HSET_I32 = _H * (2 * _EMB * _LANE + 2 * _LANE)
_DRN = _HSET_I32 // 4


@functools.lru_cache(maxsize=None)
def _build_mf_kernel():
    info = plsc.get_sparse_core_info()
    nc, ns, nl = info.num_cores, info.num_subcores, info.num_lanes
    nw = nc * ns
    bpw = _BATCH // nw
    nchunks = bpw // nl
    mesh = plsc.VectorSubcoreMesh(core_axis_name="c", subcore_axis_name="s")

    @functools.partial(
        pl.kernel,
        mesh=mesh,
        out_type=jax.ShapeDtypeStruct((_BATCH,), jnp.float32),
        compiler_params=pltpu.CompilerParams(needs_layout_passes=False),
        scratch_types=[
            pltpu.VMEM((bpw,), jnp.int32),
            pltpu.VMEM((bpw,), jnp.int32),
            pltpu.VMEM((_H, _EMB, _LANE), jnp.float32),
            pltpu.VMEM((_H, _EMB, _LANE), jnp.float32),
            pltpu.VMEM((_H, 1, _LANE), jnp.float32),
            pltpu.VMEM((_H, 1, _LANE), jnp.float32),
            pltpu.VMEM((_H, _EMB, _LANE), jnp.float32),
            pltpu.VMEM((_H, _EMB, _LANE), jnp.float32),
            pltpu.VMEM((_H, 1, _LANE), jnp.float32),
            pltpu.VMEM((_H, 1, _LANE), jnp.float32),
            pltpu.VMEM((nl,), jnp.float32),
            pltpu.VMEM((bpw,), jnp.float32),
            pltpu.VMEM((_DRN,), jnp.int32),
            pltpu.SemaphoreType.DMA,
            pltpu.SemaphoreType.DMA,
        ],
    )
    def mf(u_id, i_id, uembT, ubiasT, iembT, ibiasT, mean16, out,
           uidx_v, iidx_v, ue_a, ie_a, ub_a, ib_a, ue_b, ie_b, ub_b, ib_b,
           mean_v, out_v, drain_v, sem_a, sem_b):
        wid = lax.axis_index("s") * nc + lax.axis_index("c")
        base = wid * bpw
        pltpu.sync_copy(u_id.at[pl.ds(base, bpw)], uidx_v)
        pltpu.sync_copy(i_id.at[pl.ds(base, bpw)], iidx_v)
        pltpu.sync_copy(mean16, mean_v)

        lanes = lax.iota(jnp.int32, nl)
        mean_vec = mean_v[...]

        def load_ids(c):
            return (uidx_v[pl.ds(c * nl, nl)], iidx_v[pl.ds(c * nl, nl)])

        def issue(uv, iv, half, ue, ie, ub, ib, sem):
            ualn = uv - (uv & (_LANE - 1))
            ialn = iv - (iv & (_LANE - 1))
            for j in range(_H):
                l = half * _H + j
                ua = pl.multiple_of(ualn[l], _LANE)
                ia = pl.multiple_of(ialn[l], _LANE)
                pltpu.async_copy(uembT.at[:, pl.ds(ua, _LANE)], ue.at[j], sem)
                pltpu.async_copy(iembT.at[:, pl.ds(ia, _LANE)], ie.at[j], sem)
                pltpu.async_copy(ubiasT.at[:, pl.ds(ua, _LANE)], ub.at[j],
                                 sem)
                pltpu.async_copy(ibiasT.at[:, pl.ds(ia, _LANE)], ib.at[j],
                                 sem)

        def drain(sem):
            for _ in range(4):
                pltpu.make_async_copy(
                    u_id.at[pl.ds(0, _DRN)], drain_v, sem).wait()

        def compute(uv, iv, half, ue, ie, ub, ib):
            slot = jnp.clip(lanes - half * _H, 0, _H - 1)
            ucol = uv & (_LANE - 1)
            icol = iv & (_LANE - 1)
            zer = jnp.zeros((nl,), jnp.int32)
            acc = (plsc.load_gather(ub, [slot, zer, ucol])
                   + plsc.load_gather(ib, [slot, zer, icol]) + mean_vec)
            for d in range(_EMB):
                dv = jnp.full((nl,), d, jnp.int32)
                acc = acc + (plsc.load_gather(ue, [slot, dv, ucol])
                             * plsc.load_gather(ie, [slot, dv, icol]))
            return acc

        uv0, iv0 = load_ids(0)
        issue(uv0, iv0, 0, ue_a, ie_a, ub_a, ib_a, sem_a)

        def chunk(c, carry):
            uv, iv = load_ids(c)
            issue(uv, iv, 1, ue_b, ie_b, ub_b, ib_b, sem_b)
            drain(sem_a)
            acc_a = compute(uv, iv, 0, ue_a, ie_a, ub_a, ib_a)

            @pl.when(c < nchunks - 1)
            def _():
                uv2, iv2 = load_ids(c + 1)
                issue(uv2, iv2, 0, ue_a, ie_a, ub_a, ib_a, sem_a)

            drain(sem_b)
            acc_b = compute(uv, iv, 1, ue_b, ie_b, ub_b, ib_b)
            acc = jnp.where(lanes < _H, acc_a, acc_b)
            out_v[pl.ds(c * nl, nl)] = 1.0 / (1.0 + jnp.exp(-acc))
            return carry

        lax.fori_loop(0, nchunks, chunk, 0)
        pltpu.sync_copy(out_v, out.at[pl.ds(base, bpw)])

    return mf


def kernel(data, user_emb, user_bias, item_emb, item_bias, mean):
    u_id = data[0].astype(jnp.int32)
    i_id = data[1].astype(jnp.int32)
    mean16 = jnp.broadcast_to(mean.astype(jnp.float32), (16,))
    mf = _build_mf_kernel()
    return mf(u_id, i_id, user_emb.T, user_bias.T, item_emb.T, item_bias.T,
              mean16)

# --- scband reference (transcript-rebuilt; emitter-appended) ---
"""Pipeline reference for scband-mf-29918742184768 (READ-ONLY COPY).

The authoritative reference and input builder live on the scoring server;
editing this copy changes nothing except your own understanding.
"""

import jax, jax.numpy as jnp
import numpy as np

USER_NUM = 1000000
ITEM_NUM = 1000000
EMB = 16
BATCH = 16384


def setup_inputs(seed: int = 0) -> dict:
    key = jax.random.key(seed)
    k0, k1, k2, k3, k4 = jax.random.split(key, 5)
    data = jax.random.randint(k0, (2, BATCH), 0, min(USER_NUM, ITEM_NUM))
    user_emb = jax.random.uniform(k1, (USER_NUM, EMB), minval=-0.01, maxval=0.01, dtype=jnp.float32)
    user_bias = jax.random.uniform(k2, (USER_NUM, 1), minval=-0.01, maxval=0.01, dtype=jnp.float32)
    item_emb = jax.random.uniform(k3, (ITEM_NUM, EMB), minval=-0.01, maxval=0.01, dtype=jnp.float32)
    item_bias = jax.random.uniform(k4, (ITEM_NUM, 1), minval=-0.01, maxval=0.01, dtype=jnp.float32)
    mean = jnp.zeros((1,), dtype=jnp.float32)
    return {"data": data, "user_emb": user_emb, "user_bias": user_bias, "item_emb": item_emb, "item_bias": item_bias, "mean": mean}


def reference(data, user_emb, user_bias, item_emb, item_bias, mean):
    u_id = data[0]
    i_id = data[1]
    U = jnp.take(user_emb, u_id, axis=0)
    b_u = jnp.squeeze(jnp.take(user_bias, u_id, axis=0), axis=-1)
    I = jnp.take(item_emb, i_id, axis=0)
    b_i = jnp.squeeze(jnp.take(item_bias, i_id, axis=0), axis=-1)
    logits = jnp.sum(U * I, axis=1) + b_u + b_i + mean
    return jax.nn.sigmoid(logits)

if __name__ == "__main__":
    import jax
    _d = setup_inputs()
    print(jax.jit(kernel)(*tuple(_d.values())))

</pallas_src>

<mosaic_0001>
#map = affine_map<(d0, d1) -> (0)>
#map1 = affine_map<(d0, d1) -> (0, 0)>
module attributes {stable_mosaic.version = 14 : i64} {
  func.func @mf(%arg0: i32, %arg1: i32, %arg2: memref<16384xi32, #tpu.memory_space<hbm>>, %arg3: memref<16384xi32, #tpu.memory_space<hbm>>, %arg4: memref<16x1000000xf32, #tpu.memory_space<hbm>>, %arg5: memref<1x1000000xf32, #tpu.memory_space<hbm>>, %arg6: memref<16x1000000xf32, #tpu.memory_space<hbm>>, %arg7: memref<1x1000000xf32, #tpu.memory_space<hbm>>, %arg8: memref<16xf32, #tpu.memory_space<hbm>>, %arg9: memref<16384xf32, #tpu.memory_space<hbm>>, %arg10: memref<512xi32, #tpu.memory_space<vmem>>, %arg11: memref<512xi32, #tpu.memory_space<vmem>>, %arg12: memref<8x16x128xf32, #tpu.memory_space<vmem>>, %arg13: memref<8x16x128xf32, #tpu.memory_space<vmem>>, %arg14: memref<8x1x128xf32, #tpu.memory_space<vmem>>, %arg15: memref<8x1x128xf32, #tpu.memory_space<vmem>>, %arg16: memref<8x16x128xf32, #tpu.memory_space<vmem>>, %arg17: memref<8x16x128xf32, #tpu.memory_space<vmem>>, %arg18: memref<8x1x128xf32, #tpu.memory_space<vmem>>, %arg19: memref<8x1x128xf32, #tpu.memory_space<vmem>>, %arg20: memref<16xf32, #tpu.memory_space<vmem>>, %arg21: memref<512xf32, #tpu.memory_space<vmem>>, %arg22: memref<8704xi32, #tpu.memory_space<vmem>>, %arg23: memref<!tpu.dma_semaphore, #tpu.memory_space<semaphore_mem>>, %arg24: memref<!tpu.dma_semaphore, #tpu.memory_space<semaphore_mem>>) attributes {dimension_semantics = [#tpu.dimension_semantics<core_parallel>, #tpu.dimension_semantics<subcore_parallel>], iteration_bounds = array<i64: 2, 16>, scalar_prefetch = 0 : i64, scratch_operands = 15 : i64, tpu.core_type = #tpu.core_type<sc_vector_subcore>, window_params = [{transform_indices = #map}, {transform_indices = #map}, {transform_indices = #map1}, {transform_indices = #map1}, {transform_indices = #map1}, {transform_indices = #map1}, {transform_indices = #map}, {transform_indices = #map}]} {
    %mul3A = arith.constant 2 : i32
    %mul3A_0 = arith.muli %arg1, %mul3A : i32
    %add3A = arith.addi %mul3A_0, %arg0 : i32
    %mul3A_1 = arith.constant 512 : i32
    %mul3A_2 = arith.muli %add3A, %mul3A_1 : i32
    "tpu.region"() ({
      %run_scoped3A = tpu.sem_alloc : memref<!tpu.dma_semaphore, #tpu.memory_space<semaphore_mem>>
      %dma_start3A_479 = tpu.memref_slice %arg2[%mul3A_2] : memref<16384xi32, #tpu.memory_space<hbm>> -> memref<512xi32, #tpu.memory_space<hbm>>
      %dma_start3A_480 = tpu.memref_slice %arg2[%mul3A_2] : memref<16384xi32, #tpu.memory_space<hbm>> -> memref<512xi32, #tpu.memory_space<hbm>>
      tpu.enqueue_dma source(%dma_start3A_480 : memref<512xi32, #tpu.memory_space<hbm>>) target(%arg10 : memref<512xi32, #tpu.memory_space<vmem>>) target_semaphore(%run_scoped3A : memref<!tpu.dma_semaphore, #tpu.memory_space<semaphore_mem>>)
      %dma_wait3A = tpu.memref_slice %arg2[%mul3A_2] : memref<16384xi32, #tpu.memory_space<hbm>> -> memref<512xi32, #tpu.memory_space<hbm>>
      %dma_wait3A_481 = tpu.memref_slice %arg2[%mul3A_2] : memref<16384xi32, #tpu.memory_space<hbm>> -> memref<512xi32, #tpu.memory_space<hbm>>
      tpu.wait_dma2 semaphore(%run_scoped3A : memref<!tpu.dma_semaphore, #tpu.memory_space<semaphore_mem>>) src(%dma_wait3A_481 : memref<512xi32, #tpu.memory_space<hbm>>) dst(%arg10 : memref<512xi32, #tpu.memory_space<vmem>>)
      tpu.yield
    }) : () -> ()
    "tpu.region"() ({
      %run_scoped3A = tpu.sem_alloc : memref<!tpu.dma_semaphore, #tpu.memory_space<semaphore_mem>>
      %dma_start3A_479 = tpu.memref_slice %arg3[%mul3A_2] : memref<16384xi32, #tpu.memory_space<hbm>> -> memref<512xi32, #tpu.memory_space<hbm>>
      %dma_start3A_480 = tpu.memref_slice %arg3[%mul3A_2] : memref<16384xi32, #tpu.memory_space<hbm>> -> memref<512xi32, #tpu.memory_space<hbm>>
      tpu.enqueue_dma source(%dma_start3A_480 : memref<512xi32, #tpu.memory_space<hbm>>) target(%arg11 : memref<512xi32, #tpu.memory_space<vmem>>) target_semaphore(%run_scoped3A : memref<!tpu.dma_semaphore, #tpu.memory_space<semaphore_mem>>)
      %dma_wait3A = tpu.memref_slice %arg3[%mul3A_2] : memref<16384xi32, #tpu.memory_space<hbm>> -> memref<512xi32, #tpu.memory_space<hbm>>
      %dma_wait3A_481 = tpu.memref_slice %arg3[%mul3A_2] : memref<16384xi32, #tpu.memory_space<hbm>> -> memref<512xi32, #tpu.memory_space<hbm>>
      tpu.wait_dma2 semaphore(%run_scoped3A : memref<!tpu.dma_semaphore, #tpu.memory_space<semaphore_mem>>) src(%dma_wait3A_481 : memref<512xi32, #tpu.memory_space<hbm>>) dst(%arg11 : memref<512xi32, #tpu.memory_space<vmem>>)
      tpu.yield
    }) : () -> ()
    "tpu.region"() ({
      %run_scoped3A = tpu.sem_alloc : memref<!tpu.dma_semaphore, #tpu.memory_space<semaphore_mem>>
      tpu.enqueue_dma source(%arg8 : memref<16xf32, #tpu.memory_space<hbm>>) target(%arg20 : memref<16xf32, #tpu.memory_space<vmem>>) target_semaphore(%run_scoped3A : memref<!tpu.dma_semaphore, #tpu.memory_space<semaphore_mem>>)
      tpu.wait_dma2 semaphore(%run_scoped3A : memref<!tpu.dma_semaphore, #tpu.memory_space<semaphore_mem>>) src(%arg8 : memref<16xf32, #tpu.memory_space<hbm>>) dst(%arg20 : memref<16xf32, #tpu.memory_space<vmem>>)
      tpu.yield
    }) : () -> ()
    %iota3A = tpu.iota {dimensions = array<i32: 0>} : vector<16xi32>
    %get3A = arith.constant 0 : index
    %get3A_3 = tpu.vector_load %arg20[%get3A] {strides = array<i32>} : memref<16xf32, #tpu.memory_space<vmem>>, vector<16xf32>,
    %get3A_4 = arith.constant 0 : index
    %get3A_5 = tpu.vector_load %arg10[%get3A_4] {strides = array<i32>} : memref<512xi32, #tpu.memory_space<vmem>>, vector<16xi32>,
    %get3A_6 = arith.constant 0 : index
    %get3A_7 = tpu.vector_load %arg11[%get3A_6] {strides = array<i32>} : memref<512xi32, #tpu.memory_space<vmem>>, vector<16xi32>,
    %and3A = arith.constant 127 : i32
    %and3A_8 = vector.broadcast %and3A : i32 to vector<16xi32>
    %and3A_9 = arith.andi %get3A_5, %and3A_8 : vector<16xi32>
    %sub3A = arith.subi %get3A_5, %and3A_9 : vector<16xi32>
    %and3A_10 = arith.constant 127 : i32
    %and3A_11 = vector.broadcast %and3A_10 : i32 to vector<16xi32>
    %and3A_12 = arith.andi %get3A_7, %and3A_11 : vector<16xi32>
    %sub3A_13 = arith.subi %get3A_7, %and3A_12 : vector<16xi32>
    %slice3A = vector.extract_strided_slice %sub3A {offsets = [0], sizes = [1], strides = [1]} : vector<16xi32> to vector<1xi32>
    %squeeze3A = vector.extract %slice3A[0] : i32 from vector<1xi32>
    %multiple_of3A = tpu.assume_multiple %squeeze3A, 128 : i32
    %slice3A_14 = vector.extract_strided_slice %sub3A_13 {offsets = [0], sizes = [1], strides = [1]} : vector<16xi32> to vector<1xi32>
    %squeeze3A_15 = vector.extract %slice3A_14[0] : i32 from vector<1xi32>
    %multiple_of3A_16 = tpu.assume_multiple %squeeze3A_15, 128 : i32
    %dma_start3A = arith.constant 0 : i32
    %dma_start3A_17 = arith.constant 0 : i32
    %dma_start3A_18 = arith.constant 0 : i32
    %dma_start3A_19 = tpu.memref_slice %arg12[%dma_start3A, %dma_start3A_17, %dma_start3A_18] : memref<8x16x128xf32, #tpu.memory_space<vmem>> -> memref<1x16x128xf32, #tpu.memory_space<vmem>>
    %dma_start3A_20 = tpu.memref_squeeze %dma_start3A_19 : memref<1x16x128xf32, #tpu.memory_space<vmem>> -> memref<16x128xf32, #tpu.memory_space<vmem>>
    %dma_start3A_21 = arith.constant 0 : i32
    %dma_start3A_22 = tpu.memref_slice %arg4[%dma_start3A_21, %multiple_of3A] : memref<16x1000000xf32, #tpu.memory_space<hbm>> -> memref<16x128xf32, #tpu.memory_space<hbm>>
    %dma_start3A_23 = arith.constant 0 : i32
    %dma_start3A_24 = arith.constant 0 : i32
    %dma_start3A_25 = tpu.memref_slice %arg12[%dma_start3A, %dma_start3A_23, %dma_start3A_24] : memref<8x16x128xf32, #tpu.memory_space<vmem>> -> memref<1x16x128xf32, #tpu.memory_space<vmem>>
    %dma_start3A_26 = tpu.memref_squeeze %dma_start3A_25 : memref<1x16x128xf32, #tpu.memory_space<vmem>> -> memref<16x128xf32, #tpu.memory_space<vmem>>
    %dma_start3A_27 = arith.constant 0 : i32
    %dma_start3A_28 = tpu.memref_slice %arg4[%dma_start3A_27, %multiple_of3A] : memref<16x1000000xf32, #tpu.memory_space<hbm>> -> memref<16x128xf32, #tpu.memory_space<hbm>>
    tpu.enqueue_dma source(%dma_start3A_28 : memref<16x128xf32, #tpu.memory_space<hbm>>) target(%dma_start3A_26 : memref<16x128xf32, #tpu.memory_space<vmem>>) target_semaphore(%arg23 : memref<!tpu.dma_semaphore, #tpu.memory_space<semaphore_mem>>)
    %dma_start3A_29 = arith.constant 0 : i32
    %dma_start3A_30 = arith.constant 0 : i32
    %dma_start3A_31 = arith.constant 0 : i32
    %dma_start3A_32 = tpu.memref_slice %arg13[%dma_start3A_29, %dma_start3A_30, %dma_start3A_31] : memref<8x16x128xf32, #tpu.memory_space<vmem>> -> memref<1x16x128xf32, #tpu.memory_space<vmem>>
    %dma_start3A_33 = tpu.memref_squeeze %dma_start3A_32 : memref<1x16x128xf32, #tpu.memory_space<vmem>> -> memref<16x128xf32, #tpu.memory_space<vmem>>
    %dma_start3A_34 = arith.constant 0 : i32
    %dma_start3A_35 = tpu.memref_slice %arg6[%dma_start3A_34, %multiple_of3A_16] : memref<16x1000000xf32, #tpu.memory_space<hbm>> -> memref<16x128xf32, #tpu.memory_space<hbm>>
    %dma_start3A_36 = arith.constant 0 : i32
    %dma_start3A_37 = arith.constant 0 : i32
    %dma_start3A_38 = tpu.memref_slice %arg13[%dma_start3A_29, %dma_start3A_36, %dma_start3A_37] : memref<8x16x128xf32, #tpu.memory_space<vmem>> -> memref<1x16x128xf32, #tpu.memory_space<vmem>>
    %dma_start3A_39 = tpu.memref_squeeze %dma_start3A_38 : memref<1x16x128xf32, #tpu.memory_space<vmem>> -> memref<16x128xf32, #tpu.memory_space<vmem>>
    %dma_start3A_40 = arith.constant 0 : i32
    %dma_start3A_41 = tpu.memref_slice %arg6[%dma_start3A_40, %multiple_of3A_16] : memref<16x1000000xf32, #tpu.memory_space<hbm>> -> memref<16x128xf32, #tpu.memory_space<hbm>>
    tpu.enqueue_dma source(%dma_start3A_41 : memref<16x128xf32, #tpu.memory_space<hbm>>) target(%dma_start3A_39 : memref<16x128xf32, #tpu.memory_space<vmem>>) target_semaphore(%arg23 : memref<!tpu.dma_semaphore, #tpu.memory_space<semaphore_mem>>)
    %dma_start3A_42 = arith.constant 0 : i32
    %dma_start3A_43 = arith.constant 0 : i32
    %dma_start3A_44 = arith.constant 0 : i32
    %dma_start3A_45 = tpu.memref_slice %arg14[%dma_start3A_42, %dma_start3A_43, %dma_start3A_44] : memref<8x1x128xf32, #tpu.memory_space<vmem>> -> memref<1x1x128xf32, #tpu.memory_space<vmem>>
    %dma_start3A_46 = tpu.memref_squeeze %dma_start3A_45 : memref<1x1x128xf32, #tpu.memory_space<vmem>> -> memref<1x128xf32, #tpu.memory_space<vmem>>
    %dma_start3A_47 = arith.constant 0 : i32
    %dma_start3A_48 = tpu.memref_slice %arg5[%dma_start3A_47, %multiple_of3A] : memref<1x1000000xf32, #tpu.memory_space<hbm>> -> memref<1x128xf32, #tpu.memory_space<hbm>>
    %dma_start3A_49 = arith.constant 0 : i32
    %dma_start3A_50 = arith.constant 0 : i32
    %dma_start3A_51 = tpu.memref_slice %arg14[%dma_start3A_42, %dma_start3A_49, %dma_start3A_50] : memref<8x1x128xf32, #tpu.memory_space<vmem>> -> memref<1x1x128xf32, #tpu.memory_space<vmem>>
    %dma_start3A_52 = tpu.memref_squeeze %dma_start3A_51 : memref<1x1x128xf32, #tpu.memory_space<vmem>> -> memref<1x128xf32, #tpu.memory_space<vmem>>
    %dma_start3A_53 = arith.constant 0 : i32
    %dma_start3A_54 = tpu.memref_slice %arg5[%dma_start3A_53, %multiple_of3A] : memref<1x1000000xf32, #tpu.memory_space<hbm>> -> memref<1x128xf32, #tpu.memory_space<hbm>>
    tpu.enqueue_dma source(%dma_start3A_54 : memref<1x128xf32, #tpu.memory_space<hbm>>) target(%dma_start3A_52 : memref<1x128xf32, #tpu.memory_space<vmem>>) target_semaphore(%arg23 : memref<!tpu.dma_semaphore, #tpu.memory_space<semaphore_mem>>)
    %dma_start3A_55 = arith.constant 0 : i32
    %dma_start3A_56 = arith.constant 0 : i32
    %dma_start3A_57 = arith.constant 0 : i32
    %dma_start3A_58 = tpu.memref_slice %arg15[%dma_start3A_55, %dma_start3A_56, %dma_start3A_57] : memref<8x1x128xf32, #tpu.memory_space<vmem>> -> memref<1x1x128xf32, #tpu.memory_space<vmem>>
    %dma_start3A_59 = tpu.memref_squeeze %dma_start3A_58 : memref<1x1x128xf32, #tpu.memory_space<vmem>> -> memref<1x128xf32, #tpu.memory_space<vmem>>
    %dma_start3A_60 = arith.constant 0 : i32
    %dma_start3A_61 = tpu.memref_slice %arg7[%dma_start3A_60, %multiple_of3A_16] : memref<1x1000000xf32, #tpu.memory_space<hbm>> -> memref<1x128xf32, #tpu.memory_space<hbm>>
    %dma_start3A_62 = arith.constant 0 : i32
    %dma_start3A_63 = arith.constant 0 : i32
    %dma_start3A_64 = tpu.memref_slice %arg15[%dma_start3A_55, %dma_start3A_62, %dma_start3A_63] : memref<8x1x128xf32, #tpu.memory_space<vmem>> -> memref<1x1x128xf32, #tpu.memory_space<vmem>>
    %dma_start3A_65 = tpu.memref_squeeze %dma_start3A_64 : memref<1x1x128xf32, #tpu.memory_space<vmem>> -> memref<1x128xf32, #tpu.memory_space<vmem>>
    %dma_start3A_66 = arith.constant 0 : i32
    %dma_start3A_67 = tpu.memref_slice %arg7[%dma_start3A_66, %multiple_of3A_16] : memref<1x1000000xf32, #tpu.memory_space<hbm>> -> memref<1x128xf32, #tpu.memory_space<hbm>>
    tpu.enqueue_dma source(%dma_start3A_67 : memref<1x128xf32, #tpu.memory_space<hbm>>) target(%dma_start3A_65 : memref<1x128xf32, #tpu.memory_space<vmem>>) target_semaphore(%arg23 : memref<!tpu.dma_semaphore, #tpu.memory_space<semaphore_mem>>)
    %slice3A_68 = vector.extract_strided_slice %sub3A {offsets = [1], sizes = [1], strides = [1]} : vector<16xi32> to vector<1xi32>
    %squeeze3A_69 = vector.extract %slice3A_68[0] : i32 from vector<1xi32>
    %multiple_of3A_70 = tpu.assume_multiple %squeeze3A_69, 128 : i32
    %slice3A_71 = vector.extract_strided_slice %sub3A_13 {offsets = [1], sizes = [1], strides = [1]} : vector<16xi32> to vector<1xi32>
    %squeeze3A_72 = vector.extract %slice3A_71[0] : i32 from vector<1xi32>
    %multiple_of3A_73 = tpu.assume_multiple %squeeze3A_72, 128 : i32
    %dma_start3A_74 = arith.constant 1 : i32
    %dma_start3A_75 = arith.constant 0 : i32
    %dma_start3A_76 = arith.constant 0 : i32
    %dma_start3A_77 = tpu.memref_slice %arg12[%dma_start3A_74, %dma_start3A_75, %dma_start3A_76] : memref<8x16x128xf32, #tpu.memory_space<vmem>> -> memref<1x16x128xf32, #tpu.memory_space<vmem>>
    %dma_start3A_78 = tpu.memref_squeeze %dma_start3A_77 : memref<1x16x128xf32, #tpu.memory_space<vmem>> -> memref<16x128xf32, #tpu.memory_space<vmem>>
    %dma_start3A_79 = arith.constant 0 : i32
    %dma_start3A_80 = tpu.memref_slice %arg4[%dma_start3A_79, %multiple_of3A_70] : memref<16x1000000xf32, #tpu.memory_space<hbm>> -> memref<16x128xf32, #tpu.memory_space<hbm>>
    %dma_start3A_81 = arith.constant 0 : i32
    %dma_start3A_82 = arith.constant 0 : i32
    %dma_start3A_83 = tpu.memref_slice %arg12[%dma_start3A_74, %dma_start3A_81, %dma_start3A_82] : memref<8x16x128xf32, #tpu.memory_space<vmem>> -> memref<1x16x128xf32, #tpu.memory_space<vmem>>
    %dma_start3A_84 = tpu.memref_squeeze %dma_start3A_83 : memref<1x16x128xf32, #tpu.memory_space<vmem>> -> memref<16x128xf32, #tpu.memory_space<vmem>>
    %dma_start3A_85 = arith.constant 0 : i32
    %dma_start3A_86 = tpu.memref_slice %arg4[%dma_start3A_85, %multiple_of3A_70] : memref<16x1000000xf32, #tpu.memory_space<hbm>> -> memref<16x128xf32, #tpu.memory_space<hbm>>
    tpu.enqueue_dma source(%dma_start3A_86 : memref<16x128xf32, #tpu.memory_space<hbm>>) target(%dma_start3A_84 : memref<16x128xf32, #tpu.memory_space<vmem>>) target_semaphore(%arg23 : memref<!tpu.dma_semaphore, #tpu.memory_space<semaphore_mem>>)
    %dma_start3A_87 = arith.constant 1 : i32
    %dma_start3A_88 = arith.constant 0 : i32
    %dma_start3A_89 = arith.constant 0 : i32
    %dma_start3A_90 = tpu.memref_slice %arg13[%dma_start3A_87, %dma_start3A_88, %dma_start3A_89] : memref<8x16x128xf32, #tpu.memory_space<vmem>> -> memref<1x16x128xf32, #tpu.memory_space<vmem>>
    %dma_start3A_91 = tpu.memref_squeeze %dma_start3A_90 : memref<1x16x128xf32, #tpu.memory_space<vmem>> -> memref<16x128xf32, #tpu.memory_space<vmem>>
    %dma_start3A_92 = arith.constant 0 : i32
    %dma_start3A_93 = tpu.memref_slice %arg6[%dma_start3A_92, %multiple_of3A_73] : memref<16x1000000xf32, #tpu.memory_space<hbm>> -> memref<16x128xf32, #tpu.memory_space<hbm>>
    %dma_start3A_94 = arith.constant 0 : i32
    %dma_start3A_95 = arith.constant 0 : i32
    %dma_start3A_96 = tpu.memref_slice %arg13[%dma_start3A_87, %dma_start3A_94, %dma_start3A_95] : memref<8x16x128xf32, #tpu.memory_space<vmem>> -> memref<1x16x128xf32, #tpu.memory_space<vmem>>
    %dma_start3A_97 = tpu.memref_squeeze %dma_start3A_96 : memref<1x16x128xf32, #tpu.memory_space<vmem>> -> memref<16x128xf32, #tpu.memory_space<vmem>>
    %dma_start3A_98 = arith.constant 0 : i32
    %dma_start3A_99 = tpu.memref_slice %arg6[%dma_start3A_98, %multiple_of3A_73] : memref<16x1000000xf32, #tpu.memory_space<hbm>> -> memref<16x128xf32, #tpu.memory_space<hbm>>
    tpu.enqueue_dma source(%dma_start3A_99 : memref<16x128xf32, #tpu.memory_space<hbm>>) target(%dma_start3A_97 : memref<16x128xf32, #tpu.memory_space<vmem>>) target_semaphore(%arg23 : memref<!tpu.dma_semaphore, #tpu.memory_space<semaphore_mem>>)
    %dma_start3A_100 = arith.constant 1 : i32
    %dma_start3A_101 = arith.constant 0 : i32
    %dma_start3A_102 = arith.constant 0 : i32
    %dma_start3A_103 = tpu.memref_slice %arg14[%dma_start3A_100, %dma_start3A_101, %dma_start3A_102] : memref<8x1x128xf32, #tpu.memory_space<vmem>> -> memref<1x1x128xf32, #tpu.memory_space<vmem>>
    %dma_start3A_104 = tpu.memref_squeeze %dma_start3A_103 : memref<1x1x128xf32, #tpu.memory_space<vmem>> -> memref<1x128xf32, #tpu.memory_space<vmem>>
    %dma_start3A_105 = arith.constant 0 : i32
    %dma_start3A_106 = tpu.memref_slice %arg5[%dma_start3A_105, %multiple_of3A_70] : memref<1x1000000xf32, #tpu.memory_space<hbm>> -> memref<1x128xf32, #tpu.memory_space<hbm>>
    %dma_start3A_107 = arith.constant 0 : i32
    %dma_start3A_108 = arith.constant 0 : i32
    %dma_start3A_109 = tpu.memref_slice %arg14[%dma_start3A_100, %dma_start3A_107, %dma_start3A_108] : memref<8x1x128xf32, #tpu.memory_space<vmem>> -> memref<1x1x128xf32, #tpu.memory_space<vmem>>
    %dma_start3A_110 = tpu.memref_squeeze %dma_start3A_109 : memref<1x1x128xf32, #tpu.memory_space<vmem>> -> memref<1x128xf32, #tpu.memory_space<vmem>>
    %dma_start3A_111 = arith.constant 0 : i32
    %dma_start3A_112 = tpu.memref_slice %arg5[%dma_start3A_111, %multiple_of3A_70] : memref<1x1000000xf32, #tpu.memory_space<hbm>> -> memref<1x128xf32, #tpu.memory_space<hbm>>
    tpu.enqueue_dma source(%dma_start3A_112 : memref<1x128xf32, #tpu.memory_space<hbm>>) target(%dma_start3A_110 : memref<1x128xf32, #tpu.memory_space<vmem>>) target_semaphore(%arg23 : memref<!tpu.dma_semaphore, #tpu.memory_space<semaphore_mem>>)
    %dma_start3A_113 = arith.constant 1 : i32
    %dma_start3A_114 = arith.constant 0 : i32
    %dma_start3A_115 = arith.constant 0 : i32
    %dma_start3A_116 = tpu.memref_slice %arg15[%dma_start3A_113, %dma_start3A_114, %dma_start3A_115] : memref<8x1x128xf32, #tpu.memory_space<vmem>> -> memref<1x1x128xf32, #tpu.memory_space<vmem>>
    %dma_start3A_117 = tpu.memref_squeeze %dma_start3A_116 : memref<1x1x128xf32, #tpu.memory_space<vmem>> -> memref<1x128xf32, #tpu.memory_space<vmem>>
    %dma_start3A_118 = arith.constant 0 : i32
    %dma_start3A_119 = tpu.memref_slice %arg7[%dma_start3A_118, %multiple_of3A_73] : memref<1x1000000xf32, #tpu.memory_space<hbm>> -> memref<1x128xf32, #tpu.memory_space<hbm>>
    %dma_start3A_120 = arith.constant 0 : i32
    %dma_start3A_121 = arith.constant 0 : i32
    %dma_start3A_122 = tpu.memref_slice %arg15[%dma_start3A_113, %dma_start3A_120, %dma_start3A_121] : memref<8x1x128xf32, #tpu.memory_space<vmem>> -> memref<1x1x128xf32, #tpu.memory_space<vmem>>
    %dma_start3A_123 = tpu.memref_squeeze %dma_start3A_122 : memref<1x1x128xf32, #tpu.memory_space<vmem>> -> memref<1x128xf32, #tpu.memory_space<vmem>>
    %dma_start3A_124 = arith.constant 0 : i32
    %dma_start3A_125 = tpu.memref_slice %arg7[%dma_start3A_124, %multiple_of3A_73] : memref<1x1000000xf32, #tpu.memory_space<hbm>> -> memref<1x128xf32, #tpu.memory_space<hbm>>
    tpu.enqueue_dma source(%dma_start3A_125 : memref<1x128xf32, #tpu.memory_space<hbm>>) target(%dma_start3A_123 : memref<1x128xf32, #tpu.memory_space<vmem>>) target_semaphore(%arg23 : memref<!tpu.dma_semaphore, #tpu.memory_space<semaphore_mem>>)
    %slice3A_126 = vector.extract_strided_slice %sub3A {offsets = [2], sizes = [1], strides = [1]} : vector<16xi32> to vector<1xi32>
    %squeeze3A_127 = vector.extract %slice3A_126[0] : i32 from vector<1xi32>
    %multiple_of3A_128 = tpu.assume_multiple %squeeze3A_127, 128 : i32
    %slice3A_129 = vector.extract_strided_slice %sub3A_13 {offsets = [2], sizes = [1], strides = [1]} : vector<16xi32> to vector<1xi32>
    %squeeze3A_130 = vector.extract %slice3A_129[0] : i32 from vector<1xi32>
    %multiple_of3A_131 = tpu.assume_multiple %squeeze3A_130, 128 : i32
    %dma_start3A_132 = arith.constant 2 : i32
    %dma_start3A_133 = arith.constant 0 : i32
    %dma_start3A_134 = arith.constant 0 : i32
    %dma_start3A_135 = tpu.memref_slice %arg12[%dma_start3A_132, %dma_start3A_133, %dma_start3A_134] : memref<8x16x128xf32, #tpu.memory_space<vmem>> -> memref<1x16x128xf32, #tpu.memory_space<vmem>>
    %dma_start3A_136 = tpu.memref_squeeze %dma_start3A_135 : memref<1x16x128xf32, #tpu.memory_space<vmem>> -> memref<16x128xf32, #tpu.memory_space<vmem>>
    %dma_start3A_137 = arith.constant 0 : i32
    %dma_start3A_138 = tpu.memref_slice %arg4[%dma_start3A_137, %multiple_of3A_128] : memref<16x1000000xf32, #tpu.memory_space<hbm>> -> memref<16x128xf32, #tpu.memory_space<hbm>>
    %dma_start3A_139 = arith.constant 0 : i32
    %dma_start3A_140 = arith.constant 0 : i32
    %dma_start3A_141 = tpu.memref_slice %arg12[%dma_start3A_132, %dma_start3A_139, %dma_start3A_140] : memref<8x16x128xf32, #tpu.memory_space<vmem>> -> memref<1x16x128xf32, #tpu.memory_space<vmem>>
    %dma_start3A_142 = tpu.memref_squeeze %dma_start3A_141 : memref<1x16x128xf32, #tpu.memory_space<vmem>> -> memref<16x128xf32, #tpu.memory_space<vmem>>
    %dma_start3A_143 = arith.constant 0 : i32
    %dma_start3A_144 = tpu.memref_slice %arg4[%dma_start3A_143, %multiple_of3A_128] : memref<16x1000000xf32, #tpu.memory_space<hbm>> -> memref<16x128xf32, #tpu.memory_space<hbm>>
    tpu.enqueue_dma source(%dma_start3A_144 : memref<16x128xf32, #tpu.memory_space<hbm>>) target(%dma_start3A_142 : memref<16x128xf32, #tpu.memory_space<vmem>>) target_semaphore(%arg23 : memref<!tpu.dma_semaphore, #tpu.memory_space<semaphore_mem>>)
    %dma_start3A_145 = arith.constant 2 : i32
    %dma_start3A_146 = arith.constant 0 : i32
    %dma_start3A_147 = arith.constant 0 : i32
    %dma_start3A_148 = tpu.memref_slice %arg13[%dma_start3A_145, %dma_start3A_146, %dma_start3A_147] : memref<8x16x128xf32, #tpu.memory_space<vmem>> -> memref<1x16x128xf32, #tpu.memory_space<vmem>>
    %dma_start3A_149 = tpu.memref_squeeze %dma_start3A_148 : memref<1x16x128xf32, #tpu.memory_space<vmem>> -> memref<16x128xf32, #tpu.memory_space<vmem>>
    %dma_start3A_150 = arith.constant 0 : i32
    %dma_start3A_151 = tpu.memref_slice %arg6[%dma_start3A_150, %multiple_of3A_131] : memref<16x1000000xf32, #tpu.memory_space<hbm>> -> memref<16x128xf32, #tpu.memory_space<hbm>>
    %dma_start3A_152 = arith.constant 0 : i32
    %dma_start3A_153 = arith.constant 0 : i32
    %dma_start3A_154 = tpu.memref_slice %arg13[%dma_start3A_145, %dma_start3A_152, %dma_start3A_153] : memref<8x16x128xf32, #tpu.memory_space<vmem>> -> memref<1x16x128xf32, #tpu.memory_space<vmem>>
    %dma_start3A_155 = tpu.memref_squeeze %dma_start3A_154 : memref<1x16x128xf32, #tpu.memory_space<vmem>> -> memref<16x128xf32, #tpu.memory_space<vmem>>
    %dma_start3A_156 = arith.constant 0 : i32
    %dma_start3A_157 = tpu.memref_slice %arg6[%dma_start3A_156, %multiple_of3A_131] : memref<16x1000000xf32, #tpu.memory_space<hbm>> -> memref<16x128xf32, #tpu.memory_space<hbm>>
    tpu.enqueue_dma source(%dma_start3A_157 : memref<16x128xf32, #tpu.memory_space<hbm>>) target(%dma_start3A_155 : memref<16x128xf32, #tpu.memory_space<vmem>>) target_semaphore(%arg23 : memref<!tpu.dma_semaphore, #tpu.memory_space<semaphore_mem>>)
    %dma_start3A_158 = arith.constant 2 : i32
    %dma_start3A_159 = arith.constant 0 : i32
    %dma_start3A_160 = arith.constant 0 : i32
    %dma_start3A_161 = tpu.memref_slice %arg14[%dma_start3A_158, %dma_start3A_159, %dma_start3A_160] : memref<8x1x128xf32, #tpu.memory_space<vmem>> -> memref<1x1x128xf32, #tpu.memory_space<vmem>>
    %dma_start3A_162 = tpu.memref_squeeze %dma_start3A_161 : memref<1x1x128xf32, #tpu.memory_space<vmem>> -> memref<1x128xf32, #tpu.memory_space<vmem>>
    %dma_start3A_163 = arith.constant 0 : i32
    %dma_start3A_164 = tpu.memref_slice %arg5[%dma_start3A_163, %multiple_of3A_128] : memref<1x1000000xf32, #tpu.memory_space<hbm>> -> memref<1x128xf32, #tpu.memory_space<hbm>>
    %dma_start3A_165 = arith.constant 0 : i32
    %dma_start3A_166 = arith.constant 0 : i32
    %dma_start3A_167 = tpu.memref_slice %arg14[%dma_start3A_158, %dma_start3A_165, %dma_start3A_166] : memref<8x1x128xf32, #tpu.memory_space<vmem>> -> memref<1x1x128xf32, #tpu.memory_space<vmem>>
    %dma_start3A_168 = tpu.memref_squeeze %dma_start3A_167 : memref<1x1x128xf32, #tpu.memory_space<vmem>> -> memref<1x128xf32, #tpu.memory_space<vmem>>
    %dma_start3A_169 = arith.constant 0 : i32
    %dma_start3A_170 = tpu.memref_slice %arg5[%dma_start3A_169, %multiple_of3A_128] : memref<1x1000000xf32, #tpu.memory_space<hbm>> -> memref<1x128xf32, #tpu.memory_space<hbm>>
    tpu.enqueue_dma source(%dma_start3A_170 : memref<1x128xf32, #tpu.memory_space<hbm>>) target(%dma_start3A_168 : memref<1x128xf32, #tpu.memory_space<vmem>>) target_semaphore(%arg23 : memref<!tpu.dma_semaphore, #tpu.memory_space<semaphore_mem>>)
    %dma_start3A_171 = arith.constant 2 : i32
    %dma_start3A_172 = arith.constant 0 : i32
    %dma_start3A_173 = arith.constant 0 : i32
    %dma_start3A_174 = tpu.memref_slice %arg15[%dma_start3A_171, %dma_start3A_172, %dma_start3A_173] : memref<8x1x128xf32, #tpu.memory_space<vmem>> -> memref<1x1x128xf32, #tpu.memory_space<vmem>>
    %dma_start3A_175 = tpu.memref_squeeze %dma_start3A_174 : memref<1x1x128xf32, #tpu.memory_space<vmem>> -> memref<1x128xf32, #tpu.memory_space<vmem>>
    %dma_start3A_176 = arith.constant 0 : i32
    %dma_start3A_177 = tpu.memref_slice %arg7[%dma_start3A_176, %multiple_of3A_131] : memref<1x1000000xf32, #tpu.memory_space<hbm>> -> memref<1x128xf32, #tpu.memory_space<hbm>>
    %dma_start3A_178 = arith.constant 0 : i32
    %dma_start3A_179 = arith.constant 0 : i32
    %dma_start3A_180 = tpu.memref_slice %arg15[%dma_start3A_171, %dma_start3A_178, %dma_start3A_179] : memref<8x1x128xf32, #tpu.memory_space<vmem>> -> memref<1x1x128xf32, #tpu.memory_space<vmem>>
    %dma_start3A_181 = tpu.memref_squeeze %dma_start3A_180 : memref<1x1x128xf32, #tpu.memory_space<vmem>> -> memref<1x128xf32, #tpu.memory_space<vmem>>
    %dma_start3A_182 = arith.constant 0 : i32
    %dma_start3A_183 = tpu.memref_slice %arg7[%dma_start3A_182, %multiple_of3A_131] : memref<1x1000000xf32, #tpu.memory_space<hbm>> -> memref<1x128xf32, #tpu.memory_space<hbm>>
    tpu.enqueue_dma source(%dma_start3A_183 : memref<1x128xf32, #tpu.memory_space<hbm>>) target(%dma_start3A_181 : memref<1x128xf32, #tpu.memory_space<vmem>>) target_semaphore(%arg23 : memref<!tpu.dma_semaphore, #tpu.memory_space<semaphore_mem>>)
    %slice3A_184 = vector.extract_strided_slice %sub3A {offsets = [3], sizes = [1], strides = [1]} : vector<16xi32> to vector<1xi32>
    %squeeze3A_185 = vector.extract %slice3A_184[0] : i32 from vector<1xi32>
    %multiple_of3A_186 = tpu.assume_multiple %squeeze3A_185, 128 : i32
    %slice3A_187 = vector.extract_strided_slice %sub3A_13 {offsets = [3], sizes = [1], strides = [1]} : vector<16xi32> to vector<1xi32>
    %squeeze3A_188 = vector.extract %slice3A_187[0] : i32 from vector<1xi32>
    %multiple_of3A_189 = tpu.assume_multiple %squeeze3A_188, 128 : i32
    %dma_start3A_190 = arith.constant 3 : i32
    %dma_start3A_191 = arith.constant 0 : i32
    %dma_start3A_192 = arith.constant 0 : i32
    %dma_start3A_193 = tpu.memref_slice %arg12[%dma_start3A_190, %dma_start3A_191, %dma_start3A_192] : memref<8x16x128xf32, #tpu.memory_space<vmem>> -> memref<1x16x128xf32, #tpu.memory_space<vmem>>
    %dma_start3A_194 = tpu.memref_squeeze %dma_start3A_193 : memref<1x16x128xf32, #tpu.memory_space<vmem>> -> memref<16x128xf32, #tpu.memory_space<vmem>>
    %dma_start3A_195 = arith.constant 0 : i32
    %dma_start3A_196 = tpu.memref_slice %arg4[%dma_start3A_195, %multiple_of3A_186] : memref<16x1000000xf32, #tpu.memory_space<hbm>> -> memref<16x128xf32, #tpu.memory_space<hbm>>
    %dma_start3A_197 = arith.constant 0 : i32
    %dma_start3A_198 = arith.constant 0 : i32
    %dma_start3A_199 = tpu.memref_slice %arg12[%dma_start3A_190, %dma_start3A_197, %dma_start3A_198] : memref<8x16x128xf32, #tpu.memory_space<vmem>> -> memref<1x16x128xf32, #tpu.memory_space<vmem>>
    %dma_start3A_200 = tpu.memref_squeeze %dma_start3A_199 : memref<1x16x128xf32, #tpu.memory_space<vmem>> -> memref<16x128xf32, #tpu.memory_space<vmem>>
    %dma_start3A_201 = arith.constant 0 : i32
    %dma_start3A_202 = tpu.memref_slice %arg4[%dma_start3A_201, %multiple_of3A_186] : memref<16x1000000xf32, #tpu.memory_space<hbm>> -> memref<16x128xf32, #tpu.memory_space<hbm>>
    tpu.enqueue_dma source(%dma_start3A_202 : memref<16x128xf32, #tpu.memory_space<hbm>>) target(%dma_start3A_200 : memref<16x128xf32, #tpu.memory_space<vmem>>) target_semaphore(%arg23 : memref<!tpu.dma_semaphore, #tpu.memory_space<semaphore_mem>>)
    %dma_start3A_203 = arith.constant 3 : i32
    %dma_start3A_204 = arith.constant 0 : i32
    %dma_start3A_205 = arith.constant 0 : i32
    %dma_start3A_206 = tpu.memref_slice %arg13[%dma_start3A_203, %dma_start3A_204, %dma_start3A_205] : memref<8x16x128xf32, #tpu.memory_space<vmem>> -> memref<1x16x128xf32, #tpu.memory_space<vmem>>
    %dma_start3A_207 = tpu.memref_squeeze %dma_start3A_206 : memref<1x16x128xf32, #tpu.memory_space<vmem>> -> memref<16x128xf32, #tpu.memory_space<vmem>>
    %dma_start3A_208 = arith.constant 0 : i32
    %dma_start3A_209 = tpu.memref_slice %arg6[%dma_start3A_208, %multiple_of3A_189] : memref<16x1000000xf32, #tpu.memory_space<hbm>> -> memref<16x128xf32, #tpu.memory_space<hbm>>
    %dma_start3A_210 = arith.constant 0 : i32
    %dma_start3A_211 = arith.constant 0 : i32
    %dma_start3A_212 = tpu.memref_slice %arg13[%dma_start3A_203, %dma_start3A_210, %dma_start3A_211] : memref<8x16x128xf32, #tpu.memory_space<vmem>> -> memref<1x16x128xf32, #tpu.memory_space<vmem>>
    %dma_start3A_213 = tpu.memref_squeeze %dma_start3A_212 : memref<1x16x128xf32, #tpu.memory_space<vmem>> -> memref<16x128xf32, #tpu.memory_space<vmem>>
    %dma_start3A_214 = arith.constant 0 : i32
    %dma_start3A_215 = tpu.memref_slice %arg6[%dma_start3A_214, %multiple_of3A_189] : memref<16x1000000xf32, #tpu.memory_space<hbm>> -> memref<16x128xf32, #tpu.memory_space<hbm>>
    tpu.enqueue_dma source(%dma_start3A_215 : memref<16x128xf32, #tpu.memory_space<hbm>>) target(%dma_start3A_213 : memref<16x128xf32, #tpu.memory_space<vmem>>) target_semaphore(%arg23 : memref<!tpu.dma_semaphore, #tpu.memory_space<semaphore_mem>>)
    %dma_start3A_216 = arith.constant 3 : i32
    %dma_start3A_217 = arith.constant 0 : i32
    %dma_start3A_218 = arith.constant 0 : i32
    %dma_start3A_219 = tpu.memref_slice %arg14[%dma_start3A_216, %dma_start3A_217, %dma_start3A_218] : memref<8x1x128xf32, #tpu.memory_space<vmem>> -> memref<1x1x128xf32, #tpu.memory_space<vmem>>
    %dma_start3A_220 = tpu.memref_squeeze %dma_start3A_219 : memref<1x1x128xf32, #tpu.memory_space<vmem>> -> memref<1x128xf32, #tpu.memory_space<vmem>>
    %dma_start3A_221 = arith.constant 0 : i32
    %dma_start3A_222 = tpu.memref_slice %arg5[%dma_start3A_221, %multiple_of3A_186] : memref<1x1000000xf32, #tpu.memory_space<hbm>> -> memref<1x128xf32, #tpu.memory_space<hbm>>
    %dma_start3A_223 = arith.constant 0 : i32
    %dma_start3A_224 = arith.constant 0 : i32
    %dma_start3A_225 = tpu.memref_slice %arg14[%dma_start3A_216, %dma_start3A_223, %dma_start3A_224] : memref<8x1x128xf32, #tpu.memory_space<vmem>> -> memref<1x1x128xf32, #tpu.memory_space<vmem>>
    %dma_start3A_226 = tpu.memref_squeeze %dma_start3A_225 : memref<1x1x128xf32, #tpu.memory_space<vmem>> -> memref<1x128xf32, #tpu.memory_space<vmem>>
    %dma_start3A_227 = arith.constant 0 : i32
    %dma_start3A_228 = tpu.memref_slice %arg5[%dma_start3A_227, %multiple_of3A_186] : memref<1x1000000xf32, #tpu.memory_space<hbm>> -> memref<1x128xf32, #tpu.memory_space<hbm>>
    tpu.enqueue_dma source(%dma_start3A_228 : memref<1x128xf32, #tpu.memory_space<hbm>>) target(%dma_start3A_226 : memref<1x128xf32, #tpu.memory_space<vmem>>) target_semaphore(%arg23 : memref<!tpu.dma_semaphore, #tpu.memory_space<semaphore_mem>>)
    %dma_start3A_229 = arith.constant 3 : i32
    %dma_start3A_230 = arith.constant 0 : i32
    %dma_start3A_231 = arith.constant 0 : i32
    %dma_start3A_232 = tpu.memref_slice %arg15[%dma_start3A_229, %dma_start3A_230, %dma_start3A_231] : memref<8x1x128xf32, #tpu.memory_space<vmem>> -> memref<1x1x128xf32, #tpu.memory_space<vmem>>
    %dma_start3A_233 = tpu.memref_squeeze %dma_start3A_232 : memref<1x1x128xf32, #tpu.memory_space<vmem>> -> memref<1x128xf32, #tpu.memory_space<vmem>>
    %dma_start3A_234 = arith.constant 0 : i32
    %dma_start3A_235 = tpu.memref_slice %arg7[%dma_start3A_234, %multiple_of3A_189] : memref<1x1000000xf32, #tpu.memory_space<hbm>> -> memref<1x128xf32, #tpu.memory_space<hbm>>
    %dma_start3A_236 = arith.constant 0 : i32
    %dma_start3A_237 = arith.constant 0 : i32
    %dma_start3A_238 = tpu.memref_slice %arg15[%dma_start3A_229, %dma_start3A_236, %dma_start3A_237] : memref<8x1x128xf32, #tpu.memory_space<vmem>> -> memref<1x1x128xf32, #tpu.memory_space<vmem>>
    %dma_start3A_239 = tpu.memref_squeeze %dma_start3A_238 : memref<1x1x128xf32, #tpu.memory_space<vmem>> -> memref<1x128xf32, #tpu.memory_space<vmem>>
    %dma_start3A_240 = arith.constant 0 : i32
    %dma_start3A_241 = tpu.memref_slice %arg7[%dma_start3A_240, %multiple_of3A_189] : memref<1x1000000xf32, #tpu.memory_space<hbm>> -> memref<1x128xf32, #tpu.memory_space<hbm>>
    tpu.enqueue_dma source(%dma_start3A_241 : memref<1x128xf32, #tpu.memory_space<hbm>>) target(%dma_start3A_239 : memref<1x128xf32, #tpu.memory_space<vmem>>) target_semaphore(%arg23 : memref<!tpu.dma_semaphore, #tpu.memory_space<semaphore_mem>>)
    %slice3A_242 = vector.extract_strided_slice %sub3A {offsets = [4], sizes = [1], strides = [1]} : vector<16xi32> to vector<1xi32>
    %squeeze3A_243 = vector.extract %slice3A_242[0] : i32 from vector<1xi32>
    %multiple_of3A_244 = tpu.assume_multiple %squeeze3A_243, 128 : i32
    %slice3A_245 = vector.extract_strided_slice %sub3A_13 {offsets = [4], sizes = [1], strides = [1]} : vector<16xi32> to vector<1xi32>
    %squeeze3A_246 = vector.extract %slice3A_245[0] : i32 from vector<1xi32>
    %multiple_of3A_247 = tpu.assume_multiple %squeeze3A_246, 128 : i32
    %dma_start3A_248 = arith.constant 4 : i32
    %dma_start3A_249 = arith.constant 0 : i32
    %dma_start3A_250 = arith.constant 0 : i32
    %dma_start3A_251 = tpu.memref_slice %arg12[%dma_start3A_248, %dma_start3A_249, %dma_start3A_250] : memref<8x16x128xf32, #tpu.memory_space<vmem>> -> memref<1x16x128xf32, #tpu.memory_space<vmem>>
    %dma_start3A_252 = tpu.memref_squeeze %dma_start3A_251 : memref<1x16x128xf32, #tpu.memory_space<vmem>> -> memref<16x128xf32, #tpu.memory_space<vmem>>
    %dma_start3A_253 = arith.constant 0 : i32
    %dma_start3A_254 = tpu.memref_slice %arg4[%dma_start3A_253, %multiple_of3A_244] : memref<16x1000000xf32, #tpu.memory_space<hbm>> -> memref<16x128xf32, #tpu.memory_space<hbm>>
    %dma_start3A_255 = arith.constant 0 : i32
    %dma_start3A_256 = arith.constant 0 : i32
    %dma_start3A_257 = tpu.memref_slice %arg12[%dma_start3A_248, %dma_start3A_255, %dma_start3A_256] : memref<8x16x128xf32, #tpu.memory_space<vmem>> -> memref<1x16x128xf32, #tpu.memory_space<vmem>>
    %dma_start3A_258 = tpu.memref_squeeze %dma_start3A_257 : memref<1x16x128xf32, #tpu.memory_space<vmem>> -> memref<16x128xf32, #tpu.memory_space<vmem>>
    %dma_start3A_259 = arith.constant 0 : i32
    %dma_start3A_260 = tpu.memref_slice %arg4[%dma_start3A_259, %multiple_of3A_244] : memref<16x1000000xf32, #tpu.memory_space<hbm>> -> memref<16x128xf32, #tpu.memory_space<hbm>>
    tpu.enqueue_dma source(%dma_start3A_260 : memref<16x128xf32, #tpu.memory_space<hbm>>) target(%dma_start3A_258 : memref<16x128xf32, #tpu.memory_space<vmem>>) target_semaphore(%arg23 : memref<!tpu.dma_semaphore, #tpu.memory_space<semaphore_mem>>)
    %dma_start3A_261 = arith.constant 4 : i32
    %dma_start3A_262 = arith.constant 0 : i32
    %dma_start3A_263 = arith.constant 0 : i32
    %dma_start3A_264 = tpu.memref_slice %arg13[%dma_start3A_261, %dma_start3A_262, %dma_start3A_263] : memref<8x16x128xf32, #tpu.memory_space<vmem>> -> memref<1x16x128xf32, #tpu.memory_space<vmem>>
    %dma_start3A_265 = tpu.memref_squeeze %dma_start3A_264 : memref<1x16x128xf32, #tpu.memory_space<vmem>> -> memref<16x128xf32, #tpu.memory_space<vmem>>
    %dma_start3A_266 = arith.constant 0 : i32
    %dma_start3A_267 = tpu.memref_slice %arg6[%dma_start3A_266, %multiple_of3A_247] : memref<16x1000000xf32, #tpu.memory_space<hbm>> -> memref<16x128xf32, #tpu.memory_space<hbm>>
    %dma_start3A_268 = arith.constant 0 : i32
    %dma_start3A_269 = arith.constant 0 : i32
    %dma_start3A_270 = tpu.memref_slice %arg13[%dma_start3A_261, %dma_start3A_268, %dma_start3A_269] : memref<8x16x128xf32, #tpu.memory_space<vmem>> -> memref<1x16x128xf32, #tpu.memory_space<vmem>>
    %dma_start3A_271 = tpu.memref_squeeze %dma_start3A_270 : memref<1x16x128xf32, #tpu.memory_space<vmem>> -> memref<16x128xf32, #tpu.memory_space<vmem>>
    %dma_start3A_272 = arith.constant 0 : i32
    %dma_start3A_273 = tpu.memref_slice %arg6[%dma_start3A_272, %multiple_of3A_247] : memref<16x1000000xf32, #tpu.memory_space<hbm>> -> memref<16x128xf32, #tpu.memory_space<hbm>>
    tpu.enqueue_dma source(%dma_start3A_273 : memref<16x128xf32, #tpu.memory_space<hbm>>) target(%dma_start3A_271 : memref<16x128xf32, #tpu.memory_space<vmem>>) target_semaphore(%arg23 : memref<!tpu.dma_semaphore, #tpu.memory_space<semaphore_mem>>)
    %dma_start3A_274 = arith.constant 4 : i32
    %dma_start3A_275 = arith.constant 0 : i32
    %dma_start3A_276 = arith.constant 0 : i32
    %dma_start3A_277 = tpu.memref_slice %arg14[%dma_start3A_274, %dma_start3A_275, %dma_start3A_276] : memref<8x1x128xf32, #tpu.memory_space<vmem>> -> memref<1x1x128xf32, #tpu.memory_space<vmem>>
    %dma_start3A_278 = tpu.memref_squeeze %dma_start3A_277 : memref<1x1x128xf32, #tpu.memory_space<vmem>> -> memref<1x128xf32, #tpu.memory_space<vmem>>
    %dma_start3A_279 = arith.constant 0 : i32
    %dma_start3A_280 = tpu.memref_slice %arg5[%dma_start3A_279, %multiple_of3A_244] : memref<1x1000000xf32, #tpu.memory_space<hbm>> -> memref<1x128xf32, #tpu.memory_space<hbm>>
    %dma_start3A_281 = arith.constant 0 : i32
    %dma_start3A_282 = arith.constant 0 : i32
    %dma_start3A_283 = tpu.memref_slice %arg14[%dma_start3A_274, %dma_start3A_281, %dma_start3A_282] : memref<8x1x128xf32, #tpu.memory_space<vmem>> -> memref<1x1x128xf32, #tpu.memory_space<vmem>>
    %dma_start3A_284 = tpu.memref_squeeze %dma_start3A_283 : memref<1x1x128xf32, #tpu.memory_space<vmem>> -> memref<1x128xf32, #tpu.memory_space<vmem>>
    %dma_start3A_285 = arith.constant 0 : i32
    %dma_start3A_286 = tpu.memref_slice %arg5[%dma_start3A_285, %multiple_of3A_244] : memref<1x1000000xf32, #tpu.memory_space<hbm>> -> memref<1x128xf32, #tpu.memory_space<hbm>>
    tpu.enqueue_dma source(%dma_start3A_286 : memref<1x128xf32, #tpu.memory_space<hbm>>) target(%dma_start3A_284 : memref<1x128xf32, #tpu.memory_space<vmem>>) target_semaphore(%arg23 : memref<!tpu.dma_semaphore, #tpu.memory_space<semaphore_mem>>)
    %dma_start3A_287 = arith.constant 4 : i32
    %dma_start3A_288 = arith.constant 0 : i32
    %dma_start3A_289 = arith.constant 0 : i32
    %dma_start3A_290 = tpu.memref_slice %arg15[%dma_start3A_287, %dma_start3A_288, %dma_start3A_289] : memref<8x1x128xf32, #tpu.memory_space<vmem>> -> memref<1x1x128xf32, #tpu.memory_space<vmem>>
    %dma_start3A_291 = tpu.memref_squeeze %dma_start3A_290 : memref<1x1x128xf32, #tpu.memory_space<vmem>> -> memref<1x128xf32, #tpu.memory_space<vmem>>
    %dma_start3A_292 = arith.constant 0 : i32
    %dma_start3A_293 = tpu.memref_slice %arg7[%dma_start3A_292, %multiple_of3A_247] : memref<1x1000000xf32, #tpu.memory_space<hbm>> -> memref<1x128xf32, #tpu.memory_space<hbm>>
    %dma_start3A_294 = arith.constant 0 : i32
    %dma_start3A_295 = arith.constant 0 : i32
    %dma_start3A_296 = tpu.memref_slice %arg15[%dma_start3A_287, %dma_start3A_294, %dma_start3A_295] : memref<8x1x128xf32, #tpu.memory_space<vmem>> -> memref<1x1x128xf32, #tpu.memory_space<vmem>>
    %dma_start3A_297 = tpu.memref_squeeze %dma_start3A_296 : memref<1x1x128xf32, #tpu.memory_space<vmem>> -> memref<1x128xf32, #tpu.memory_space<vmem>>
    %dma_start3A_298 = arith.constant 0 : i32
    %dma_start3A_299 = tpu.memref_slice %arg7[%dma_start3A_298, %multiple_of3A_247] : memref<1x1000000xf32, #tpu.memory_space<hbm>> -> memref<1x128xf32, #tpu.memory_space<hbm>>
    tpu.enqueue_dma source(%dma_start3A_299 : memref<1x128xf32, #tpu.memory_space<hbm>>) target(%dma_start3A_297 : memref<1x128xf32, #tpu.memory_space<vmem>>) target_semaphore(%arg23 : memref<!tpu.dma_semaphore, #tpu.memory_space<semaphore_mem>>)
    %slice3A_300 = vector.extract_strided_slice %sub3A {offsets = [5], sizes = [1], strides = [1]} : vector<16xi32> to vector<1xi32>
    %squeeze3A_301 = vector.extract %slice3A_300[0] : i32 from vector<1xi32>
    %multiple_of3A_302 = tpu.assume_multiple %squeeze3A_301, 128 : i32
    %slice3A_303 = vector.extract_strided_slice %sub3A_13 {offsets = [5], sizes = [1], strides = [1]} : vector<16xi32> to vector<1xi32>
    %squeeze3A_304 = vector.extract %slice3A_303[0] : i32 from vector<1xi32>
    %multiple_of3A_305 = tpu.assume_multiple %squeeze3A_304, 128 : i32
    %dma_start3A_306 = arith.constant 5 : i32
    %dma_start3A_307 = arith.constant 0 : i32
    %dma_start3A_308 = arith.constant 0 : i32
    %dma_start3A_309 = tpu.memref_slice %arg12[%dma_start3A_306, %dma_start3A_307, %dma_start3A_308] : memref<8x16x128xf32, #tpu.memory_space<vmem>> -> memref<1x16x128xf32, #tpu.memory_space<vmem>>
    %dma_start3A_310 = tpu.memref_squeeze %dma_start3A_309 : memref<1x16x128xf32, #tpu.memory_space<vmem>> -> memref<16x128xf32, #tpu.memory_space<vmem>>
    %dma_start3A_311 = arith.constant 0 : i32
    %dma_start3A_312 = tpu.memref_slice %arg4[%dma_start3A_311, %multiple_of3A_302] : memref<16x1000000xf32, #tpu.memory_space<hbm>> -> memref<16x128xf32, #tpu.memory_space<hbm>>
    %dma_start3A_313 = arith.constant 0 : i32
    %dma_start3A_314 = arith.constant 0 : i32
    %dma_start3A_315 = tpu.memref_slice %arg12[%dma_start3A_306, %dma_start3A_313, %dma_start3A_314] : memref<8x16x128xf32, #tpu.memory_space<vmem>> -> memref<1x16x128xf32, #tpu.memory_space<vmem>>
    %dma_start3A_316 = tpu.memref_squeeze %dma_start3A_315 : memref<1x16x128xf32, #tpu.memory_space<vmem>> -> memref<16x128xf32, #tpu.memory_space<vmem>>
    %dma_start3A_317 = arith.constant 0 : i32
    %dma_start3A_318 = tpu.memref_slice %arg4[%dma_start3A_317, %multiple_of3A_302] : memref<16x1000000xf32, #tpu.memory_space<hbm>> -> memref<16x128xf32, #tpu.memory_space<hbm>>
    tpu.enqueue_dma source(%dma_start3A_318 : memref<16x128xf32, #tpu.memory_space<hbm>>) target(%dma_start3A_316 : memref<16x128xf32, #tpu.memory_space<vmem>>) target_semaphore(%arg23 : memref<!tpu.dma_semaphore, #tpu.memory_space<semaphore_mem>>)
    %dma_start3A_319 = arith.constant 5 : i32
    %dma_start3A_320 = arith.constant 0 : i32
    %dma_start3A_321 = arith.constant 0 : i32
    %dma_start3A_322 = tpu.memref_slice %arg13[%dma_start3A_319, %dma_start3A_320, %dma_start3A_321] : memref<8x16x128xf32, #tpu.memory_space<vmem>> -> memref<1x16x128xf32, #tpu.memory_space<vmem>>
    %dma_start3A_323 = tpu.memref_squeeze %dma_start3A_322 : memref<1x16x128xf32, #tpu.memory_space<vmem>> -> memref<16x128xf32, #tpu.memory_space<vmem>>
    %dma_start3A_324 = arith.constant 0 : i32
    %dma_start3A_325 = tpu.memref_slice %arg6[%dma_start3A_324, %multiple_of3A_305] : memref<16x1000000xf32, #tpu.memory_space<hbm>> -> memref<16x128xf32, #tpu.memory_space<hbm>>
    %dma_start3A_326 = arith.constant 0 : i32
    %dma_start3A_327 = arith.constant 0 : i32
    %dma_start3A_328 = tpu.memref_slice %arg13[%dma_start3A_319, %dma_start3A_326, %dma_start3A_327] : memref<8x16x128xf32, #tpu.memory_space<vmem>> -> memref<1x16x128xf32, #tpu.memory_space<vmem>>
    %dma_start3A_329 = tpu.memref_squeeze %dma_start3A_328 : memref<1x16x128xf32, #tpu.memory_space<vmem>> -> memref<16x128xf32, #tpu.memory_space<vmem>>
    %dma_start3A_330 = arith.constant 0 : i32
    %dma_start3A_331 = tpu.memref_slice %arg6[%dma_start3A_330, %multiple_of3A_305] : memref<16x1000000xf32, #tpu.memory_space<hbm>> -> memref<16x128xf32, #tpu.memory_space<hbm>>
    tpu.enqueue_dma source(%dma_start3A_331 : memref<16x128xf32, #tpu.memory_space<hbm>>) target(%dma_start3A_329 : memref<16x128xf32, #tpu.memory_space<vmem>>) target_semaphore(%arg23 : memref<!tpu.dma_semaphore, #tpu.memory_space<semaphore_mem>>)
    %dma_start3A_332 = arith.constant 5 : i32
    %dma_start3A_333 = arith.constant 0 : i32
    %dma_start3A_334 = arith.constant 0 : i32
    %dma_start3A_335 = tpu.memref_slice %arg14[%dma_start3A_332, %dma_start3A_333, %dma_start3A_334] : memref<8x1x128xf32, #tpu.memory_space<vmem>> -> memref<1x1x128xf32, #tpu.memory_space<vmem>>
    %dma_start3A_336 = tpu.memref_squeeze %dma_start3A_335 : memref<1x1x128xf32, #tpu.memory_space<vmem>> -> memref<1x128xf32, #tpu.memory_space<vmem>>
    %dma_start3A_337 = arith.constant 0 : i32
    %dma_start3A_338 = tpu.memref_slice %arg5[%dma_start3A_337, %multiple_of3A_302] : memref<1x1000000xf32, #tpu.memory_space<hbm>> -> memref<1x128xf32, #tpu.memory_space<hbm>>
    %dma_start3A_339 = arith.constant 0 : i32
    %dma_start3A_340 = arith.constant 0 : i32
    %dma_start3A_341 = tpu.memref_slice %arg14[%dma_start3A_332, %dma_start3A_339, %dma_start3A_340] : memref<8x1x128xf32, #tpu.memory_space<vmem>> -> memref<1x1x128xf32, #tpu.memory_space<vmem>>
    %dma_start3A_342 = tpu.memref_squeeze %dma_start3A_341 : memref<1x1x128xf32, #tpu.memory_space<vmem>> -> memref<1x128xf32, #tpu.memory_space<vmem>>
    %dma_start3A_343 = arith.constant 0 : i32
    %dma_start3A_344 = tpu.memref_slice %arg5[%dma_start3A_343, %multiple_of3A_302] : memref<1x1000000xf32, #tpu.memory_space<hbm>> -> memref<1x128xf32, #tpu.memory_space<hbm>>
    tpu.enqueue_dma source(%dma_start3A_344 : memref<1x128xf32, #tpu.memory_space<hbm>>) target(%dma_start3A_342 : memref<1x128xf32, #tpu.memory_space<vmem>>) target_semaphore(%arg23 : memref<!tpu.dma_semaphore, #tpu.memory_space<semaphore_mem>>)
    %dma_start3A_345 = arith.constant 5 : i32
    %dma_start3A_346 = arith.constant 0 : i32
    %dma_start3A_347 = arith.constant 0 : i32
    %dma_start3A_348 = tpu.memref_slice %arg15[%dma_start3A_345, %dma_start3A_346, %dma_start3A_347] : memref<8x1x128xf32, #tpu.memory_space<vmem>> -> memref<1x1x128xf32, #tpu.memory_space<vmem>>
    %dma_start3A_349 = tpu.memref_squeeze %dma_start3A_348 : memref<1x1x128xf32, #tpu.memory_space<vmem>> -> memref<1x128xf32, #tpu.memory_space<vmem>>
    %dma_start3A_350 = arith.constant 0 : i32
    %dma_start3A_351 = tpu.memref_slice %arg7[%dma_start3A_350, %multiple_of3A_305] : memref<1x1000000xf32, #tpu.memory_space<hbm>> -> memref<1x128xf32, #tpu.memory_space<hbm>>
    %dma_start3A_352 = arith.constant 0 : i32
    %dma_start3A_353 = arith.constant 0 : i32
    %dma_start3A_354 = tpu.memref_slice %arg15[%dma_start3A_345, %dma_start3A_352, %dma_start3A_353] : memref<8x1x128xf32, #tpu.memory_space<vmem>> -> memref<1x1x128xf32, #tpu.memory_space<vmem>>
    %dma_start3A_355 = tpu.memref_squeeze %dma_start3A_354 : memref<1x1x128xf32, #tpu.memory_space<vmem>> -> memref<1x128xf32, #tpu.memory_space<vmem>>
    %dma_start3A_356 = arith.constant 0 : i32
    %dma_start3A_357 = tpu.memref_slice %arg7[%dma_start3A_356, %multiple_of3A_305] : memref<1x1000000xf32, #tpu.memory_space<hbm>> -> memref<1x128xf32, #tpu.memory_space<hbm>>
    tpu.enqueue_dma source(%dma_start3A_357 : memref<1x128xf32, #tpu.memory_space<hbm>>) target(%dma_start3A_355 : memref<1x128xf32, #tpu.memory_space<vmem>>) target_semaphore(%arg23 : memref<!tpu.dma_semaphore, #tpu.memory_space<semaphore_mem>>)
    %slice3A_358 = vector.extract_strided_slice %sub3A {offsets = [6], sizes = [1], strides = [1]} : vector<16xi32> to vector<1xi32>
    %squeeze3A_359 = vector.extract %slice3A_358[0] : i32 from vector<1xi32>
    %multiple_of3A_360 = tpu.assume_multiple %squeeze3A_359, 128 : i32
    %slice3A_361 = vector.extract_strided_slice %sub3A_13 {offsets = [6], sizes = [1], strides = [1]} : vector<16xi32> to vector<1xi32>
    %squeeze3A_362 = vector.extract %slice3A_361[0] : i32 from vector<1xi32>
    %multiple_of3A_363 = tpu.assume_multiple %squeeze3A_362, 128 : i32
    %dma_start3A_364 = arith.constant 6 : i32
    %dma_start3A_365 = arith.constant 0 : i32
    %dma_start3A_366 = arith.constant 0 : i32
    %dma_start3A_367 = tpu.memref_slice %arg12[%dma_start3A_364, %dma_start3A_365, %dma_start3A_366] : memref<8x16x128xf32, #tpu.memory_space<vmem>> -> memref<1x16x128xf32, #tpu.memory_space<vmem>>
    %dma_start3A_368 = tpu.memref_squeeze %dma_start3A_367 : memref<1x16x128xf32, #tpu.memory_space<vmem>> -> memref<16x128xf32, #tpu.memory_space<vmem>>
    %dma_start3A_369 = arith.constant 0 : i32
    %dma_start3A_370 = tpu.memref_slice %arg4[%dma_start3A_369, %multiple_of3A_360] : memref<16x1000000xf32, #tpu.memory_space<hbm>> -> memref<16x128xf32, #tpu.memory_space<hbm>>
    %dma_start3A_371 = arith.constant 0 : i32
    %dma_start3A_372 = arith.constant 0 : i32
    %dma_start3A_373 = tpu.memref_slice %arg12[%dma_start3A_364, %dma_start3A_371, %dma_start3A_372] : memref<8x16x128xf32, #tpu.memory_space<vmem>> -> memref<1x16x128xf32, #tpu.memory_space<vmem>>
    %dma_start3A_374 = tpu.memref_squeeze %dma_start3A_373 : memref<1x16x128xf32, #tpu.memory_space<vmem>> -> memref<16x128xf32, #tpu.memory_space<vmem>>
    %dma_start3A_375 = arith.constant 0 : i32
    %dma_start3A_376 = tpu.memref_slice %arg4[%dma_start3A_375, %multiple_of3A_360] : memref<16x1000000xf32, #tpu.memory_space<hbm>> -> memref<16x128xf32, #tpu.memory_space<hbm>>
    tpu.enqueue_dma source(%dma_start3A_376 : memref<16x128xf32, #tpu.memory_space<hbm>>) target(%dma_start3A_374 : memref<16x128xf32, #tpu.memory_space<vmem>>) target_semaphore(%arg23 : memref<!tpu.dma_semaphore, #tpu.memory_space<semaphore_mem>>)
    %dma_start3A_377 = arith.constant 6 : i32
    %dma_start3A_378 = arith.constant 0 : i32
    %dma_start3A_379 = arith.constant 0 : i32
    %dma_start3A_380 = tpu.memref_slice %arg13[%dma_start3A_377, %dma_start3A_378, %dma_start3A_379] : memref<8x16x128xf32, #tpu.memory_space<vmem>> -> memref<1x16x128xf32, #tpu.memory_space<vmem>>
    %dma_start3A_381 = tpu.memref_squeeze %dma_start3A_380 : memref<1x16x128xf32, #tpu.memory_space<vmem>> -> memref<16x128xf32, #tpu.memory_space<vmem>>
    %dma_start3A_382 = arith.constant 0 : i32
    %dma_start3A_383 = tpu.memref_slice %arg6[%dma_start3A_382, %multiple_of3A_363] : memref<16x1000000xf32, #tpu.memory_space<hbm>> -> memref<16x128xf32, #tpu.memory_space<hbm>>
    %dma_start3A_384 = arith.constant 0 : i32
    %dma_start3A_385 = arith.constant 0 : i32
    %dma_start3A_386 = tpu.memref_slice %arg13[%dma_start3A_377, %dma_start3A_384, %dma_start3A_385] : memref<8x16x128xf32, #tpu.memory_space<vmem>> -> memref<1x16x128xf32, #tpu.memory_space<vmem>>
    %dma_start3A_387 = tpu.memref_squeeze %dma_start3A_386 : memref<1x16x128xf32, #tpu.memory_space<vmem>> -> memref<16x128xf32, #tpu.memory_space<vmem>>
    %dma_start3A_388 = arith.constant 0 : i32
    %dma_start3A_389 = tpu.memref_slice %arg6[%dma_start3A_388, %multiple_of3A_363] : memref<16x1000000xf32, #tpu.memory_space<hbm>> -> memref<16x128xf32, #tpu.memory_space<hbm>>
    tpu.enqueue_dma source(%dma_start3A_389 : memref<16x128xf32, #tpu.memory_space<hbm>>) target(%dma_start3A_387 : memref<16x128xf32, #tpu.memory_space<vmem>>) target_semaphore(%arg23 : memref<!tpu.dma_semaphore, #tpu.memory_space<semaphore_mem>>)
    %dma_start3A_390 = arith.constant 6 : i32
    %dma_start3A_391 = arith.constant 0 : i32
    %dma_start3A_392 = arith.constant 0 : i32
    %dma_start3A_393 = tpu.memref_slice %arg14[%dma_start3A_390, %dma_start3A_391, %dma_start3A_392] : memref<8x1x128xf32, #tpu.memory_space<vmem>> -> memref<1x1x128xf32, #tpu.memory_space<vmem>>
    %dma_start3A_394 = tpu.memref_squeeze %dma_start3A_393 : memref<1x1x128xf32, #tpu.memory_space<vmem>> -> memref<1x128xf32, #tpu.memory_space<vmem>>
    %dma_start3A_395 = arith.constant 0 : i32
    %dma_start3A_396 = tpu.memref_slice %arg5[%dma_start3A_395, %multiple_of3A_360] : memref<1x1000000xf32, #tpu.memory_space<hbm>> -> memref<1x128xf32, #tpu.memory_space<hbm>>
    %dma_start3A_397 = arith.constant 0 : i32
    %dma_start3A_398 = arith.constant 0 : i32
    %dma_start3A_399 = tpu.memref_slice %arg14[%dma_start3A_390, %dma_start3A_397, %dma_start3A_398] : memref<8x1x128xf32, #tpu.memory_space<vmem>> -> memref<1x1x128xf32, #tpu.memory_space<vmem>>
    %dma_start3A_400 = tpu.memref_squeeze %dma_start3A_399 : memref<1x1x128xf32, #tpu.memory_space<vmem>> -> memref<1x128xf32, #tpu.memory_space<vmem>>
    %dma_start3A_401 = arith.constant 0 : i32
    %dma_start3A_402 = tpu.memref_slice %arg5[%dma_start3A_401, %multiple_of3A_360] : memref<1x1000000xf32, #tpu.memory_space<hbm>> -> memref<1x128xf32, #tpu.memory_space<hbm>>
    tpu.enqueue_dma source(%dma_start3A_402 : memref<1x128xf32, #tpu.memory_space<hbm>>) target(%dma_start3A_400 : memref<1x128xf32, #tpu.memory_space<vmem>>) target_semaphore(%arg23 : memref<!tpu.dma_semaphore, #tpu.memory_space<semaphore_mem>>)
    %dma_start3A_403 = arith.constant 6 : i32
    %dma_start3A_404 = arith.constant 0 : i32
    %dma_start3A_405 = arith.constant 0 : i32
    %dma_start3A_406 = tpu.memref_slice %arg15[%dma_start3A_403, %dma_start3A_404, %dma_start3A_405] : memref<8x1x128xf32, #tpu.memory_space<vmem>> -> memref<1x1x128xf32, #tpu.memory_space<vmem>>
    %dma_start3A_407 = tpu.memref_squeeze %dma_start3A_406 : memref<1x1x128xf32, #tpu.memory_space<vmem>> -> memref<1x128xf32, #tpu.memory_space<vmem>>
    %dma_start3A_408 = arith.constant 0 : i32
    %dma_start3A_409 = tpu.memref_slice %arg7[%dma_start3A_408, %multiple_of3A_363] : memref<1x1000000xf32, #tpu.memory_space<hbm>> -> memref<1x128xf32, #tpu.memory_space<hbm>>
    %dma_start3A_410 = arith.constant 0 : i32
    %dma_start3A_411 = arith.constant 0 : i32
    %dma_start3A_412 = tpu.memref_slice %arg15[%dma_start3A_403, %dma_start3A_410, %dma_start3A_411] : memref<8x1x128xf32, #tpu.memory_space<vmem>> -> memref<1x1x128xf32, #tpu.memory_space<vmem>>
    %dma_start3A_413 = tpu.memref_squeeze %dma_start3A_412 : memref<1x1x128xf32, #tpu.memory_space<vmem>> -> memref<1x128xf32, #tpu.memory_space<vmem>>
    %dma_start3A_414 = arith.constant 0 : i32
    %dma_start3A_415 = tpu.memref_slice %arg7[%dma_start3A_414, %multiple_of3A_363] : memref<1x1000000xf32, #tpu.memory_space<hbm>> -> memref<1x128xf32, #tpu.memory_space<hbm>>
    tpu.enqueue_dma source(%dma_start3A_415 : memref<1x128xf32, #tpu.memory_space<hbm>>) target(%dma_start3A_413 : memref<1x128xf32, #tpu.memory_space<vmem>>) target_semaphore(%arg23 : memref<!tpu.dma_semaphore, #tpu.memory_space<semaphore_mem>>)
    %slice3A_416 = vector.extract_strided_slice %sub3A {offsets = [7], sizes = [1], strides = [1]} : vector<16xi32> to vector<1xi32>
    %squeeze3A_417 = vector.extract %slice3A_416[0] : i32 from vector<1xi32>
    %multiple_of3A_418 = tpu.assume_multiple %squeeze3A_417, 128 : i32
    %slice3A_419 = vector.extract_strided_slice %sub3A_13 {offsets = [7], sizes = [1], strides = [1]} : vector<16xi32> to vector<1xi32>
    %squeeze3A_420 = vector.extract %slice3A_419[0] : i32 from vector<1xi32>
    %multiple_of3A_421 = tpu.assume_multiple %squeeze3A_420, 128 : i32
    %dma_start3A_422 = arith.constant 7 : i32
    %dma_start3A_423 = arith.constant 0 : i32
    %dma_start3A_424 = arith.constant 0 : i32
    %dma_start3A_425 = tpu.memref_slice %arg12[%dma_start3A_422, %dma_start3A_423, %dma_start3A_424] : memref<8x16x128xf32, #tpu.memory_space<vmem>> -> memref<1x16x128xf32, #tpu.memory_space<vmem>>
    %dma_start3A_426 = tpu.memref_squeeze %dma_start3A_425 : memref<1x16x128xf32, #tpu.memory_space<vmem>> -> memref<16x128xf32, #tpu.memory_space<vmem>>
    %dma_start3A_427 = arith.constant 0 : i32
    %dma_start3A_428 = tpu.memref_slice %arg4[%dma_start3A_427, %multiple_of3A_418] : memref<16x1000000xf32, #tpu.memory_space<hbm>> -> memref<16x128xf32, #tpu.memory_space<hbm>>
    %dma_start3A_429 = arith.constant 0 : i32
    %dma_start3A_430 = arith.constant 0 : i32
    %dma_start3A_431 = tpu.memref_slice %arg12[%dma_start3A_422, %dma_start3A_429, %dma_start3A_430] : memref<8x16x128xf32, #tpu.memory_space<vmem>> -> memref<1x16x128xf32, #tpu.memory_space<vmem>>
    %dma_start3A_432 = tpu.memref_squeeze %dma_start3A_431 : memref<1x16x128xf32, #tpu.memory_space<vmem>> -> memref<16x128xf32, #tpu.memory_space<vmem>>
    %dma_start3A_433 = arith.constant 0 : i32
    %dma_start3A_434 = tpu.memref_slice %arg4[%dma_start3A_433, %multiple_of3A_418] : memref<16x1000000xf32, #tpu.memory_space<hbm>> -> memref<16x128xf32, #tpu.memory_space<hbm>>
    tpu.enqueue_dma source(%dma_start3A_434 : memref<16x128xf32, #tpu.memory_space<hbm>>) target(%dma_start3A_432 : memref<16x128xf32, #tpu.memory_space<vmem>>) target_semaphore(%arg23 : memref<!tpu.dma_semaphore, #tpu.memory_space<semaphore_mem>>)
    %dma_start3A_435 = arith.constant 7 : i32
    %dma_start3A_436 = arith.constant 0 : i32
    %dma_start3A_437 = arith.constant 0 : i32
    %dma_start3A_438 = tpu.memref_slice %arg13[%dma_start3A_435, %dma_start3A_436, %dma_start3A_437] : memref<8x16x128xf32, #tpu.memory_space<vmem>> -> memref<1x16x128xf32, #tpu.memory_space<vmem>>
    %dma_start3A_439 = tpu.memref_squeeze %dma_start3A_438 : memref<1x16x128xf32, #tpu.memory_space<vmem>> -> memref<16x128xf32, #tpu.memory_space<vmem>>
    %dma_start3A_440 = arith.constant 0 : i32
    %dma_start3A_441 = tpu.memref_slice %arg6[%dma_start3A_440, %multiple_of3A_421] : memref<16x1000000xf32, #tpu.memory_space<hbm>> -> memref<16x128xf32, #tpu.memory_space<hbm>>
    %dma_start3A_442 = arith.constant 0 : i32
    %dma_start3A_443 = arith.constant 0 : i32
    %dma_start3A_444 = tpu.memref_slice %arg13[%dma_start3A_435, %dma_start3A_442, %dma_start3A_443] : memref<8x16x128xf32, #tpu.memory_space<vmem>> -> memref<1x16x128xf32, #tpu.memory_space<vmem>>
    %dma_start3A_445 = tpu.memref_squeeze %dma_start3A_444 : memref<1x16x128xf32, #tpu.memory_space<vmem>> -> memref<16x128xf32, #tpu.memory_space<vmem>>
    %dma_start3A_446 = arith.constant 0 : i32
    %dma_start3A_447 = tpu.memref_slice %arg6[%dma_start3A_446, %multiple_of3A_421] : memref<16x1000000xf32, #tpu.memory_space<hbm>> -> memref<16x128xf32, #tpu.memory_space<hbm>>
    tpu.enqueue_dma source(%dma_start3A_447 : memref<16x128xf32, #tpu.memory_space<hbm>>) target(%dma_start3A_445 : memref<16x128xf32, #tpu.memory_space<vmem>>) target_semaphore(%arg23 : memref<!tpu.dma_semaphore, #tpu.memory_space<semaphore_mem>>)
    %dma_start3A_448 = arith.constant 7 : i32
    %dma_start3A_449 = arith.constant 0 : i32
    %dma_start3A_450 = arith.constant 0 : i32
    %dma_start3A_451 = tpu.memref_slice %arg14[%dma_start3A_448, %dma_start3A_449, %dma_start3A_450] : memref<8x1x128xf32, #tpu.memory_space<vmem>> -> memref<1x1x128xf32, #tpu.memory_space<vmem>>
    %dma_start3A_452 = tpu.memref_squeeze %dma_start3A_451 : memref<1x1x128xf32, #tpu.memory_space<vmem>> -> memref<1x128xf32, #tpu.memory_space<vmem>>
    %dma_start3A_453 = arith.constant 0 : i32
    %dma_start3A_454 = tpu.memref_slice %arg5[%dma_start3A_453, %multiple_of3A_418] : memref<1x1000000xf32, #tpu.memory_space<hbm>> -> memref<1x128xf32, #tpu.memory_space<hbm>>
    %dma_start3A_455 = arith.constant 0 : i32
    %dma_start3A_456 = arith.constant 0 : i32
    %dma_start3A_457 = tpu.memref_slice %arg14[%dma_start3A_448, %dma_start3A_455, %dma_start3A_456] : memref<8x1x128xf32, #tpu.memory_space<vmem>> -> memref<1x1x128xf32, #tpu.memory_space<vmem>>
    %dma_start3A_458 = tpu.memref_squeeze %dma_start3A_457 : memref<1x1x128xf32, #tpu.memory_space<vmem>> -> memref<1x128xf32, #tpu.memory_space<vmem>>
    %dma_start3A_459 = arith.constant 0 : i32
    %dma_start3A_460 = tpu.memref_slice %arg5[%dma_start3A_459, %multiple_of3A_418] : memref<1x1000000xf32, #tpu.memory_space<hbm>> -> memref<1x128xf32, #tpu.memory_space<hbm>>
    tpu.enqueue_dma source(%dma_start3A_460 : memref<1x128xf32, #tpu.memory_space<hbm>>) target(%dma_start3A_458 : memref<1x128xf32, #tpu.memory_space<vmem>>) target_semaphore(%arg23 : memref<!tpu.dma_semaphore, #tpu.memory_space<semaphore_mem>>)
    %dma_start3A_461 = arith.constant 7 : i32
    %dma_start3A_462 = arith.constant 0 : i32
    %dma_start3A_463 = arith.constant 0 : i32
    %dma_start3A_464 = tpu.memref_slice %arg15[%dma_start3A_461, %dma_start3A_462, %dma_start3A_463] : memref<8x1x128xf32, #tpu.memory_space<vmem>> -> memref<1x1x128xf32, #tpu.memory_space<vmem>>
    %dma_start3A_465 = tpu.memref_squeeze %dma_start3A_464 : memref<1x1x128xf32, #tpu.memory_space<vmem>> -> memref<1x128xf32, #tpu.memory_space<vmem>>
    %dma_start3A_466 = arith.constant 0 : i32
    %dma_start3A_467 = tpu.memref_slice %arg7[%dma_start3A_466, %multiple_of3A_421] : memref<1x1000000xf32, #tpu.memory_space<hbm>> -> memref<1x128xf32, #tpu.memory_space<hbm>>
    %dma_start3A_468 = arith.constant 0 : i32
    %dma_start3A_469 = arith.constant 0 : i32
    %dma_start3A_470 = tpu.memref_slice %arg15[%dma_start3A_461, %dma_start3A_468, %dma_start3A_469] : memref<8x1x128xf32, #tpu.memory_space<vmem>> -> memref<1x1x128xf32, #tpu.memory_space<vmem>>
    %dma_start3A_471 = tpu.memref_squeeze %dma_start3A_470 : memref<1x1x128xf32, #tpu.memory_space<vmem>> -> memref<1x128xf32, #tpu.memory_space<vmem>>
    %dma_start3A_472 = arith.constant 0 : i32
    %dma_start3A_473 = tpu.memref_slice %arg7[%dma_start3A_472, %multiple_of3A_421] : memref<1x1000000xf32, #tpu.memory_space<hbm>> -> memref<1x128xf32, #tpu.memory_space<hbm>>
    tpu.enqueue_dma source(%dma_start3A_473 : memref<1x128xf32, #tpu.memory_space<hbm>>) target(%dma_start3A_471 : memref<1x128xf32, #tpu.memory_space<vmem>>) target_semaphore(%arg23 : memref<!tpu.dma_semaphore, #tpu.memory_space<semaphore_mem>>)
    %scan3A = arith.constant 0 : i32
    %scan3A_474 = arith.constant 0 : i32
    %scan3A_475 = arith.constant 32 : i32
    %scan3A_476 = arith.addi %scan3A_474, %scan3A_475 : i32
    %scan3A_477 = arith.constant 1 : i32
    scf.for %scan3A_479 = %scan3A_474 to %scan3A_476 step %scan3A_477  : i32 {
      %mul3A_480 = arith.constant 16 : i32
      %mul3A_481 = arith.muli %scan3A_479, %mul3A_480 : i32
      %get3A_482 = arith.index_cast %mul3A_481 : i32 to index
      %get3A_483 = tpu.vector_load %arg10[%get3A_482] {strides = array<i32>} : memref<512xi32, #tpu.memory_space<vmem>>, vector<16xi32>,
      %mul3A_484 = arith.constant 16 : i32
      %mul3A_485 = arith.muli %scan3A_479, %mul3A_484 : i32
      %get3A_486 = arith.index_cast %mul3A_485 : i32 to index
      %get3A_487 = tpu.vector_load %arg11[%get3A_486] {strides = array<i32>} : memref<512xi32, #tpu.memory_space<vmem>>, vector<16xi32>,
      %and3A_488 = arith.constant 127 : i32
      %and3A_489 = vector.broadcast %and3A_488 : i32 to vector<16xi32>
      %and3A_490 = arith.andi %get3A_483, %and3A_489 : vector<16xi32>
      %sub3A_491 = arith.subi %get3A_483, %and3A_490 : vector<16xi32>
      %and3A_492 = arith.constant 127 : i32
      %and3A_493 = vector.broadcast %and3A_492 : i32 to vector<16xi32>
      %and3A_494 = arith.andi %get3A_487, %and3A_493 : vector<16xi32>
      %sub3A_495 = arith.subi %get3A_487, %and3A_494 : vector<16xi32>
      %slice3A_496 = vector.extract_strided_slice %sub3A_491 {offsets = [8], sizes = [1], strides = [1]} : vector<16xi32> to vector<1xi32>
      %squeeze3A_497 = vector.extract %slice3A_496[0] : i32 from vector<1xi32>
      %multiple_of3A_498 = tpu.assume_multiple %squeeze3A_497, 128 : i32
      %slice3A_499 = vector.extract_strided_slice %sub3A_495 {offsets = [8], sizes = [1], strides = [1]} : vector<16xi32> to vector<1xi32>
      %squeeze3A_500 = vector.extract %slice3A_499[0] : i32 from vector<1xi32>
      %multiple_of3A_501 = tpu.assume_multiple %squeeze3A_500, 128 : i32
      %dma_start3A_502 = arith.constant 0 : i32
      %dma_start3A_503 = arith.constant 0 : i32
      %dma_start3A_504 = arith.constant 0 : i32
      %dma_start3A_505 = tpu.memref_slice %arg16[%dma_start3A_502, %dma_start3A_503, %dma_start3A_504] : memref<8x16x128xf32, #tpu.memory_space<vmem>> -> memref<1x16x128xf32, #tpu.memory_space<vmem>>
      %dma_start3A_506 = tpu.memref_squeeze %dma_start3A_505 : memref<1x16x128xf32, #tpu.memory_space<vmem>> -> memref<16x128xf32, #tpu.memory_space<vmem>>
      %dma_start3A_507 = arith.constant 0 : i32
      %dma_start3A_508 = tpu.memref_slice %arg4[%dma_start3A_507, %multiple_of3A_498] : memref<16x1000000xf32, #tpu.memory_space<hbm>> -> memref<16x128xf32, #tpu.memory_space<hbm>>
      %dma_start3A_509 = arith.constant 0 : i32
      %dma_start3A_510 = arith.constant 0 : i32
      %dma_start3A_511 = tpu.memref_slice %arg16[%dma_start3A_502, %dma_start3A_509, %dma_start3A_510] : memref<8x16x128xf32, #tpu.memory_space<vmem>> -> memref<1x16x128xf32, #tpu.memory_space<vmem>>
      %dma_start3A_512 = tpu.memref_squeeze %dma_start3A_511 : memref<1x16x128xf32, #tpu.memory_space<vmem>> -> memref<16x128xf32, #tpu.memory_space<vmem>>
      %dma_start3A_513 = arith.constant 0 : i32
      %dma_start3A_514 = tpu.memref_slice %arg4[%dma_start3A_513, %multiple_of3A_498] : memref<16x1000000xf32, #tpu.memory_space<hbm>> -> memref<16x128xf32, #tpu.memory_space<hbm>>
      tpu.enqueue_dma source(%dma_start3A_514 : memref<16x128xf32, #tpu.memory_space<hbm>>) target(%dma_start3A_512 : memref<16x128xf32, #tpu.memory_space<vmem>>) target_semaphore(%arg24 : memref<!tpu.dma_semaphore, #tpu.memory_space<semaphore_mem>>)
      %dma_start3A_515 = arith.constant 0 : i32
      %dma_start3A_516 = arith.constant 0 : i32
      %dma_start3A_517 = arith.constant 0 : i32
      %dma_start3A_518 = tpu.memref_slice %arg17[%dma_start3A_515, %dma_start3A_516, %dma_start3A_517] : memref<8x16x128xf32, #tpu.memory_space<vmem>> -> memref<1x16x128xf32, #tpu.memory_space<vmem>>
      %dma_start3A_519 = tpu.memref_squeeze %dma_start3A_518 : memref<1x16x128xf32, #tpu.memory_space<vmem>> -> memref<16x128xf32, #tpu.memory_space<vmem>>
      %dma_start3A_520 = arith.constant 0 : i32
      %dma_start3A_521 = tpu.memref_slice %arg6[%dma_start3A_520, %multiple_of3A_501] : memref<16x1000000xf32, #tpu.memory_space<hbm>> -> memref<16x128xf32, #tpu.memory_space<hbm>>
      %dma_start3A_522 = arith.constant 0 : i32
      %dma_start3A_523 = arith.constant 0 : i32
      %dma_start3A_524 = tpu.memref_slice %arg17[%dma_start3A_515, %dma_start3A_522, %dma_start3A_523] : memref<8x16x128xf32, #tpu.memory_space<vmem>> -> memref<1x16x128xf32, #tpu.memory_space<vmem>>
      %dma_start3A_525 = tpu.memref_squeeze %dma_start3A_524 : memref<1x16x128xf32, #tpu.memory_space<vmem>> -> memref<16x128xf32, #tpu.memory_space<vmem>>
      %dma_start3A_526 = arith.constant 0 : i32
      %dma_start3A_527 = tpu.memref_slice %arg6[%dma_start3A_526, %multiple_of3A_501] : memref<16x1000000xf32, #tpu.memory_space<hbm>> -> memref<16x128xf32, #tpu.memory_space<hbm>>
      tpu.enqueue_dma source(%dma_start3A_527 : memref<16x128xf32, #tpu.memory_space<hbm>>) target(%dma_start3A_525 : memref<16x128xf32, #tpu.memory_space<vmem>>) target_semaphore(%arg24 : memref<!tpu.dma_semaphore, #tpu.memory_space<semaphore_mem>>)
      %dma_start3A_528 = arith.constant 0 : i32
      %dma_start3A_529 = arith.constant 0 : i32
      %dma_start3A_530 = arith.constant 0 : i32
      %dma_start3A_531 = tpu.memref_slice %arg18[%dma_start3A_528, %dma_start3A_529, %dma_start3A_530] : memref<8x1x128xf32, #tpu.memory_space<vmem>> -> memref<1x1x128xf32, #tpu.memory_space<vmem>>
      %dma_start3A_532 = tpu.memref_squeeze %dma_start3A_531 : memref<1x1x128xf32, #tpu.memory_space<vmem>> -> memref<1x128xf32, #tpu.memory_space<vmem>>
      %dma_start3A_533 = arith.constant 0 : i32
      %dma_start3A_534 = tpu.memref_slice %arg5[%dma_start3A_533, %multiple_of3A_498] : memref<1x1000000xf32, #tpu.memory_space<hbm>> -> memref<1x128xf32, #tpu.memory_space<hbm>>
      %dma_start3A_535 = arith.constant 0 : i32
      %dma_start3A_536 = arith.constant 0 : i32
      %dma_start3A_537 = tpu.memref_slice %arg18[%dma_start3A_528, %dma_start3A_535, %dma_start3A_536] : memref<8x1x128xf32, #tpu.memory_space<vmem>> -> memref<1x1x128xf32, #tpu.memory_space<vmem>>
      %dma_start3A_538 = tpu.memref_squeeze %dma_start3A_537 : memref<1x1x128xf32, #tpu.memory_space<vmem>> -> memref<1x128xf32, #tpu.memory_space<vmem>>
      %dma_start3A_539 = arith.constant 0 : i32
      %dma_start3A_540 = tpu.memref_slice %arg5[%dma_start3A_539, %multiple_of3A_498] : memref<1x1000000xf32, #tpu.memory_space<hbm>> -> memref<1x128xf32, #tpu.memory_space<hbm>>
      tpu.enqueue_dma source(%dma_start3A_540 : memref<1x128xf32, #tpu.memory_space<hbm>>) target(%dma_start3A_538 : memref<1x128xf32, #tpu.memory_space<vmem>>) target_semaphore(%arg24 : memref<!tpu.dma_semaphore, #tpu.memory_space<semaphore_mem>>)
      %dma_start3A_541 = arith.constant 0 : i32
      %dma_start3A_542 = arith.constant 0 : i32
      %dma_start3A_543 = arith.constant 0 : i32
      %dma_start3A_544 = tpu.memref_slice %arg19[%dma_start3A_541, %dma_start3A_542, %dma_start3A_543] : memref<8x1x128xf32, #tpu.memory_space<vmem>> -> memref<1x1x128xf32, #tpu.memory_space<vmem>>
      %dma_start3A_545 = tpu.memref_squeeze %dma_start3A_544 : memref<1x1x128xf32, #tpu.memory_space<vmem>> -> memref<1x128xf32, #tpu.memory_space<vmem>>
      %dma_start3A_546 = arith.constant 0 : i32
      %dma_start3A_547 = tpu.memref_slice %arg7[%dma_start3A_546, %multiple_of3A_501] : memref<1x1000000xf32, #tpu.memory_space<hbm>> -> memref<1x128xf32, #tpu.memory_space<hbm>>
      %dma_start3A_548 = arith.constant 0 : i32
      %dma_start3A_549 = arith.constant 0 : i32
      %dma_start3A_550 = tpu.memref_slice %arg19[%dma_start3A_541, %dma_start3A_548, %dma_start3A_549] : memref<8x1x128xf32, #tpu.memory_space<vmem>> -> memref<1x1x128xf32, #tpu.memory_space<vmem>>
      %dma_start3A_551 = tpu.memref_squeeze %dma_start3A_550 : memref<1x1x128xf32, #tpu.memory_space<vmem>> -> memref<1x128xf32, #tpu.memory_space<vmem>>
      %dma_start3A_552 = arith.constant 0 : i32
      %dma_start3A_553 = tpu.memref_slice %arg7[%dma_start3A_552, %multiple_of3A_501] : memref<1x1000000xf32, #tpu.memory_space<hbm>> -> memref<1x128xf32, #tpu.memory_space<hbm>>
      tpu.enqueue_dma source(%dma_start3A_553 : memref<1x128xf32, #tpu.memory_space<hbm>>) target(%dma_start3A_551 : memref<1x128xf32, #tpu.memory_space<vmem>>) target_semaphore(%arg24 : memref<!tpu.dma_semaphore, #tpu.memory_space<semaphore_mem>>)
      %slice3A_554 = vector.extract_strided_slice %sub3A_491 {offsets = [9], sizes = [1], strides = [1]} : vector<16xi32> to vector<1xi32>
      %squeeze3A_555 = vector.extract %slice3A_554[0] : i32 from vector<1xi32>
      %multiple_of3A_556 = tpu.assume_multiple %squeeze3A_555, 128 : i32
      %slice3A_557 = vector.extract_strided_slice %sub3A_495 {offsets = [9], sizes = [1], strides = [1]} : vector<16xi32> to vector<1xi32>
      %squeeze3A_558 = vector.extract %slice3A_557[0] : i32 from vector<1xi32>
      %multiple_of3A_559 = tpu.assume_multiple %squeeze3A_558, 128 : i32
      %dma_start3A_560 = arith.constant 1 : i32
      %dma_start3A_561 = arith.constant 0 : i32
      %dma_start3A_562 = arith.constant 0 : i32
      %dma_start3A_563 = tpu.memref_slice %arg16[%dma_start3A_560, %dma_start3A_561, %dma_start3A_562] : memref<8x16x128xf32, #tpu.memory_space<vmem>> -> memref<1x16x128xf32, #tpu.memory_space<vmem>>
      %dma_start3A_564 = tpu.memref_squeeze %dma_start3A_563 : memref<1x16x128xf32, #tpu.memory_space<vmem>> -> memref<16x128xf32, #tpu.memory_space<vmem>>
      %dma_start3A_565 = arith.constant 0 : i32
      %dma_start3A_566 = tpu.memref_slice %arg4[%dma_start3A_565, %multiple_of3A_556] : memref<16x1000000xf32, #tpu.memory_space<hbm>> -> memref<16x128xf32, #tpu.memory_space<hbm>>
      %dma_start3A_567 = arith.constant 0 : i32
      %dma_start3A_568 = arith.constant 0 : i32
      %dma_start3A_569 = tpu.memref_slice %arg16[%dma_start3A_560, %dma_start3A_567, %dma_start3A_568] : memref<8x16x128xf32, #tpu.memory_space<vmem>> -> memref<1x16x128xf32, #tpu.memory_space<vmem>>
      %dma_start3A_570 = tpu.memref_squeeze %dma_start3A_569 : memref<1x16x128xf32, #tpu.memory_space<vmem>> -> memref<16x128xf32, #tpu.memory_space<vmem>>
      %dma_start3A_571 = arith.constant 0 : i32
      %dma_start3A_572 = tpu.memref_slice %arg4[%dma_start3A_571, %multiple_of3A_556] : memref<16x1000000xf32, #tpu.memory_space<hbm>> -> memref<16x128xf32, #tpu.memory_space<hbm>>
      tpu.enqueue_dma source(%dma_start3A_572 : memref<16x128xf32, #tpu.memory_space<hbm>>) target(%dma_start3A_570 : memref<16x128xf32, #tpu.memory_space<vmem>>) target_semaphore(%arg24 : memref<!tpu.dma_semaphore, #tpu.memory_space<semaphore_mem>>)
      %dma_start3A_573 = arith.constant 1 : i32
      %dma_start3A_574 = arith.constant 0 : i32
      %dma_start3A_575 = arith.constant 0 : i32
      %dma_start3A_576 = tpu.memref_slice %arg17[%dma_start3A_573, %dma_start3A_574, %dma_start3A_575] : memref<8x16x128xf32, #tpu.memory_space<vmem>> -> memref<1x16x128xf32, #tpu.memory_space<vmem>>
      %dma_start3A_577 = tpu.memref_squeeze %dma_start3A_576 : memref<1x16x128xf32, #tpu.memory_space<vmem>> -> memref<16x128xf32, #tpu.memory_space<vmem>>
      %dma_start3A_578 = arith.constant 0 : i32
      %dma_start3A_579 = tpu.memref_slice %arg6[%dma_start3A_578, %multiple_of3A_559] : memref<16x1000000xf32, #tpu.memory_space<hbm>> -> memref<16x128xf32, #tpu.memory_space<hbm>>
      %dma_start3A_580 = arith.constant 0 : i32
      %dma_start3A_581 = arith.constant 0 : i32
      %dma_start3A_582 = tpu.memref_slice %arg17[%dma_start3A_573, %dma_start3A_580, %dma_start3A_581] : memref<8x16x128xf32, #tpu.memory_space<vmem>> -> memref<1x16x128xf32, #tpu.memory_space<vmem>>
      %dma_start3A_583 = tpu.memref_squeeze %dma_start3A_582 : memref<1x16x128xf32, #tpu.memory_space<vmem>> -> memref<16x128xf32, #tpu.memory_space<vmem>>
      %dma_start3A_584 = arith.constant 0 : i32
      %dma_start3A_585 = tpu.memref_slice %arg6[%dma_start3A_584, %multiple_of3A_559] : memref<16x1000000xf32, #tpu.memory_space<hbm>> -> memref<16x128xf32, #tpu.memory_space<hbm>>
      tpu.enqueue_dma source(%dma_start3A_585 : memref<16x128xf32, #tpu.memory_space<hbm>>) target(%dma_start3A_583 : memref<16x128xf32, #tpu.memory_space<vmem>>) target_semaphore(%arg24 : memref<!tpu.dma_semaphore, #tpu.memory_space<semaphore_mem>>)
      %dma_start3A_586 = arith.constant 1 : i32
      %dma_start3A_587 = arith.constant 0 : i32
      %dma_start3A_588 = arith.constant 0 : i32
      %dma_start3A_589 = tpu.memref_slice %arg18[%dma_start3A_586, %dma_start3A_587, %dma_start3A_588] : memref<8x1x128xf32, #tpu.memory_space<vmem>> -> memref<1x1x128xf32, #tpu.memory_space<vmem>>
      %dma_start3A_590 = tpu.memref_squeeze %dma_start3A_589 : memref<1x1x128xf32, #tpu.memory_space<vmem>> -> memref<1x128xf32, #tpu.memory_space<vmem>>
      %dma_start3A_591 = arith.constant 0 : i32
      %dma_start3A_592 = tpu.memref_slice %arg5[%dma_start3A_591, %multiple_of3A_556] : memref<1x1000000xf32, #tpu.memory_space<hbm>> -> memref<1x128xf32, #tpu.memory_space<hbm>>
      %dma_start3A_593 = arith.constant 0 : i32
      %dma_start3A_594 = arith.constant 0 : i32
      %dma_start3A_595 = tpu.memref_slice %arg18[%dma_start3A_586, %dma_start3A_593, %dma_start3A_594] : memref<8x1x128xf32, #tpu.memory_space<vmem>> -> memref<1x1x128xf32, #tpu.memory_space<vmem>>
      %dma_start3A_596 = tpu.memref_squeeze %dma_start3A_595 : memref<1x1x128xf32, #tpu.memory_space<vmem>> -> memref<1x128xf32, #tpu.memory_space<vmem>>
      %dma_start3A_597 = arith.constant 0 : i32
      %dma_start3A_598 = tpu.memref_slice %arg5[%dma_start3A_597, %multiple_of3A_556] : memref<1x1000000xf32, #tpu.memory_space<hbm>> -> memref<1x128xf32, #tpu.memory_space<hbm>>
      tpu.enqueue_dma source(%dma_start3A_598 : memref<1x128xf32, #tpu.memory_space<hbm>>) target(%dma_start3A_596 : memref<1x128xf32, #tpu.memory_space<vmem>>) target_semaphore(%arg24 : memref<!tpu.dma_semaphore, #tpu.memory_space<semaphore_mem>>)
      %dma_start3A_599 = arith.constant 1 : i32
      %dma_start3A_600 = arith.constant 0 : i32
      %dma_start3A_601 = arith.constant 0 : i32
      %dma_start3A_602 = tpu.memref_slice %arg19[%dma_start3A_599, %dma_start3A_600, %dma_start3A_601] : memref<8x1x128xf32, #tpu.memory_space<vmem>> -> memref<1x1x128xf32, #tpu.memory_space<vmem>>
      %dma_start3A_603 = tpu.memref_squeeze %dma_start3A_602 : memref<1x1x128xf32, #tpu.memory_space<vmem>> -> memref<1x128xf32, #tpu.memory_space<vmem>>
      %dma_start3A_604 = arith.constant 0 : i32
      %dma_start3A_605 = tpu.memref_slice %arg7[%dma_start3A_604, %multiple_of3A_559] : memref<1x1000000xf32, #tpu.memory_space<hbm>> -> memref<1x128xf32, #tpu.memory_space<hbm>>
      %dma_start3A_606 = arith.constant 0 : i32
      %dma_start3A_607 = arith.constant 0 : i32
      %dma_start3A_608 = tpu.memref_slice %arg19[%dma_start3A_599, %dma_start3A_606, %dma_start3A_607] : memref<8x1x128xf32, #tpu.memory_space<vmem>> -> memref<1x1x128xf32, #tpu.memory_space<vmem>>
      %dma_start3A_609 = tpu.memref_squeeze %dma_start3A_608 : memref<1x1x128xf32, #tpu.memory_space<vmem>> -> memref<1x128xf32, #tpu.memory_space<vmem>>
      %dma_start3A_610 = arith.constant 0 : i32
      %dma_start3A_611 = tpu.memref_slice %arg7[%dma_start3A_610, %multiple_of3A_559] : memref<1x1000000xf32, #tpu.memory_space<hbm>> -> memref<1x128xf32, #tpu.memory_space<hbm>>
      tpu.enqueue_dma source(%dma_start3A_611 : memref<1x128xf32, #tpu.memory_space<hbm>>) target(%dma_start3A_609 : memref<1x128xf32, #tpu.memory_space<vmem>>) target_semaphore(%arg24 : memref<!tpu.dma_semaphore, #tpu.memory_space<semaphore_mem>>)
      %slice3A_612 = vector.extract_strided_slice %sub3A_491 {offsets = [10], sizes = [1], strides = [1]} : vector<16xi32> to vector<1xi32>
      %squeeze3A_613 = vector.extract %slice3A_612[0] : i32 from vector<1xi32>
      %multiple_of3A_614 = tpu.assume_multiple %squeeze3A_613, 128 : i32
      %slice3A_615 = vector.extract_strided_slice %sub3A_495 {offsets = [10], sizes = [1], strides = [1]} : vector<16xi32> to vector<1xi32>
      %squeeze3A_616 = vector.extract %slice3A_615[0] : i32 from vector<1xi32>
      %multiple_of3A_617 = tpu.assume_multiple %squeeze3A_616, 128 : i32
      %dma_start3A_618 = arith.constant 2 : i32
      %dma_start3A_619 = arith.constant 0 : i32
      %dma_start3A_620 = arith.constant 0 : i32
      %dma_start3A_621 = tpu.memref_slice %arg16[%dma_start3A_618, %dma_start3A_619, %dma_start3A_620] : memref<8x16x128xf32, #tpu.memory_space<vmem>> -> memref<1x16x128xf32, #tpu.memory_space<vmem>>
      %dma_start3A_622 = tpu.memref_squeeze %dma_start3A_621 : memref<1x16x128xf32, #tpu.memory_space<vmem>> -> memref<16x128xf32, #tpu.memory_space<vmem>>
      %dma_start3A_623 = arith.constant 0 : i32
      %dma_start3A_624 = tpu.memref_slice %arg4[%dma_start3A_623, %multiple_of3A_614] : memref<16x1000000xf32, #tpu.memory_space<hbm>> -> memref<16x128xf32, #tpu.memory_space<hbm>>
      %dma_start3A_625 = arith.constant 0 : i32
      %dma_start3A_626 = arith.constant 0 : i32
      %dma_start3A_627 = tpu.memref_slice %arg16[%dma_start3A_618, %dma_start3A_625, %dma_start3A_626] : memref<8x16x128xf32, #tpu.memory_space<vmem>> -> memref<1x16x128xf32, #tpu.memory_space<vmem>>
      %dma_start3A_628 = tpu.memref_squeeze %dma_start3A_627 : memref<1x16x128xf32, #tpu.memory_space<vmem>> -> memref<16x128xf32, #tpu.memory_space<vmem>>
      %dma_start3A_629 = arith.constant 0 : i32
      %dma_start3A_630 = tpu.memref_slice %arg4[%dma_start3A_629, %multiple_of3A_614] : memref<16x1000000xf32, #tpu.memory_space<hbm>> -> memref<16x128xf32, #tpu.memory_space<hbm>>
      tpu.enqueue_dma source(%dma_start3A_630 : memref<16x128xf32, #tpu.memory_space<hbm>>) target(%dma_start3A_628 : memref<16x128xf32, #tpu.memory_space<vmem>>) target_semaphore(%arg24 : memref<!tpu.dma_semaphore, #tpu.memory_space<semaphore_mem>>)
      %dma_start3A_631 = arith.constant 2 : i32
      %dma_start3A_632 = arith.constant 0 : i32
      %dma_start3A_633 = arith.constant 0 : i32
      %dma_start3A_634 = tpu.memref_slice %arg17[%dma_start3A_631, %dma_start3A_632, %dma_start3A_633] : memref<8x16x128xf32, #tpu.memory_space<vmem>> -> memref<1x16x128xf32, #tpu.memory_space<vmem>>
      %dma_start3A_635 = tpu.memref_squeeze %dma_start3A_634 : memref<1x16x128xf32, #tpu.memory_space<vmem>> -> memref<16x128xf32, #tpu.memory_space<vmem>>
      %dma_start3A_636 = arith.constant 0 : i32
      %dma_start3A_637 = tpu.memref_slice %arg6[%dma_start3A_636, %multiple_of3A_617] : memref<16x1000000xf32, #tpu.memory_space<hbm>> -> memref<16x128xf32, #tpu.memory_space<hbm>>
      %dma_start3A_638 = arith.constant 0 : i32
      %dma_start3A_639 = arith.constant 0 : i32
      %dma_start3A_640 = tpu.memref_slice %arg17[%dma_start3A_631, %dma_start3A_638, %dma_start3A_639] : memref<8x16x128xf32, #tpu.memory_space<vmem>> -> memref<1x16x128xf32, #tpu.memory_space<vmem>>
      %dma_start3A_641 = tpu.memref_squeeze %dma_start3A_640 : memref<1x16x128xf32, #tpu.memory_space<vmem>> -> memref<16x128xf32, #tpu.memory_space<vmem>>
      %dma_start3A_642 = arith.constant 0 : i32
      %dma_start3A_643 = tpu.memref_slice %arg6[%dma_start3A_642, %multiple_of3A_617] : memref<16x1000000xf32, #tpu.memory_space<hbm>> -> memref<16x128xf32, #tpu.memory_space<hbm>>
      tpu.enqueue_dma source(%dma_start3A_643 : memref<16x128xf32, #tpu.memory_space<hbm>>) target(%dma_start3A_641 : memref<16x128xf32, #tpu.memory_space<vmem>>) target_semaphore(%arg24 : memref<!tpu.dma_semaphore, #tpu.memory_space<semaphore_mem>>)
      %dma_start3A_644 = arith.constant 2 : i32
      %dma_start3A_645 = arith.constant 0 : i32
      %dma_start3A_646 = arith.constant 0 : i32
      %dma_start3A_647 = tpu.memref_slice %arg18[%dma_start3A_644, %dma_start3A_645, %dma_start3A_646] : memref<8x1x128xf32, #tpu.memory_space<vmem>> -> memref<1x1x128xf32, #tpu.memory_space<vmem>>
      %dma_start3A_648 = tpu.memref_squeeze %dma_start3A_647 : memref<1x1x128xf32, #tpu.memory_space<vmem>> -> memref<1x128xf32, #tpu.memory_space<vmem>>
      %dma_start3A_649 = arith.constant 0 : i32
      %dma_start3A_650 = tpu.memref_slice %arg5[%dma_start3A_649, %multiple_of3A_614] : memref<1x1000000xf32, #tpu.memory_space<hbm>> -> memref<1x128xf32, #tpu.memory_space<hbm>>
      %dma_start3A_651 = arith.constant 0 : i32
      %dma_start3A_652 = arith.constant 0 : i32
      %dma_start3A_653 = tpu.memref_slice %arg18[%dma_start3A_644, %dma_start3A_651, %dma_start3A_652] : memref<8x1x128xf32, #tpu.memory_space<vmem>> -> memref<1x1x128xf32, #tpu.memory_space<vmem>>
      %dma_start3A_654 = tpu.memref_squeeze %dma_start3A_653 : memref<1x1x128xf32, #tpu.memory_space<vmem>> -> memref<1x128xf32, #tpu.memory_space<vmem>>
      %dma_start3A_655 = arith.constant 0 : i32
      %dma_start3A_656 = tpu.memref_slice %arg5[%dma_start3A_655, %multiple_of3A_614] : memref<1x1000000xf32, #tpu.memory_space<hbm>> -> memref<1x128xf32, #tpu.memory_space<hbm>>
      tpu.enqueue_dma source(%dma_start3A_656 : memref<1x128xf32, #tpu.memory_space<hbm>>) target(%dma_start3A_654 : memref<1x128xf32, #tpu.memory_space<vmem>>) target_semaphore(%arg24 : memref<!tpu.dma_semaphore, #tpu.memory_space<semaphore_mem>>)
      %dma_start3A_657 = arith.constant 2 : i32
      %dma_start3A_658 = arith.constant 0 : i32
      %dma_start3A_659 = arith.constant 0 : i32
      %dma_start3A_660 = tpu.memref_slice %arg19[%dma_start3A_657, %dma_start3A_658, %dma_start3A_659] : memref<8x1x128xf32, #tpu.memory_space<vmem>> -> memref<1x1x128xf32, #tpu.memory_space<vmem>>
      %dma_start3A_661 = tpu.memref_squeeze %dma_start3A_660 : memref<1x1x128xf32, #tpu.memory_space<vmem>> -> memref<1x128xf32, #tpu.memory_space<vmem>>
      %dma_start3A_662 = arith.constant 0 : i32
      %dma_start3A_663 = tpu.memref_slice %arg7[%dma_start3A_662, %multiple_of3A_617] : memref<1x1000000xf32, #tpu.memory_space<hbm>> -> memref<1x128xf32, #tpu.memory_space<hbm>>
      %dma_start3A_664 = arith.constant 0 : i32
      %dma_start3A_665 = arith.constant 0 : i32
      %dma_start3A_666 = tpu.memref_slice %arg19[%dma_start3A_657, %dma_start3A_664, %dma_start3A_665] : memref<8x1x128xf32, #tpu.memory_space<vmem>> -> memref<1x1x128xf32, #tpu.memory_space<vmem>>
      %dma_start3A_667 = tpu.memref_squeeze %dma_start3A_666 : memref<1x1x128xf32, #tpu.memory_space<vmem>> -> memref<1x128xf32, #tpu.memory_space<vmem>>
      %dma_start3A_668 = arith.constant 0 : i32
      %dma_start3A_669 = tpu.memref_slice %arg7[%dma_start3A_668, %multiple_of3A_617] : memref<1x1000000xf32, #tpu.memory_space<hbm>> -> memref<1x128xf32, #tpu.memory_space<hbm>>
      tpu.enqueue_dma source(%dma_start3A_669 : memref<1x128xf32, #tpu.memory_space<hbm>>) target(%dma_start3A_667 : memref<1x128xf32, #tpu.memory_space<vmem>>) target_semaphore(%arg24 : memref<!tpu.dma_semaphore, #tpu.memory_space<semaphore_mem>>)
      %slice3A_670 = vector.extract_strided_slice %sub3A_491 {offsets = [11], sizes = [1], strides = [1]} : vector<16xi32> to vector<1xi32>
      %squeeze3A_671 = vector.extract %slice3A_670[0] : i32 from vector<1xi32>
      %multiple_of3A_672 = tpu.assume_multiple %squeeze3A_671, 128 : i32
      %slice3A_673 = vector.extract_strided_slice %sub3A_495 {offsets = [11], sizes = [1], strides = [1]} : vector<16xi32> to vector<1xi32>
      %squeeze3A_674 = vector.extract %slice3A_673[0] : i32 from vector<1xi32>
      %multiple_of3A_675 = tpu.assume_multiple %squeeze3A_674, 128 : i32
      %dma_start3A_676 = arith.constant 3 : i32
      %dma_start3A_677 = arith.constant 0 : i32
      %dma_start3A_678 = arith.constant 0 : i32
      %dma_start3A_679 = tpu.memref_slice %arg16[%dma_start3A_676, %dma_start3A_677, %dma_start3A_678] : memref<8x16x128xf32, #tpu.memory_space<vmem>> -> memref<1x16x128xf32, #tpu.memory_space<vmem>>
      %dma_start3A_680 = tpu.memref_squeeze %dma_start3A_679 : memref<1x16x128xf32, #tpu.memory_space<vmem>> -> memref<16x128xf32, #tpu.memory_space<vmem>>
      %dma_start3A_681 = arith.constant 0 : i32
      %dma_start3A_682 = tpu.memref_slice %arg4[%dma_start3A_681, %multiple_of3A_672] : memref<16x1000000xf32, #tpu.memory_space<hbm>> -> memref<16x128xf32, #tpu.memory_space<hbm>>
      %dma_start3A_683 = arith.constant 0 : i32
      %dma_start3A_684 = arith.constant 0 : i32
      %dma_start3A_685 = tpu.memref_slice %arg16[%dma_start3A_676, %dma_start3A_683, %dma_start3A_684] : memref<8x16x128xf32, #tpu.memory_space<vmem>> -> memref<1x16x128xf32, #tpu.memory_space<vmem>>
      %dma_start3A_686 = tpu.memref_squeeze %dma_start3A_685 : memref<1x16x128xf32, #tpu.memory_space<vmem>> -> memref<16x128xf32, #tpu.memory_space<vmem>>
      %dma_start3A_687 = arith.constant 0 : i32
      %dma_start3A_688 = tpu.memref_slice %arg4[%dma_start3A_687, %multiple_of3A_672] : memref<16x1000000xf32, #tpu.memory_space<hbm>> -> memref<16x128xf32, #tpu.memory_space<hbm>>
      tpu.enqueue_dma source(%dma_start3A_688 : memref<16x128xf32, #tpu.memory_space<hbm>>) target(%dma_start3A_686 : memref<16x128xf32, #tpu.memory_space<vmem>>) target_semaphore(%arg24 : memref<!tpu.dma_semaphore, #tpu.memory_space<semaphore_mem>>)
      %dma_start3A_689 = arith.constant 3 : i32
      %dma_start3A_690 = arith.constant 0 : i32
      %dma_start3A_691 = arith.constant 0 : i32
      %dma_start3A_692 = tpu.memref_slice %arg17[%dma_start3A_689, %dma_start3A_690, %dma_start3A_691] : memref<8x16x128xf32, #tpu.memory_space<vmem>> -> memref<1x16x128xf32, #tpu.memory_space<vmem>>
      %dma_start3A_693 = tpu.memref_squeeze %dma_start3A_692 : memref<1x16x128xf32, #tpu.memory_space<vmem>> -> memref<16x128xf32, #tpu.memory_space<vmem>>
      %dma_start3A_694 = arith.constant 0 : i32
      %dma_start3A_695 = tpu.memref_slice %arg6[%dma_start3A_694, %multiple_of3A_675] : memref<16x1000000xf32, #tpu.memory_space<hbm>> -> memref<16x128xf32, #tpu.memory_space<hbm>>
      %dma_start3A_696 = arith.constant 0 : i32
      %dma_start3A_697 = arith.constant 0 : i32
      %dma_start3A_698 = tpu.memref_slice %arg17[%dma_start3A_689, %dma_start3A_696, %dma_start3A_697] : memref<8x16x128xf32, #tpu.memory_space<vmem>> -> memref<1x16x128xf32, #tpu.memory_space<vmem>>
      %dma_start3A_699 = tpu.memref_squeeze %dma_start3A_698 : memref<1x16x128xf32, #tpu.memory_space<vmem>> -> memref<16x128xf32, #tpu.memory_space<vmem>>
      %dma_start3A_700 = arith.constant 0 : i32
      %dma_start3A_701 = tpu.memref_slice %arg6[%dma_start3A_700, %multiple_of3A_675] : memref<16x1000000xf32, #tpu.memory_space<hbm>> -> memref<16x128xf32, #tpu.memory_space<hbm>>
      tpu.enqueue_dma source(%dma_start3A_701 : memref<16x128xf32, #tpu.memory_space<hbm>>) target(%dma_start3A_699 : memref<16x128xf32, #tpu.memory_space<vmem>>) target_semaphore(%arg24 : memref<!tpu.dma_semaphore, #tpu.memory_space<semaphore_mem>>)
      %dma_start3A_702 = arith.constant 3 : i32
      %dma_start3A_703 = arith.constant 0 : i32
      %dma_start3A_704 = arith.constant 0 : i32
      %dma_start3A_705 = tpu.memref_slice %arg18[%dma_start3A_702, %dma_start3A_703, %dma_start3A_704] : memref<8x1x128xf32, #tpu.memory_space<vmem>> -> memref<1x1x128xf32, #tpu.memory_space<vmem>>
      %dma_start3A_706 = tpu.memref_squeeze %dma_start3A_705 : memref<1x1x128xf32, #tpu.memory_space<vmem>> -> memref<1x128xf32, #tpu.memory_space<vmem>>
      %dma_start3A_707 = arith.constant 0 : i32
      %dma_start3A_708 = tpu.memref_slice %arg5[%dma_start3A_707, %multiple_of3A_672] : memref<1x1000000xf32, #tpu.memory_space<hbm>> -> memref<1x128xf32, #tpu.memory_space<hbm>>
      %dma_start3A_709 = arith.constant 0 : i32
      %dma_start3A_710 = arith.constant 0 : i32
      %dma_start3A_711 = tpu.memref_slice %arg18[%dma_start3A_702, %dma_start3A_709, %dma_start3A_710] : memref<8x1x128xf32, #tpu.memory_space<vmem>> -> memref<1x1x128xf32, #tpu.memory_space<vmem>>
      %dma_start3A_712 = tpu.memref_squeeze %dma_start3A_711 : memref<1x1x128xf32, #tpu.memory_space<vmem>> -> memref<1x128xf32, #tpu.memory_space<vmem>>
      %dma_start3A_713 = arith.constant 0 : i32
      %dma_start3A_714 = tpu.memref_slice %arg5[%dma_start3A_713, %multiple_of3A_672] : memref<1x1000000xf32, #tpu.memory_space<hbm>> -> memref<1x128xf32, #tpu.memory_space<hbm>>
      tpu.enqueue_dma source(%dma_start3A_714 : memref<1x128xf32, #tpu.memory_space<hbm>>) target(%dma_start3A_712 : memref<1x128xf32, #tpu.memory_space<vmem>>) target_semaphore(%arg24 : memref<!tpu.dma_semaphore, #tpu.memory_space<semaphore_mem>>)
      %dma_start3A_715 = arith.constant 3 : i32
      %dma_start3A_716 = arith.constant 0 : i32
      %dma_start3A_717 = arith.constant 0 : i32
      %dma_start3A_718 = tpu.memref_slice %arg19[%dma_start3A_715, %dma_start3A_716, %dma_start3A_717] : memref<8x1x128xf32, #tpu.memory_space<vmem>> -> memref<1x1x128xf32, #tpu.memory_space<vmem>>
      %dma_start3A_719 = tpu.memref_squeeze %dma_start3A_718 : memref<1x1x128xf32, #tpu.memory_space<vmem>> -> memref<1x128xf32, #tpu.memory_space<vmem>>
      %dma_start3A_720 = arith.constant 0 : i32
      %dma_start3A_721 = tpu.memref_slice %arg7[%dma_start3A_720, %multiple_of3A_675] : memref<1x1000000xf32, #tpu.memory_space<hbm>> -> memref<1x128xf32, #tpu.memory_space<hbm>>
      %dma_start3A_722 = arith.constant 0 : i32
      %dma_start3A_723 = arith.constant 0 : i32
      %dma_start3A_724 = tpu.memref_slice %arg19[%dma_start3A_715, %dma_start3A_722, %dma_start3A_723] : memref<8x1x128xf32, #tpu.memory_space<vmem>> -> memref<1x1x128xf32, #tpu.memory_space<vmem>>
      %dma_start3A_725 = tpu.memref_squeeze %dma_start3A_724 : memref<1x1x128xf32, #tpu.memory_space<vmem>> -> memref<1x128xf32, #tpu.memory_space<vmem>>
      %dma_start3A_726 = arith.constant 0 : i32
      %dma_start3A_727 = tpu.memref_slice %arg7[%dma_start3A_726, %multiple_of3A_675] : memref<1x1000000xf32, #tpu.memory_space<hbm>> -> memref<1x128xf32, #tpu.memory_space<hbm>>
      tpu.enqueue_dma source(%dma_start3A_727 : memref<1x128xf32, #tpu.memory_space<hbm>>) target(%dma_start3A_725 : memref<1x128xf32, #tpu.memory_space<vmem>>) target_semaphore(%arg24 : memref<!tpu.dma_semaphore, #tpu.memory_space<semaphore_mem>>)
      %slice3A_728 = vector.extract_strided_slice %sub3A_491 {offsets = [12], sizes = [1], strides = [1]} : vector<16xi32> to vector<1xi32>
      %squeeze3A_729 = vector.extract %slice3A_728[0] : i32 from vector<1xi32>
      %multiple_of3A_730 = tpu.assume_multiple %squeeze3A_729, 128 : i32
      %slice3A_731 = vector.extract_strided_slice %sub3A_495 {offsets = [12], sizes = [1], strides = [1]} : vector<16xi32> to vector<1xi32>
      %squeeze3A_732 = vector.extract %slice3A_731[0] : i32 from vector<1xi32>
      %multiple_of3A_733 = tpu.assume_multiple %squeeze3A_732, 128 : i32
      %dma_start3A_734 = arith.constant 4 : i32
      %dma_start3A_735 = arith.constant 0 : i32
      %dma_start3A_736 = arith.constant 0 : i32
      %dma_start3A_737 = tpu.memref_slice %arg16[%dma_start3A_734, %dma_start3A_735, %dma_start3A_736] : memref<8x16x128xf32, #tpu.memory_space<vmem>> -> memref<1x16x128xf32, #tpu.memory_space<vmem>>
      %dma_start3A_738 = tpu.memref_squeeze %dma_start3A_737 : memref<1x16x128xf32, #tpu.memory_space<vmem>> -> memref<16x128xf32, #tpu.memory_space<vmem>>
      %dma_start3A_739 = arith.constant 0 : i32
      %dma_start3A_740 = tpu.memref_slice %arg4[%dma_start3A_739, %multiple_of3A_730] : memref<16x1000000xf32, #tpu.memory_space<hbm>> -> memref<16x128xf32, #tpu.memory_space<hbm>>
      %dma_start3A_741 = arith.constant 0 : i32
      %dma_start3A_742 = arith.constant 0 : i32
      %dma_start3A_743 = tpu.memref_slice %arg16[%dma_start3A_734, %dma_start3A_741, %dma_start3A_742] : memref<8x16x128xf32, #tpu.memory_space<vmem>> -> memref<1x16x128xf32, #tpu.memory_space<vmem>>
      %dma_start3A_744 = tpu.memref_squeeze %dma_start3A_743 : memref<1x16x128xf32, #tpu.memory_space<vmem>> -> memref<16x128xf32, #tpu.memory_space<vmem>>
      %dma_start3A_745 = arith.constant 0 : i32
      %dma_start3A_746 = tpu.memref_slice %arg4[%dma_start3A_745, %multiple_of3A_730] : memref<16x1000000xf32, #tpu.memory_space<hbm>> -> memref<16x128xf32, #tpu.memory_space<hbm>>
      tpu.enqueue_dma source(%dma_start3A_746 : memref<16x128xf32, #tpu.memory_space<hbm>>) target(%dma_start3A_744 : memref<16x128xf32, #tpu.memory_space<vmem>>) target_semaphore(%arg24 : memref<!tpu.dma_semaphore, #tpu.memory_space<semaphore_mem>>)
      %dma_start3A_747 = arith.constant 4 : i32
      %dma_start3A_748 = arith.constant 0 : i32
      %dma_start3A_749 = arith.constant 0 : i32
      %dma_start3A_750 = tpu.memref_slice %arg17[%dma_start3A_747, %dma_start3A_748, %dma_start3A_749] : memref<8x16x128xf32, #tpu.memory_space<vmem>> -> memref<1x16x128xf32, #tpu.memory_space<vmem>>
      %dma_start3A_751 = tpu.memref_squeeze %dma_start3A_750 : memref<1x16x128xf32, #tpu.memory_space<vmem>> -> memref<16x128xf32, #tpu.memory_space<vmem>>
      %dma_start3A_752 = arith.constant 0 : i32
      %dma_start3A_753 = tpu.memref_slice %arg6[%dma_start3A_752, %multiple_of3A_733] : memref<16x1000000xf32, #tpu.memory_space<hbm>> -> memref<16x128xf32, #tpu.memory_space<hbm>>
      %dma_start3A_754 = arith.constant 0 : i32
      %dma_start3A_755 = arith.constant 0 : i32
      %dma_start3A_756 = tpu.memref_slice %arg17[%dma_start3A_747, %dma_start3A_754, %dma_start3A_755] : memref<8x16x128xf32, #tpu.memory_space<vmem>> -> memref<1x16x128xf32, #tpu.memory_space<vmem>>
      %dma_start3A_757 = tpu.memref_squeeze %dma_start3A_756 : memref<1x16x128xf32, #tpu.memory_space<vmem>> -> memref<16x128xf32, #tpu.memory_space<vmem>>
      %dma_start3A_758 = arith.constant 0 : i32
      %dma_start3A_759 = tpu.memref_slice %arg6[%dma_start3A_758, %multiple_of3A_733] : memref<16x1000000xf32, #tpu.memory_space<hbm>> -> memref<16x128xf32, #tpu.memory_space<hbm>>
      tpu.enqueue_dma source(%dma_start3A_759 : memref<16x128xf32, #tpu.memory_space<hbm>>) target(%dma_start3A_757 : memref<16x128xf32, #tpu.memory_space<vmem>>) target_semaphore(%arg24 : memref<!tpu.dma_semaphore, #tpu.memory_space<semaphore_mem>>)
      %dma_start3A_760 = arith.constant 4 : i32
      %dma_start3A_761 = arith.constant 0 : i32
      %dma_start3A_762 = arith.constant 0 : i32
      %dma_start3A_763 = tpu.memref_slice %arg18[%dma_start3A_760, %dma_start3A_761, %dma_start3A_762] : memref<8x1x128xf32, #tpu.memory_space<vmem>> -> memref<1x1x128xf32, #tpu.memory_space<vmem>>
      %dma_start3A_764 = tpu.memref_squeeze %dma_start3A_763 : memref<1x1x128xf32, #tpu.memory_space<vmem>> -> memref<1x128xf32, #tpu.memory_space<vmem>>
      %dma_start3A_765 = arith.constant 0 : i32
      %dma_start3A_766 = tpu.memref_slice %arg5[%dma_start3A_765, %multiple_of3A_730] : memref<1x1000000xf32, #tpu.memory_space<hbm>> -> memref<1x128xf32, #tpu.memory_space<hbm>>
      %dma_start3A_767 = arith.constant 0 : i32
      %dma_start3A_768 = arith.constant 0 : i32
      %dma_start3A_769 = tpu.memref_slice %arg18[%dma_start3A_760, %dma_start3A_767, %dma_start3A_768] : memref<8x1x128xf32, #tpu.memory_space<vmem>> -> memref<1x1x128xf32, #tpu.memory_space<vmem>>
      %dma_start3A_770 = tpu.memref_squeeze %dma_start3A_769 : memref<1x1x128xf32, #tpu.memory_space<vmem>> -> memref<1x128xf32, #tpu.memory_space<vmem>>
      %dma_start3A_771 = arith.constant 0 : i32
      %dma_start3A_772 = tpu.memref_slice %arg5[%dma_start3A_771, %multiple_of3A_730] : memref<1x1000000xf32, #tpu.memory_space<hbm>> -> memref<1x128xf32, #tpu.memory_space<hbm>>
      tpu.enqueue_dma source(%dma_start3A_772 : memref<1x128xf32, #tpu.memory_space<hbm>>) target(%dma_start3A_770 : memref<1x128xf32, #tpu.memory_space<vmem>>) target_semaphore(%arg24 : memref<!tpu.dma_semaphore, #tpu.memory_space<semaphore_mem>>)
      %dma_start3A_773 = arith.constant 4 : i32
      %dma_start3A_774 = arith.constant 0 : i32
      %dma_start3A_775 = arith.constant 0 : i32
      %dma_start3A_776 = tpu.memref_slice %arg19[%dma_start3A_773, %dma_start3A_774, %dma_start3A_775] : memref<8x1x128xf32, #tpu.memory_space<vmem>> -> memref<1x1x128xf32, #tpu.memory_space<vmem>>
      %dma_start3A_777 = tpu.memref_squeeze %dma_start3A_776 : memref<1x1x128xf32, #tpu.memory_space<vmem>> -> memref<1x128xf32, #tpu.memory_space<vmem>>
      %dma_start3A_778 = arith.constant 0 : i32
      %dma_start3A_779 = tpu.memref_slice %arg7[%dma_start3A_778, %multiple_of3A_733] : memref<1x1000000xf32, #tpu.memory_space<hbm>> -> memref<1x128xf32, #tpu.memory_space<hbm>>
      %dma_start3A_780 = arith.constant 0 : i32
      %dma_start3A_781 = arith.constant 0 : i32
      %dma_start3A_782 = tpu.memref_slice %arg19[%dma_start3A_773, %dma_start3A_780, %dma_start3A_781] : memref<8x1x128xf32, #tpu.memory_space<vmem>> -> memref<1x1x128xf32, #tpu.memory_space<vmem>>
      %dma_start3A_783 = tpu.memref_squeeze %dma_start3A_782 : memref<1x1x128xf32, #tpu.memory_space<vmem>> -> memref<1x128xf32, #tpu.memory_space<vmem>>
      %dma_start3A_784 = arith.constant 0 : i32
      %dma_start3A_785 = tpu.memref_slice %arg7[%dma_start3A_784, %multiple_of3A_733] : memref<1x1000000xf32, #tpu.memory_space<hbm>> -> memref<1x128xf32, #tpu.memory_space<hbm>>
      tpu.enqueue_dma source(%dma_start3A_785 : memref<1x128xf32, #tpu.memory_space<hbm>>) target(%dma_start3A_783 : memref<1x128xf32, #tpu.memory_space<vmem>>) target_semaphore(%arg24 : memref<!tpu.dma_semaphore, #tpu.memory_space<semaphore_mem>>)
      %slice3A_786 = vector.extract_strided_slice %sub3A_491 {offsets = [13], sizes = [1], strides = [1]} : vector<16xi32> to vector<1xi32>
      %squeeze3A_787 = vector.extract %slice3A_786[0] : i32 from vector<1xi32>
      %multiple_of3A_788 = tpu.assume_multiple %squeeze3A_787, 128 : i32
      %slice3A_789 = vector.extract_strided_slice %sub3A_495 {offsets = [13], sizes = [1], strides = [1]} : vector<16xi32> to vector<1xi32>
      %squeeze3A_790 = vector.extract %slice3A_789[0] : i32 from vector<1xi32>
      %multiple_of3A_791 = tpu.assume_multiple %squeeze3A_790, 128 : i32
      %dma_start3A_792 = arith.constant 5 : i32
      %dma_start3A_793 = arith.constant 0 : i32
      %dma_start3A_794 = arith.constant 0 : i32
      %dma_start3A_795 = tpu.memref_slice %arg16[%dma_start3A_792, %dma_start3A_793, %dma_start3A_794] : memref<8x16x128xf32, #tpu.memory_space<vmem>> -> memref<1x16x128xf32, #tpu.memory_space<vmem>>
      %dma_start3A_796 = tpu.memref_squeeze %dma_start3A_795 : memref<1x16x128xf32, #tpu.memory_space<vmem>> -> memref<16x128xf32, #tpu.memory_space<vmem>>
      %dma_start3A_797 = arith.constant 0 : i32
      %dma_start3A_798 = tpu.memref_slice %arg4[%dma_start3A_797, %multiple_of3A_788] : memref<16x1000000xf32, #tpu.memory_space<hbm>> -> memref<16x128xf32, #tpu.memory_space<hbm>>
      %dma_start3A_799 = arith.constant 0 : i32
      %dma_start3A_800 = arith.constant 0 : i32
      %dma_start3A_801 = tpu.memref_slice %arg16[%dma_start3A_792, %dma_start3A_799, %dma_start3A_800] : memref<8x16x128xf32, #tpu.memory_space<vmem>> -> memref<1x16x128xf32, #tpu.memory_space<vmem>>
      %dma_start3A_802 = tpu.memref_squeeze %dma_start3A_801 : memref<1x16x128xf32, #tpu.memory_space<vmem>> -> memref<16x128xf32, #tpu.memory_space<vmem>>
      %dma_start3A_803 = arith.constant 0 : i32
      %dma_start3A_804 = tpu.memref_slice %arg4[%dma_start3A_803, %multiple_of3A_788] : memref<16x1000000xf32, #tpu.memory_space<hbm>> -> memref<16x128xf32, #tpu.memory_space<hbm>>
      tpu.enqueue_dma source(%dma_start3A_804 : memref<16x128xf32, #tpu.memory_space<hbm>>) target(%dma_start3A_802 : memref<16x128xf32, #tpu.memory_space<vmem>>) target_semaphore(%arg24 : memref<!tpu.dma_semaphore, #tpu.memory_space<semaphore_mem>>)
      %dma_start3A_805 = arith.constant 5 : i32
      %dma_start3A_806 = arith.constant 0 : i32
      %dma_start3A_807 = arith.constant 0 : i32
      %dma_start3A_808 = tpu.memref_slice %arg17[%dma_start3A_805, %dma_start3A_806, %dma_start3A_807] : memref<8x16x128xf32, #tpu.memory_space<vmem>> -> memref<1x16x128xf32, #tpu.memory_space<vmem>>
      %dma_start3A_809 = tpu.memref_squeeze %dma_start3A_808 : memref<1x16x128xf32, #tpu.memory_space<vmem>> -> memref<16x128xf32, #tpu.memory_space<vmem>>
      %dma_start3A_810 = arith.constant 0 : i32
      %dma_start3A_811 = tpu.memref_slice %arg6[%dma_start3A_810, %multiple_of3A_791] : memref<16x1000000xf32, #tpu.memory_space<hbm>> -> memref<16x128xf32, #tpu.memory_space<hbm>>
      %dma_start3A_812 = arith.constant 0 : i32
      %dma_start3A_813 = arith.constant 0 : i32
      %dma_start3A_814 = tpu.memref_slice %arg17[%dma_start3A_805, %dma_start3A_812, %dma_start3A_813] : memref<8x16x128xf32, #tpu.memory_space<vmem>> -> memref<1x16x128xf32, #tpu.memory_space<vmem>>
      %dma_start3A_815 = tpu.memref_squeeze %dma_start3A_814 : memref<1x16x128xf32, #tpu.memory_space<vmem>> -> memref<16x128xf32, #tpu.memory_space<vmem>>
      %dma_start3A_816 = arith.constant 0 : i32
      %dma_start3A_817 = tpu.memref_slice %arg6[%dma_start3A_816, %multiple_of3A_791] : memref<16x1000000xf32, #tpu.memory_space<hbm>> -> memref<16x128xf32, #tpu.memory_space<hbm>>
      tpu.enqueue_dma source(%dma_start3A_817 : memref<16x128xf32, #tpu.memory_space<hbm>>) target(%dma_start3A_815 : memref<16x128xf32, #tpu.memory_space<vmem>>) target_semaphore(%arg24 : memref<!tpu.dma_semaphore, #tpu.memory_space<semaphore_mem>>)
      %dma_start3A_818 = arith.constant 5 : i32
      %dma_start3A_819 = arith.constant 0 : i32
      %dma_start3A_820 = arith.constant 0 : i32
      %dma_start3A_821 = tpu.memref_slice %arg18[%dma_start3A_818, %dma_start3A_819, %dma_start3A_820] : memref<8x1x128xf32, #tpu.memory_space<vmem>> -> memref<1x1x128xf32, #tpu.memory_space<vmem>>
      %dma_start3A_822 = tpu.memref_squeeze %dma_start3A_821 : memref<1x1x128xf32, #tpu.memory_space<vmem>> -> memref<1x128xf32, #tpu.memory_space<vmem>>
      %dma_start3A_823 = arith.constant 0 : i32
      %dma_start3A_824 = tpu.memref_slice %arg5[%dma_start3A_823, %multiple_of3A_788] : memref<1x1000000xf32, #tpu.memory_space<hbm>> -> memref<1x128xf32, #tpu.memory_space<hbm>>
      %dma_start3A_825 = arith.constant 0 : i32
      %dma_start3A_826 = arith.constant 0 : i32
      %dma_start3A_827 = tpu.memref_slice %arg18[%dma_start3A_818, %dma_start3A_825, %dma_start3A_826] : memref<8x1x128xf32, #tpu.memory_space<vmem>> -> memref<1x1x128xf32, #tpu.memory_space<vmem>>
      %dma_start3A_828 = tpu.memref_squeeze %dma_start3A_827 : memref<1x1x128xf32, #tpu.memory_space<vmem>> -> memref<1x128xf32, #tpu.memory_space<vmem>>
      %dma_start3A_829 = arith.constant 0 : i32
      %dma_start3A_830 = tpu.memref_slice %arg5[%dma_start3A_829, %multiple_of3A_788] : memref<1x1000000xf32, #tpu.memory_space<hbm>> -> memref<1x128xf32, #tpu.memory_space<hbm>>
      tpu.enqueue_dma source(%dma_start3A_830 : memref<1x128xf32, #tpu.memory_space<hbm>>) target(%dma_start3A_828 : memref<1x128xf32, #tpu.memory_space<vmem>>) target_semaphore(%arg24 : memref<!tpu.dma_semaphore, #tpu.memory_space<semaphore_mem>>)
      %dma_start3A_831 = arith.constant 5 : i32
      %dma_start3A_832 = arith.constant 0 : i32
      %dma_start3A_833 = arith.constant 0 : i32
      %dma_start3A_834 = tpu.memref_slice %arg19[%dma_start3A_831, %dma_start3A_832, %dma_start3A_833] : memref<8x1x128xf32, #tpu.memory_space<vmem>> -> memref<1x1x128xf32, #tpu.memory_space<vmem>>
      %dma_start3A_835 = tpu.memref_squeeze %dma_start3A_834 : memref<1x1x128xf32, #tpu.memory_space<vmem>> -> memref<1x128xf32, #tpu.memory_space<vmem>>
      %dma_start3A_836 = arith.constant 0 : i32
      %dma_start3A_837 = tpu.memref_slice %arg7[%dma_start3A_836, %multiple_of3A_791] : memref<1x1000000xf32, #tpu.memory_space<hbm>> -> memref<1x128xf32, #tpu.memory_space<hbm>>
      %dma_start3A_838 = arith.constant 0 : i32
      %dma_start3A_839 = arith.constant 0 : i32
      %dma_start3A_840 = tpu.memref_slice %arg19[%dma_start3A_831, %dma_start3A_838, %dma_start3A_839] : memref<8x1x128xf32, #tpu.memory_space<vmem>> -> memref<1x1x128xf32, #tpu.memory_space<vmem>>
      %dma_start3A_841 = tpu.memref_squeeze %dma_start3A_840 : memref<1x1x128xf32, #tpu.memory_space<vmem>> -> memref<1x128xf32, #tpu.memory_space<vmem>>
      %dma_start3A_842 = arith.constant 0 : i32
      %dma_start3A_843 = tpu.memref_slice %arg7[%dma_start3A_842, %multiple_of3A_791] : memref<1x1000000xf32, #tpu.memory_space<hbm>> -> memref<1x128xf32, #tpu.memory_space<hbm>>
      tpu.enqueue_dma source(%dma_start3A_843 : memref<1x128xf32, #tpu.memory_space<hbm>>) target(%dma_start3A_841 : memref<1x128xf32, #tpu.memory_space<vmem>>) target_semaphore(%arg24 : memref<!tpu.dma_semaphore, #tpu.memory_space<semaphore_mem>>)
      %slice3A_844 = vector.extract_strided_slice %sub3A_491 {offsets = [14], sizes = [1], strides = [1]} : vector<16xi32> to vector<1xi32>
      %squeeze3A_845 = vector.extract %slice3A_844[0] : i32 from vector<1xi32>
      %multiple_of3A_846 = tpu.assume_multiple %squeeze3A_845, 128 : i32
      %slice3A_847 = vector.extract_strided_slice %sub3A_495 {offsets = [14], sizes = [1], strides = [1]} : vector<16xi32> to vector<1xi32>
      %squeeze3A_848 = vector.extract %slice3A_847[0] : i32 from vector<1xi32>
      %multiple_of3A_849 = tpu.assume_multiple %squeeze3A_848, 128 : i32
      %dma_start3A_850 = arith.constant 6 : i32
      %dma_start3A_851 = arith.constant 0 : i32
      %dma_start3A_852 = arith.constant 0 : i32
      %dma_start3A_853 = tpu.memref_slice %arg16[%dma_start3A_850, %dma_start3A_851, %dma_start3A_852] : memref<8x16x128xf32, #tpu.memory_space<vmem>> -> memref<1x16x128xf32, #tpu.memory_space<vmem>>
      %dma_start3A_854 = tpu.memref_squeeze %dma_start3A_853 : memref<1x16x128xf32, #tpu.memory_space<vmem>> -> memref<16x128xf32, #tpu.memory_space<vmem>>
      %dma_start3A_855 = arith.constant 0 : i32
      %dma_start3A_856 = tpu.memref_slice %arg4[%dma_start3A_855, %multiple_of3A_846] : memref<16x1000000xf32, #tpu.memory_space<hbm>> -> memref<16x128xf32, #tpu.memory_space<hbm>>
      %dma_start3A_857 = arith.constant 0 : i32
      %dma_start3A_858 = arith.constant 0 : i32
      %dma_start3A_859 = tpu.memref_slice %arg16[%dma_start3A_850, %dma_start3A_857, %dma_start3A_858] : memref<8x16x128xf32, #tpu.memory_space<vmem>> -> memref<1x16x128xf32, #tpu.memory_space<vmem>>
      %dma_start3A_860 = tpu.memref_squeeze %dma_start3A_859 : memref<1x16x128xf32, #tpu.memory_space<vmem>> -> memref<16x128xf32, #tpu.memory_space<vmem>>
      %dma_start3A_861 = arith.constant 0 : i32
      %dma_start3A_862 = tpu.memref_slice %arg4[%dma_start3A_861, %multiple_of3A_846] : memref<16x1000000xf32, #tpu.memory_space<hbm>> -> memref<16x128xf32, #tpu.memory_space<hbm>>
      tpu.enqueue_dma source(%dma_start3A_862 : memref<16x128xf32, #tpu.memory_space<hbm>>) target(%dma_start3A_860 : memref<16x128xf32, #tpu.memory_space<vmem>>) target_semaphore(%arg24 : memref<!tpu.dma_semaphore, #tpu.memory_space<semaphore_mem>>)
      %dma_start3A_863 = arith.constant 6 : i32
      %dma_start3A_864 = arith.constant 0 : i32
      %dma_start3A_865 = arith.constant 0 : i32
      %dma_start3A_866 = tpu.memref_slice %arg17[%dma_start3A_863, %dma_start3A_864, %dma_start3A_865] : memref<8x16x128xf32, #tpu.memory_space<vmem>> -> memref<1x16x128xf32, #tpu.memory_space<vmem>>
      %dma_start3A_867 = tpu.memref_squeeze %dma_start3A_866 : memref<1x16x128xf32, #tpu.memory_space<vmem>> -> memref<16x128xf32, #tpu.memory_space<vmem>>
      %dma_start3A_868 = arith.constant 0 : i32
      %dma_start3A_869 = tpu.memref_slice %arg6[%dma_start3A_868, %multiple_of3A_849] : memref<16x1000000xf32, #tpu.memory_space<hbm>> -> memref<16x128xf32, #tpu.memory_space<hbm>>
      %dma_start3A_870 = arith.constant 0 : i32
      %dma_start3A_871 = arith.constant 0 : i32
      %dma_start3A_872 = tpu.memref_slice %arg17[%dma_start3A_863, %dma_start3A_870, %dma_start3A_871] : memref<8x16x128xf32, #tpu.memory_space<vmem>> -> memref<1x16x128xf32, #tpu.memory_space<vmem>>
      %dma_start3A_873 = tpu.memref_squeeze %dma_start3A_872 : memref<1x16x128xf32, #tpu.memory_space<vmem>> -> memref<16x128xf32, #tpu.memory_space<vmem>>
      %dma_start3A_874 = arith.constant 0 : i32
      %dma_start3A_875 = tpu.memref_slice %arg6[%dma_start3A_874, %multiple_of3A_849] : memref<16x1000000xf32, #tpu.memory_space<hbm>> -> memref<16x128xf32, #tpu.memory_space<hbm>>
      tpu.enqueue_dma source(%dma_start3A_875 : memref<16x128xf32, #tpu.memory_space<hbm>>) target(%dma_start3A_873 : memref<16x128xf32, #tpu.memory_space<vmem>>) target_semaphore(%arg24 : memref<!tpu.dma_semaphore, #tpu.memory_space<semaphore_mem>>)
      %dma_start3A_876 = arith.constant 6 : i32
      %dma_start3A_877 = arith.constant 0 : i32
      %dma_start3A_878 = arith.constant 0 : i32
      %dma_start3A_879 = tpu.memref_slice %arg18[%dma_start3A_876, %dma_start3A_877, %dma_start3A_878] : memref<8x1x128xf32, #tpu.memory_space<vmem>> -> memref<1x1x128xf32, #tpu.memory_space<vmem>>
      %dma_start3A_880 = tpu.memref_squeeze %dma_start3A_879 : memref<1x1x128xf32, #tpu.memory_space<vmem>> -> memref<1x128xf32, #tpu.memory_space<vmem>>
      %dma_start3A_881 = arith.constant 0 : i32
      %dma_start3A_882 = tpu.memref_slice %arg5[%dma_start3A_881, %multiple_of3A_846] : memref<1x1000000xf32, #tpu.memory_space<hbm>> -> memref<1x128xf32, #tpu.memory_space<hbm>>
      %dma_start3A_883 = arith.constant 0 : i32
      %dma_start3A_884 = arith.constant 0 : i32
      %dma_start3A_885 = tpu.memref_slice %arg18[%dma_start3A_876, %dma_start3A_883, %dma_start3A_884] : memref<8x1x128xf32, #tpu.memory_space<vmem>> -> memref<1x1x128xf32, #tpu.memory_space<vmem>>
      %dma_start3A_886 = tpu.memref_squeeze %dma_start3A_885 : memref<1x1x128xf32, #tpu.memory_space<vmem>> -> memref<1x128xf32, #tpu.memory_space<vmem>>
      %dma_start3A_887 = arith.constant 0 : i32
      %dma_start3A_888 = tpu.memref_slice %arg5[%dma_start3A_887, %multiple_of3A_846] : memref<1x1000000xf32, #tpu.memory_space<hbm>> -> memref<1x128xf32, #tpu.memory_space<hbm>>
      tpu.enqueue_dma source(%dma_start3A_888 : memref<1x128xf32, #tpu.memory_space<hbm>>) target(%dma_start3A_886 : memref<1x128xf32, #tpu.memory_space<vmem>>) target_semaphore(%arg24 : memref<!tpu.dma_semaphore, #tpu.memory_space<semaphore_mem>>)
      %dma_start3A_889 = arith.constant 6 : i32
      %dma_start3A_890 = arith.constant 0 : i32
      %dma_start3A_891 = arith.constant 0 : i32
      %dma_start3A_892 = tpu.memref_slice %arg19[%dma_start3A_889, %dma_start3A_890, %dma_start3A_891] : memref<8x1x128xf32, #tpu.memory_space<vmem>> -> memref<1x1x128xf32, #tpu.memory_space<vmem>>
      %dma_start3A_893 = tpu.memref_squeeze %dma_start3A_892 : memref<1x1x128xf32, #tpu.memory_space<vmem>> -> memref<1x128xf32, #tpu.memory_space<vmem>>
      %dma_start3A_894 = arith.constant 0 : i32
      %dma_start3A_895 = tpu.memref_slice %arg7[%dma_start3A_894, %multiple_of3A_849] : memref<1x1000000xf32, #tpu.memory_space<hbm>> -> memref<1x128xf32, #tpu.memory_space<hbm>>
      %dma_start3A_896 = arith.constant 0 : i32
      %dma_start3A_897 = arith.constant 0 : i32
      %dma_start3A_898 = tpu.memref_slice %arg19[%dma_start3A_889, %dma_start3A_896, %dma_start3A_897] : memref<8x1x128xf32, #tpu.memory_space<vmem>> -> memref<1x1x128xf32, #tpu.memory_space<vmem>>
      %dma_start3A_899 = tpu.memref_squeeze %dma_start3A_898 : memref<1x1x128xf32, #tpu.memory_space<vmem>> -> memref<1x128xf32, #tpu.memory_space<vmem>>
      %dma_start3A_900 = arith.constant 0 : i32
      %dma_start3A_901 = tpu.memref_slice %arg7[%dma_start3A_900, %multiple_of3A_849] : memref<1x1000000xf32, #tpu.memory_space<hbm>> -> memref<1x128xf32, #tpu.memory_space<hbm>>
      tpu.enqueue_dma source(%dma_start3A_901 : memref<1x128xf32, #tpu.memory_space<hbm>>) target(%dma_start3A_899 : memref<1x128xf32, #tpu.memory_space<vmem>>) target_semaphore(%arg24 : memref<!tpu.dma_semaphore, #tpu.memory_space<semaphore_mem>>)
      %slice3A_902 = vector.extract_strided_slice %sub3A_491 {offsets = [15], sizes = [1], strides = [1]} : vector<16xi32> to vector<1xi32>
      %squeeze3A_903 = vector.extract %slice3A_902[0] : i32 from vector<1xi32>
      %multiple_of3A_904 = tpu.assume_multiple %squeeze3A_903, 128 : i32
      %slice3A_905 = vector.extract_strided_slice %sub3A_495 {offsets = [15], sizes = [1], strides = [1]} : vector<16xi32> to vector<1xi32>
      %squeeze3A_906 = vector.extract %slice3A_905[0] : i32 from vector<1xi32>
      %multiple_of3A_907 = tpu.assume_multiple %squeeze3A_906, 128 : i32
      %dma_start3A_908 = arith.constant 7 : i32
      %dma_start3A_909 = arith.constant 0 : i32
      %dma_start3A_910 = arith.constant 0 : i32
      %dma_start3A_911 = tpu.memref_slice %arg16[%dma_start3A_908, %dma_start3A_909, %dma_start3A_910] : memref<8x16x128xf32, #tpu.memory_space<vmem>> -> memref<1x16x128xf32, #tpu.memory_space<vmem>>
      %dma_start3A_912 = tpu.memref_squeeze %dma_start3A_911 : memref<1x16x128xf32, #tpu.memory_space<vmem>> -> memref<16x128xf32, #tpu.memory_space<vmem>>
      %dma_start3A_913 = arith.constant 0 : i32
      %dma_start3A_914 = tpu.memref_slice %arg4[%dma_start3A_913, %multiple_of3A_904] : memref<16x1000000xf32, #tpu.memory_space<hbm>> -> memref<16x128xf32, #tpu.memory_space<hbm>>
      %dma_start3A_915 = arith.constant 0 : i32
      %dma_start3A_916 = arith.constant 0 : i32
      %dma_start3A_917 = tpu.memref_slice %arg16[%dma_start3A_908, %dma_start3A_915, %dma_start3A_916] : memref<8x16x128xf32, #tpu.memory_space<vmem>> -> memref<1x16x128xf32, #tpu.memory_space<vmem>>
      %dma_start3A_918 = tpu.memref_squeeze %dma_start3A_917 : memref<1x16x128xf32, #tpu.memory_space<vmem>> -> memref<16x128xf32, #tpu.memory_space<vmem>>
      %dma_start3A_919 = arith.constant 0 : i32
      %dma_start3A_920 = tpu.memref_slice %arg4[%dma_start3A_919, %multiple_of3A_904] : memref<16x1000000xf32, #tpu.memory_space<hbm>> -> memref<16x128xf32, #tpu.memory_space<hbm>>
      tpu.enqueue_dma source(%dma_start3A_920 : memref<16x128xf32, #tpu.memory_space<hbm>>) target(%dma_start3A_918 : memref<16x128xf32, #tpu.memory_space<vmem>>) target_semaphore(%arg24 : memref<!tpu.dma_semaphore, #tpu.memory_space<semaphore_mem>>)
      %dma_start3A_921 = arith.constant 7 : i32
      %dma_start3A_922 = arith.constant 0 : i32
      %dma_start3A_923 = arith.constant 0 : i32
      %dma_start3A_924 = tpu.memref_slice %arg17[%dma_start3A_921, %dma_start3A_922, %dma_start3A_923] : memref<8x16x128xf32, #tpu.memory_space<vmem>> -> memref<1x16x128xf32, #tpu.memory_space<vmem>>
      %dma_start3A_925 = tpu.memref_squeeze %dma_start3A_924 : memref<1x16x128xf32, #tpu.memory_space<vmem>> -> memref<16x128xf32, #tpu.memory_space<vmem>>
      %dma_start3A_926 = arith.constant 0 : i32
      %dma_start3A_927 = tpu.memref_slice %arg6[%dma_start3A_926, %multiple_of3A_907] : memref<16x1000000xf32, #tpu.memory_space<hbm>> -> memref<16x128xf32, #tpu.memory_space<hbm>>
      %dma_start3A_928 = arith.constant 0 : i32
      %dma_start3A_929 = arith.constant 0 : i32
      %dma_start3A_930 = tpu.memref_slice %arg17[%dma_start3A_921, %dma_start3A_928, %dma_start3A_929] : memref<8x16x128xf32, #tpu.memory_space<vmem>> -> memref<1x16x128xf32, #tpu.memory_space<vmem>>
      %dma_start3A_931 = tpu.memref_squeeze %dma_start3A_930 : memref<1x16x128xf32, #tpu.memory_space<vmem>> -> memref<16x128xf32, #tpu.memory_space<vmem>>
      %dma_start3A_932 = arith.constant 0 : i32
      %dma_start3A_933 = tpu.memref_slice %arg6[%dma_start3A_932, %multiple_of3A_907] : memref<16x1000000xf32, #tpu.memory_space<hbm>> -> memref<16x128xf32, #tpu.memory_space<hbm>>
      tpu.enqueue_dma source(%dma_start3A_933 : memref<16x128xf32, #tpu.memory_space<hbm>>) target(%dma_start3A_931 : memref<16x128xf32, #tpu.memory_space<vmem>>) target_semaphore(%arg24 : memref<!tpu.dma_semaphore, #tpu.memory_space<semaphore_mem>>)
      %dma_start3A_934 = arith.constant 7 : i32
      %dma_start3A_935 = arith.constant 0 : i32
      %dma_start3A_936 = arith.constant 0 : i32
      %dma_start3A_937 = tpu.memref_slice %arg18[%dma_start3A_934, %dma_start3A_935, %dma_start3A_936] : memref<8x1x128xf32, #tpu.memory_space<vmem>> -> memref<1x1x128xf32, #tpu.memory_space<vmem>>
      %dma_start3A_938 = tpu.memref_squeeze %dma_start3A_937 : memref<1x1x128xf32, #tpu.memory_space<vmem>> -> memref<1x128xf32, #tpu.memory_space<vmem>>
      %dma_start3A_939 = arith.constant 0 : i32
      %dma_start3A_940 = tpu.memref_slice %arg5[%dma_start3A_939, %multiple_of3A_904] : memref<1x1000000xf32, #tpu.memory_space<hbm>> -> memref<1x128xf32, #tpu.memory_space<hbm>>
      %dma_start3A_941 = arith.constant 0 : i32
      %dma_start3A_942 = arith.constant 0 : i32
      %dma_start3A_943 = tpu.memref_slice %arg18[%dma_start3A_934, %dma_start3A_941, %dma_start3A_942] : memref<8x1x128xf32, #tpu.memory_space<vmem>> -> memref<1x1x128xf32, #tpu.memory_space<vmem>>
      %dma_start3A_944 = tpu.memref_squeeze %dma_start3A_943 : memref<1x1x128xf32, #tpu.memory_space<vmem>> -> memref<1x128xf32, #tpu.memory_space<vmem>>
      %dma_start3A_945 = arith.constant 0 : i32
      %dma_start3A_946 = tpu.memref_slice %arg5[%dma_start3A_945, %multiple_of3A_904] : memref<1x1000000xf32, #tpu.memory_space<hbm>> -> memref<1x128xf32, #tpu.memory_space<hbm>>
      tpu.enqueue_dma source(%dma_start3A_946 : memref<1x128xf32, #tpu.memory_space<hbm>>) target(%dma_start3A_944 : memref<1x128xf32, #tpu.memory_space<vmem>>) target_semaphore(%arg24 : memref<!tpu.dma_semaphore, #tpu.memory_space<semaphore_mem>>)
      %dma_start3A_947 = arith.constant 7 : i32
      %dma_start3A_948 = arith.constant 0 : i32
      %dma_start3A_949 = arith.constant 0 : i32
      %dma_start3A_950 = tpu.memref_slice %arg19[%dma_start3A_947, %dma_start3A_948, %dma_start3A_949] : memref<8x1x128xf32, #tpu.memory_space<vmem>> -> memref<1x1x128xf32, #tpu.memory_space<vmem>>
      %dma_start3A_951 = tpu.memref_squeeze %dma_start3A_950 : memref<1x1x128xf32, #tpu.memory_space<vmem>> -> memref<1x128xf32, #tpu.memory_space<vmem>>
      %dma_start3A_952 = arith.constant 0 : i32
      %dma_start3A_953 = tpu.memref_slice %arg7[%dma_start3A_952, %multiple_of3A_907] : memref<1x1000000xf32, #tpu.memory_space<hbm>> -> memref<1x128xf32, #tpu.memory_space<hbm>>
      %dma_start3A_954 = arith.constant 0 : i32
      %dma_start3A_955 = arith.constant 0 : i32
      %dma_start3A_956 = tpu.memref_slice %arg19[%dma_start3A_947, %dma_start3A_954, %dma_start3A_955] : memref<8x1x128xf32, #tpu.memory_space<vmem>> -> memref<1x1x128xf32, #tpu.memory_space<vmem>>
      %dma_start3A_957 = tpu.memref_squeeze %dma_start3A_956 : memref<1x1x128xf32, #tpu.memory_space<vmem>> -> memref<1x128xf32, #tpu.memory_space<vmem>>
      %dma_start3A_958 = arith.constant 0 : i32
      %dma_start3A_959 = tpu.memref_slice %arg7[%dma_start3A_958, %multiple_of3A_907] : memref<1x1000000xf32, #tpu.memory_space<hbm>> -> memref<1x128xf32, #tpu.memory_space<hbm>>
      tpu.enqueue_dma source(%dma_start3A_959 : memref<1x128xf32, #tpu.memory_space<hbm>>) target(%dma_start3A_957 : memref<1x128xf32, #tpu.memory_space<vmem>>) target_semaphore(%arg24 : memref<!tpu.dma_semaphore, #tpu.memory_space<semaphore_mem>>)
      %dma_wait3A = arith.constant 0 : i32
      %dma_wait3A_960 = tpu.memref_slice %arg2[%dma_wait3A] : memref<16384xi32, #tpu.memory_space<hbm>> -> memref<8704xi32, #tpu.memory_space<hbm>>
      %dma_wait3A_961 = arith.constant 0 : i32
      %dma_wait3A_962 = tpu.memref_slice %arg2[%dma_wait3A_961] : memref<16384xi32, #tpu.memory_space<hbm>> -> memref<8704xi32, #tpu.memory_space<hbm>>
      tpu.wait_dma2 semaphore(%arg23 : memref<!tpu.dma_semaphore, #tpu.memory_space<semaphore_mem>>) src(%dma_wait3A_962 : memref<8704xi32, #tpu.memory_space<hbm>>) dst(%arg22 : memref<8704xi32, #tpu.memory_space<vmem>>)
      %dma_wait3A_963 = arith.constant 0 : i32
      %dma_wait3A_964 = tpu.memref_slice %arg2[%dma_wait3A_963] : memref<16384xi32, #tpu.memory_space<hbm>> -> memref<8704xi32, #tpu.memory_space<hbm>>
      %dma_wait3A_965 = arith.constant 0 : i32
      %dma_wait3A_966 = tpu.memref_slice %arg2[%dma_wait3A_965] : memref<16384xi32, #tpu.memory_space<hbm>> -> memref<8704xi32, #tpu.memory_space<hbm>>
      tpu.wait_dma2 semaphore(%arg23 : memref<!tpu.dma_semaphore, #tpu.memory_space<semaphore_mem>>) src(%dma_wait3A_966 : memref<8704xi32, #tpu.memory_space<hbm>>) dst(%arg22 : memref<8704xi32, #tpu.memory_space<vmem>>)
      %dma_wait3A_967 = arith.constant 0 : i32
      %dma_wait3A_968 = tpu.memref_slice %arg2[%dma_wait3A_967] : memref<16384xi32, #tpu.memory_space<hbm>> -> memref<8704xi32, #tpu.memory_space<hbm>>
      %dma_wait3A_969 = arith.constant 0 : i32
      %dma_wait3A_970 = tpu.memref_slice %arg2[%dma_wait3A_969] : memref<16384xi32, #tpu.memory_space<hbm>> -> memref<8704xi32, #tpu.memory_space<hbm>>
      tpu.wait_dma2 semaphore(%arg23 : memref<!tpu.dma_semaphore, #tpu.memory_space<semaphore_mem>>) src(%dma_wait3A_970 : memref<8704xi32, #tpu.memory_space<hbm>>) dst(%arg22 : memref<8704xi32, #tpu.memory_space<vmem>>)
      %dma_wait3A_971 = arith.constant 0 : i32
      %dma_wait3A_972 = tpu.memref_slice %arg2[%dma_wait3A_971] : memref<16384xi32, #tpu.memory_space<hbm>> -> memref<8704xi32, #tpu.memory_space<hbm>>
      %dma_wait3A_973 = arith.constant 0 : i32
      %dma_wait3A_974 = tpu.memref_slice %arg2[%dma_wait3A_973] : memref<16384xi32, #tpu.memory_space<hbm>> -> memref<8704xi32, #tpu.memory_space<hbm>>
      tpu.wait_dma2 semaphore(%arg23 : memref<!tpu.dma_semaphore, #tpu.memory_space<semaphore_mem>>) src(%dma_wait3A_974 : memref<8704xi32, #tpu.memory_space<hbm>>) dst(%arg22 : memref<8704xi32, #tpu.memory_space<vmem>>)
      %sub3A_975 = arith.constant 0 : i32
      %sub3A_976 = vector.broadcast %sub3A_975 : i32 to vector<16xi32>
      %sub3A_977 = arith.subi %iota3A, %sub3A_976 : vector<16xi32>
      %jit3A = arith.constant 0 : i32
      %jit3A_978 = arith.constant 7 : i32
      %max3A = vector.broadcast %jit3A : i32 to vector<16xi32>
      %max3A_979 = arith.maxsi %max3A, %sub3A_977 : vector<16xi32>
      %min3A = vector.broadcast %jit3A_978 : i32 to vector<16xi32>
      %min3A_980 = arith.minsi %min3A, %max3A_979 : vector<16xi32>
      %and3A_981 = arith.constant 127 : i32
      %and3A_982 = vector.broadcast %and3A_981 : i32 to vector<16xi32>
      %and3A_983 = arith.andi %get3A_483, %and3A_982 : vector<16xi32>
      %and3A_984 = arith.constant 127 : i32
      %and3A_985 = vector.broadcast %and3A_984 : i32 to vector<16xi32>
      %and3A_986 = arith.andi %get3A_487, %and3A_985 : vector<16xi32>
      %broadcast_in_dim3A = arith.constant 0 : i32
      %broadcast_in_dim3A_987 = vector.broadcast %broadcast_in_dim3A : i32 to vector<16xi32>
      %gather3A = tpu.vector_load_idx %arg14[%min3A_980, %broadcast_in_dim3A_987, %and3A_983] : memref<8x1x128xf32, #tpu.memory_space<vmem>>[vector<16xi32>, vector<16xi32>, vector<16xi32>], vector<16xf32>,
      %gather3A_988 = tpu.vector_load_idx %arg15[%min3A_980, %broadcast_in_dim3A_987, %and3A_986] : memref<8x1x128xf32, #tpu.memory_space<vmem>>[vector<16xi32>, vector<16xi32>, vector<16xi32>], vector<16xf32>,
      %add3A_989 = arith.addf %gather3A, %gather3A_988 : vector<16xf32>
      %add3A_990 = arith.addf %add3A_989, %get3A_3 : vector<16xf32>
      %broadcast_in_dim3A_991 = arith.constant 0 : i32
      %broadcast_in_dim3A_992 = vector.broadcast %broadcast_in_dim3A_991 : i32 to vector<16xi32>
      %gather3A_993 = tpu.vector_load_idx %arg12[%min3A_980, %broadcast_in_dim3A_992, %and3A_983] : memref<8x16x128xf32, #tpu.memory_space<vmem>>[vector<16xi32>, vector<16xi32>, vector<16xi32>], vector<16xf32>,
      %gather3A_994 = tpu.vector_load_idx %arg13[%min3A_980, %broadcast_in_dim3A_992, %and3A_986] : memref<8x16x128xf32, #tpu.memory_space<vmem>>[vector<16xi32>, vector<16xi32>, vector<16xi32>], vector<16xf32>,
      %mul3A_995 = arith.mulf %gather3A_993, %gather3A_994 : vector<16xf32>
      %add3A_996 = arith.addf %add3A_990, %mul3A_995 : vector<16xf32>
      %broadcast_in_dim3A_997 = arith.constant 1 : i32
      %broadcast_in_dim3A_998 = vector.broadcast %broadcast_in_dim3A_997 : i32 to vector<16xi32>
      %gather3A_999 = tpu.vector_load_idx %arg12[%min3A_980, %broadcast_in_dim3A_998, %and3A_983] : memref<8x16x128xf32, #tpu.memory_space<vmem>>[vector<16xi32>, vector<16xi32>, vector<16xi32>], vector<16xf32>,
      %gather3A_1000 = tpu.vector_load_idx %arg13[%min3A_980, %broadcast_in_dim3A_998, %and3A_986] : memref<8x16x128xf32, #tpu.memory_space<vmem>>[vector<16xi32>, vector<16xi32>, vector<16xi32>], vector<16xf32>,
      %mul3A_1001 = arith.mulf %gather3A_999, %gather3A_1000 : vector<16xf32>
      %add3A_1002 = arith.addf %add3A_996, %mul3A_1001 : vector<16xf32>
      %broadcast_in_dim3A_1003 = arith.constant 2 : i32
      %broadcast_in_dim3A_1004 = vector.broadcast %broadcast_in_dim3A_1003 : i32 to vector<16xi32>
      %gather3A_1005 = tpu.vector_load_idx %arg12[%min3A_980, %broadcast_in_dim3A_1004, %and3A_983] : memref<8x16x128xf32, #tpu.memory_space<vmem>>[vector<16xi32>, vector<16xi32>, vector<16xi32>], vector<16xf32>,
      %gather3A_1006 = tpu.vector_load_idx %arg13[%min3A_980, %broadcast_in_dim3A_1004, %and3A_986] : memref<8x16x128xf32, #tpu.memory_space<vmem>>[vector<16xi32>, vector<16xi32>, vector<16xi32>], vector<16xf32>,
      %mul3A_1007 = arith.mulf %gather3A_1005, %gather3A_1006 : vector<16xf32>
      %add3A_1008 = arith.addf %add3A_1002, %mul3A_1007 : vector<16xf32>
      %broadcast_in_dim3A_1009 = arith.constant 3 : i32
      %broadcast_in_dim3A_1010 = vector.broadcast %broadcast_in_dim3A_1009 : i32 to vector<16xi32>
      %gather3A_1011 = tpu.vector_load_idx %arg12[%min3A_980, %broadcast_in_dim3A_1010, %and3A_983] : memref<8x16x128xf32, #tpu.memory_space<vmem>>[vector<16xi32>, vector<16xi32>, vector<16xi32>], vector<16xf32>,
      %gather3A_1012 = tpu.vector_load_idx %arg13[%min3A_980, %broadcast_in_dim3A_1010, %and3A_986] : memref<8x16x128xf32, #tpu.memory_space<vmem>>[vector<16xi32>, vector<16xi32>, vector<16xi32>], vector<16xf32>,
      %mul3A_1013 = arith.mulf %gather3A_1011, %gather3A_1012 : vector<16xf32>
      %add3A_1014 = arith.addf %add3A_1008, %mul3A_1013 : vector<16xf32>
      %broadcast_in_dim3A_1015 = arith.constant 4 : i32
      %broadcast_in_dim3A_1016 = vector.broadcast %broadcast_in_dim3A_1015 : i32 to vector<16xi32>
      %gather3A_1017 = tpu.vector_load_idx %arg12[%min3A_980, %broadcast_in_dim3A_1016, %and3A_983] : memref<8x16x128xf32, #tpu.memory_space<vmem>>[vector<16xi32>, vector<16xi32>, vector<16xi32>], vector<16xf32>,
      %gather3A_1018 = tpu.vector_load_idx %arg13[%min3A_980, %broadcast_in_dim3A_1016, %and3A_986] : memref<8x16x128xf32, #tpu.memory_space<vmem>>[vector<16xi32>, vector<16xi32>, vector<16xi32>], vector<16xf32>,
      %mul3A_1019 = arith.mulf %gather3A_1017, %gather3A_1018 : vector<16xf32>
      %add3A_1020 = arith.addf %add3A_1014, %mul3A_1019 : vector<16xf32>
      %broadcast_in_dim3A_1021 = arith.constant 5 : i32
      %broadcast_in_dim3A_1022 = vector.broadcast %broadcast_in_dim3A_1021 : i32 to vector<16xi32>
      %gather3A_1023 = tpu.vector_load_idx %arg12[%min3A_980, %broadcast_in_dim3A_1022, %and3A_983] : memref<8x16x128xf32, #tpu.memory_space<vmem>>[vector<16xi32>, vector<16xi32>, vector<16xi32>], vector<16xf32>,
      %gather3A_1024 = tpu.vector_load_idx %arg13[%min3A_980, %broadcast_in_dim3A_1022, %and3A_986] : memref<8x16x128xf32, #tpu.memory_space<vmem>>[vector<16xi32>, vector<16xi32>, vector<16xi32>], vector<16xf32>,
      %mul3A_1025 = arith.mulf %gather3A_1023, %gather3A_1024 : vector<16xf32>
      %add3A_1026 = arith.addf %add3A_1020, %mul3A_1025 : vector<16xf32>
      %broadcast_in_dim3A_1027 = arith.constant 6 : i32
      %broadcast_in_dim3A_1028 = vector.broadcast %broadcast_in_dim3A_1027 : i32 to vector<16xi32>
      %gather3A_1029 = tpu.vector_load_idx %arg12[%min3A_980, %broadcast_in_dim3A_1028, %and3A_983] : memref<8x16x128xf32, #tpu.memory_space<vmem>>[vector<16xi32>, vector<16xi32>, vector<16xi32>], vector<16xf32>,
      %gather3A_1030 = tpu.vector_load_idx %arg13[%min3A_980, %broadcast_in_dim3A_1028, %and3A_986] : memref<8x16x128xf32, #tpu.memory_space<vmem>>[vector<16xi32>, vector<16xi32>, vector<16xi32>], vector<16xf32>,
      %mul3A_1031 = arith.mulf %gather3A_1029, %gather3A_1030 : vector<16xf32>
      %add3A_1032 = arith.addf %add3A_1026, %mul3A_1031 : vector<16xf32>
      %broadcast_in_dim3A_1033 = arith.constant 7 : i32
      %broadcast_in_dim3A_1034 = vector.broadcast %broadcast_in_dim3A_1033 : i32 to vector<16xi32>
      %gather3A_1035 = tpu.vector_load_idx %arg12[%min3A_980, %broadcast_in_dim3A_1034, %and3A_983] : memref<8x16x128xf32, #tpu.memory_space<vmem>>[vector<16xi32>, vector<16xi32>, vector<16xi32>], vector<16xf32>,
      %gather3A_1036 = tpu.vector_load_idx %arg13[%min3A_980, %broadcast_in_dim3A_1034, %and3A_986] : memref<8x16x128xf32, #tpu.memory_space<vmem>>[vector<16xi32>, vector<16xi32>, vector<16xi32>], vector<16xf32>,
      %mul3A_1037 = arith.mulf %gather3A_1035, %gather3A_1036 : vector<16xf32>
      %add3A_1038 = arith.addf %add3A_1032, %mul3A_1037 : vector<16xf32>
      %broadcast_in_dim3A_1039 = arith.constant 8 : i32
      %broadcast_in_dim3A_1040 = vector.broadcast %broadcast_in_dim3A_1039 : i32 to vector<16xi32>
      %gather3A_1041 = tpu.vector_load_idx %arg12[%min3A_980, %broadcast_in_dim3A_1040, %and3A_983] : memref<8x16x128xf32, #tpu.memory_space<vmem>>[vector<16xi32>, vector<16xi32>, vector<16xi32>], vector<16xf32>,
      %gather3A_1042 = tpu.vector_load_idx %arg13[%min3A_980, %broadcast_in_dim3A_1040, %and3A_986] : memref<8x16x128xf32, #tpu.memory_space<vmem>>[vector<16xi32>, vector<16xi32>, vector<16xi32>], vector<16xf32>,
      %mul3A_1043 = arith.mulf %gather3A_1041, %gather3A_1042 : vector<16xf32>
      %add3A_1044 = arith.addf %add3A_1038, %mul3A_1043 : vector<16xf32>
      %broadcast_in_dim3A_1045 = arith.constant 9 : i32
      %broadcast_in_dim3A_1046 = vector.broadcast %broadcast_in_dim3A_1045 : i32 to vector<16xi32>
      %gather3A_1047 = tpu.vector_load_idx %arg12[%min3A_980, %broadcast_in_dim3A_1046, %and3A_983] : memref<8x16x128xf32, #tpu.memory_space<vmem>>[vector<16xi32>, vector<16xi32>, vector<16xi32>], vector<16xf32>,
      %gather3A_1048 = tpu.vector_load_idx %arg13[%min3A_980, %broadcast_in_dim3A_1046, %and3A_986] : memref<8x16x128xf32, #tpu.memory_space<vmem>>[vector<16xi32>, vector<16xi32>, vector<16xi32>], vector<16xf32>,
      %mul3A_1049 = arith.mulf %gather3A_1047, %gather3A_1048 : vector<16xf32>
      %add3A_1050 = arith.addf %add3A_1044, %mul3A_1049 : vector<16xf32>
      %broadcast_in_dim3A_1051 = arith.constant 10 : i32
      %broadcast_in_dim3A_1052 = vector.broadcast %broadcast_in_dim3A_1051 : i32 to vector<16xi32>
      %gather3A_1053 = tpu.vector_load_idx %arg12[%min3A_980, %broadcast_in_dim3A_1052, %and3A_983] : memref<8x16x128xf32, #tpu.memory_space<vmem>>[vector<16xi32>, vector<16xi32>, vector<16xi32>], vector<16xf32>,
      %gather3A_1054 = tpu.vector_load_idx %arg13[%min3A_980, %broadcast_in_dim3A_1052, %and3A_986] : memref<8x16x128xf32, #tpu.memory_space<vmem>>[vector<16xi32>, vector<16xi32>, vector<16xi32>], vector<16xf32>,
      %mul3A_1055 = arith.mulf %gather3A_1053, %gather3A_1054 : vector<16xf32>
      %add3A_1056 = arith.addf %add3A_1050, %mul3A_1055 : vector<16xf32>
      %broadcast_in_dim3A_1057 = arith.constant 11 : i32
      %broadcast_in_dim3A_1058 = vector.broadcast %broadcast_in_dim3A_1057 : i32 to vector<16xi32>
      %gather3A_1059 = tpu.vector_load_idx %arg12[%min3A_980, %broadcast_in_dim3A_1058, %and3A_983] : memref<8x16x128xf32, #tpu.memory_space<vmem>>[vector<16xi32>, vector<16xi32>, vector<16xi32>], vector<16xf32>,
      %gather3A_1060 = tpu.vector_load_idx %arg13[%min3A_980, %broadcast_in_dim3A_1058, %and3A_986] : memref<8x16x128xf32, #tpu.memory_space<vmem>>[vector<16xi32>, vector<16xi32>, vector<16xi32>], vector<16xf32>,
      %mul3A_1061 = arith.mulf %gather3A_1059, %gather3A_1060 : vector<16xf32>
      %add3A_1062 = arith.addf %add3A_1056, %mul3A_1061 : vector<16xf32>
      %broadcast_in_dim3A_1063 = arith.constant 12 : i32
      %broadcast_in_dim3A_1064 = vector.broadcast %broadcast_in_dim3A_1063 : i32 to vector<16xi32>
      %gather3A_1065 = tpu.vector_load_idx %arg12[%min3A_980, %broadcast_in_dim3A_1064, %and3A_983] : memref<8x16x128xf32, #tpu.memory_space<vmem>>[vector<16xi32>, vector<16xi32>, vector<16xi32>], vector<16xf32>,
      %gather3A_1066 = tpu.vector_load_idx %arg13[%min3A_980, %broadcast_in_dim3A_1064, %and3A_986] : memref<8x16x128xf32, #tpu.memory_space<vmem>>[vector<16xi32>, vector<16xi32>, vector<16xi32>], vector<16xf32>,
      %mul3A_1067 = arith.mulf %gather3A_1065, %gather3A_1066 : vector<16xf32>
      %add3A_1068 = arith.addf %add3A_1062, %mul3A_1067 : vector<16xf32>
      %broadcast_in_dim3A_1069 = arith.constant 13 : i32
      %broadcast_in_dim3A_1070 = vector.broadcast %broadcast_in_dim3A_1069 : i32 to vector<16xi32>
      %gather3A_1071 = tpu.vector_load_idx %arg12[%min3A_980, %broadcast_in_dim3A_1070, %and3A_983] : memref<8x16x128xf32, #tpu.memory_space<vmem>>[vector<16xi32>, vector<16xi32>, vector<16xi32>], vector<16xf32>,
      %gather3A_1072 = tpu.vector_load_idx %arg13[%min3A_980, %broadcast_in_dim3A_1070, %and3A_986] : memref<8x16x128xf32, #tpu.memory_space<vmem>>[vector<16xi32>, vector<16xi32>, vector<16xi32>], vector<16xf32>,
      %mul3A_1073 = arith.mulf %gather3A_1071, %gather3A_1072 : vector<16xf32>
      %add3A_1074 = arith.addf %add3A_1068, %mul3A_1073 : vector<16xf32>
      %broadcast_in_dim3A_1075 = arith.constant 14 : i32
      %broadcast_in_dim3A_1076 = vector.broadcast %broadcast_in_dim3A_1075 : i32 to vector<16xi32>
      %gather3A_1077 = tpu.vector_load_idx %arg12[%min3A_980, %broadcast_in_dim3A_1076, %and3A_983] : memref<8x16x128xf32, #tpu.memory_space<vmem>>[vector<16xi32>, vector<16xi32>, vector<16xi32>], vector<16xf32>,
      %gather3A_1078 = tpu.vector_load_idx %arg13[%min3A_980, %broadcast_in_dim3A_1076, %and3A_986] : memref<8x16x128xf32, #tpu.memory_space<vmem>>[vector<16xi32>, vector<16xi32>, vector<16xi32>], vector<16xf32>,
      %mul3A_1079 = arith.mulf %gather3A_1077, %gather3A_1078 : vector<16xf32>
      %add3A_1080 = arith.addf %add3A_1074, %mul3A_1079 : vector<16xf32>
      %broadcast_in_dim3A_1081 = arith.constant 15 : i32
      %broadcast_in_dim3A_1082 = vector.broadcast %broadcast_in_dim3A_1081 : i32 to vector<16xi32>
      %gather3A_1083 = tpu.vector_load_idx %arg12[%min3A_980, %broadcast_in_dim3A_1082, %and3A_983] : memref<8x16x128xf32, #tpu.memory_space<vmem>>[vector<16xi32>, vector<16xi32>, vector<16xi32>], vector<16xf32>,
      %gather3A_1084 = tpu.vector_load_idx %arg13[%min3A_980, %broadcast_in_dim3A_1082, %and3A_986] : memref<8x16x128xf32, #tpu.memory_space<vmem>>[vector<16xi32>, vector<16xi32>, vector<16xi32>], vector<16xf32>,
      %mul3A_1085 = arith.mulf %gather3A_1083, %gather3A_1084 : vector<16xf32>
      %add3A_1086 = arith.addf %add3A_1080, %mul3A_1085 : vector<16xf32>
      %lt3A = arith.constant 31 : i32
      %lt3A_1087 = arith.cmpi slt, %scan3A_479, %lt3A : i32
      %convert_element_type3A = arith.extui %lt3A_1087 : i1 to i32
      %cond3A = arith.constant 0 : i32
      %cond3A_1088 = arith.cmpi ne, %convert_element_type3A, %cond3A : i32
      scf.if %cond3A_1088 {
        %add3A_1235 = arith.constant 1 : i32
        %add3A_1236 = arith.addi %scan3A_479, %add3A_1235 : i32
        %mul3A_1237 = arith.constant 16 : i32
        %mul3A_1238 = arith.muli %add3A_1236, %mul3A_1237 : i32
        %get3A_1239 = arith.index_cast %mul3A_1238 : i32 to index
        %get3A_1240 = tpu.vector_load %arg10[%get3A_1239] {strides = array<i32>} : memref<512xi32, #tpu.memory_space<vmem>>, vector<16xi32>,
        %mul3A_1241 = arith.constant 16 : i32
        %mul3A_1242 = arith.muli %add3A_1236, %mul3A_1241 : i32
        %get3A_1243 = arith.index_cast %mul3A_1242 : i32 to index
        %get3A_1244 = tpu.vector_load %arg11[%get3A_1243] {strides = array<i32>} : memref<512xi32, #tpu.memory_space<vmem>>, vector<16xi32>,
        %and3A_1245 = arith.constant 127 : i32
        %and3A_1246 = vector.broadcast %and3A_1245 : i32 to vector<16xi32>
        %and3A_1247 = arith.andi %get3A_1240, %and3A_1246 : vector<16xi32>
        %sub3A_1248 = arith.subi %get3A_1240, %and3A_1247 : vector<16xi32>
        %and3A_1249 = arith.constant 127 : i32
        %and3A_1250 = vector.broadcast %and3A_1249 : i32 to vector<16xi32>
        %and3A_1251 = arith.andi %get3A_1244, %and3A_1250 : vector<16xi32>
        %sub3A_1252 = arith.subi %get3A_1244, %and3A_1251 : vector<16xi32>
        %slice3A_1253 = vector.extract_strided_slice %sub3A_1248 {offsets = [0], sizes = [1], strides = [1]} : vector<16xi32> to vector<1xi32>
        %squeeze3A_1254 = vector.extract %slice3A_1253[0] : i32 from vector<1xi32>
        %multiple_of3A_1255 = tpu.assume_multiple %squeeze3A_1254, 128 : i32
        %slice3A_1256 = vector.extract_strided_slice %sub3A_1252 {offsets = [0], sizes = [1], strides = [1]} : vector<16xi32> to vector<1xi32>
        %squeeze3A_1257 = vector.extract %slice3A_1256[0] : i32 from vector<1xi32>
        %multiple_of3A_1258 = tpu.assume_multiple %squeeze3A_1257, 128 : i32
        %dma_start3A_1259 = arith.constant 0 : i32
        %dma_start3A_1260 = arith.constant 0 : i32
        %dma_start3A_1261 = arith.constant 0 : i32
        %dma_start3A_1262 = tpu.memref_slice %arg12[%dma_start3A_1259, %dma_start3A_1260, %dma_start3A_1261] : memref<8x16x128xf32, #tpu.memory_space<vmem>> -> memref<1x16x128xf32, #tpu.memory_space<vmem>>
        %dma_start3A_1263 = tpu.memref_squeeze %dma_start3A_1262 : memref<1x16x128xf32, #tpu.memory_space<vmem>> -> memref<16x128xf32, #tpu.memory_space<vmem>>
        %dma_start3A_1264 = arith.constant 0 : i32
        %dma_start3A_1265 = tpu.memref_slice %arg4[%dma_start3A_1264, %multiple_of3A_1255] : memref<16x1000000xf32, #tpu.memory_space<hbm>> -> memref<16x128xf32, #tpu.memory_space<hbm>>
        %dma_start3A_1266 = arith.constant 0 : i32
        %dma_start3A_1267 = arith.constant 0 : i32
        %dma_start3A_1268 = tpu.memref_slice %arg12[%dma_start3A_1259, %dma_start3A_1266, %dma_start3A_1267] : memref<8x16x128xf32, #tpu.memory_space<vmem>> -> memref<1x16x128xf32, #tpu.memory_space<vmem>>
        %dma_start3A_1269 = tpu.memref_squeeze %dma_start3A_1268 : memref<1x16x128xf32, #tpu.memory_space<vmem>> -> memref<16x128xf32, #tpu.memory_space<vmem>>
        %dma_start3A_1270 = arith.constant 0 : i32
        %dma_start3A_1271 = tpu.memref_slice %arg4[%dma_start3A_1270, %multiple_of3A_1255] : memref<16x1000000xf32, #tpu.memory_space<hbm>> -> memref<16x128xf32, #tpu.memory_space<hbm>>
        tpu.enqueue_dma source(%dma_start3A_1271 : memref<16x128xf32, #tpu.memory_space<hbm>>) target(%dma_start3A_1269 : memref<16x128xf32, #tpu.memory_space<vmem>>) target_semaphore(%arg23 : memref<!tpu.dma_semaphore, #tpu.memory_space<semaphore_mem>>)
        %dma_start3A_1272 = arith.constant 0 : i32
        %dma_start3A_1273 = arith.constant 0 : i32
        %dma_start3A_1274 = arith.constant 0 : i32
        %dma_start3A_1275 = tpu.memref_slice %arg13[%dma_start3A_1272, %dma_start3A_1273, %dma_start3A_1274] : memref<8x16x128xf32, #tpu.memory_space<vmem>> -> memref<1x16x128xf32, #tpu.memory_space<vmem>>
        %dma_start3A_1276 = tpu.memref_squeeze %dma_start3A_1275 : memref<1x16x128xf32, #tpu.memory_space<vmem>> -> memref<16x128xf32, #tpu.memory_space<vmem>>
        %dma_start3A_1277 = arith.constant 0 : i32
        %dma_start3A_1278 = tpu.memref_slice %arg6[%dma_start3A_1277, %multiple_of3A_1258] : memref<16x1000000xf32, #tpu.memory_space<hbm>> -> memref<16x128xf32, #tpu.memory_space<hbm>>
        %dma_start3A_1279 = arith.constant 0 : i32
        %dma_start3A_1280 = arith.constant 0 : i32
        %dma_start3A_1281 = tpu.memref_slice %arg13[%dma_start3A_1272, %dma_start3A_1279, %dma_start3A_1280] : memref<8x16x128xf32, #tpu.memory_space<vmem>> -> memref<1x16x128xf32, #tpu.memory_space<vmem>>
        %dma_start3A_1282 = tpu.memref_squeeze %dma_start3A_1281 : memref<1x16x128xf32, #tpu.memory_space<vmem>> -> memref<16x128xf32, #tpu.memory_space<vmem>>
        %dma_start3A_1283 = arith.constant 0 : i32
        %dma_start3A_1284 = tpu.memref_slice %arg6[%dma_start3A_1283, %multiple_of3A_1258] : memref<16x1000000xf32, #tpu.memory_space<hbm>> -> memref<16x128xf32, #tpu.memory_space<hbm>>
        tpu.enqueue_dma source(%dma_start3A_1284 : memref<16x128xf32, #tpu.memory_space<hbm>>) target(%dma_start3A_1282 : memref<16x128xf32, #tpu.memory_space<vmem>>) target_semaphore(%arg23 : memref<!tpu.dma_semaphore, #tpu.memory_space<semaphore_mem>>)
        %dma_start3A_1285 = arith.constant 0 : i32
        %dma_start3A_1286 = arith.constant 0 : i32
        %dma_start3A_1287 = arith.constant 0 : i32
        %dma_start3A_1288 = tpu.memref_slice %arg14[%dma_start3A_1285, %dma_start3A_1286, %dma_start3A_1287] : memref<8x1x128xf32, #tpu.memory_space<vmem>> -> memref<1x1x128xf32, #tpu.memory_space<vmem>>
        %dma_start3A_1289 = tpu.memref_squeeze %dma_start3A_1288 : memref<1x1x128xf32, #tpu.memory_space<vmem>> -> memref<1x128xf32, #tpu.memory_space<vmem>>
        %dma_start3A_1290 = arith.constant 0 : i32
        %dma_start3A_1291 = tpu.memref_slice %arg5[%dma_start3A_1290, %multiple_of3A_1255] : memref<1x1000000xf32, #tpu.memory_space<hbm>> -> memref<1x128xf32, #tpu.memory_space<hbm>>
        %dma_start3A_1292 = arith.constant 0 : i32
        %dma_start3A_1293 = arith.constant 0 : i32
        %dma_start3A_1294 = tpu.memref_slice %arg14[%dma_start3A_1285, %dma_start3A_1292, %dma_start3A_1293] : memref<8x1x128xf32, #tpu.memory_space<vmem>> -> memref<1x1x128xf32, #tpu.memory_space<vmem>>
        %dma_start3A_1295 = tpu.memref_squeeze %dma_start3A_1294 : memref<1x1x128xf32, #tpu.memory_space<vmem>> -> memref<1x128xf32, #tpu.memory_space<vmem>>
        %dma_start3A_1296 = arith.constant 0 : i32
        %dma_start3A_1297 = tpu.memref_slice %arg5[%dma_start3A_1296, %multiple_of3A_1255] : memref<1x1000000xf32, #tpu.memory_space<hbm>> -> memref<1x128xf32, #tpu.memory_space<hbm>>
        tpu.enqueue_dma source(%dma_start3A_1297 : memref<1x128xf32, #tpu.memory_space<hbm>>) target(%dma_start3A_1295 : memref<1x128xf32, #tpu.memory_space<vmem>>) target_semaphore(%arg23 : memref<!tpu.dma_semaphore, #tpu.memory_space<semaphore_mem>>)
        %dma_start3A_1298 = arith.constant 0 : i32
        %dma_start3A_1299 = arith.constant 0 : i32
        %dma_start3A_1300 = arith.constant 0 : i32
        %dma_start3A_1301 = tpu.memref_slice %arg15[%dma_start3A_1298, %dma_start3A_1299, %dma_start3A_1300] : memref<8x1x128xf32, #tpu.memory_space<vmem>> -> memref<1x1x128xf32, #tpu.memory_space<vmem>>
        %dma_start3A_1302 = tpu.memref_squeeze %dma_start3A_1301 : memref<1x1x128xf32, #tpu.memory_space<vmem>> -> memref<1x128xf32, #tpu.memory_space<vmem>>
        %dma_start3A_1303 = arith.constant 0 : i32
        %dma_start3A_1304 = tpu.memref_slice %arg7[%dma_start3A_1303, %multiple_of3A_1258] : memref<1x1000000xf32, #tpu.memory_space<hbm>> -> memref<1x128xf32, #tpu.memory_space<hbm>>
        %dma_start3A_1305 = arith.constant 0 : i32
        %dma_start3A_1306 = arith.constant 0 : i32
        %dma_start3A_1307 = tpu.memref_slice %arg15[%dma_start3A_1298, %dma_start3A_1305, %dma_start3A_1306] : memref<8x1x128xf32, #tpu.memory_space<vmem>> -> memref<1x1x128xf32, #tpu.memory_space<vmem>>
        %dma_start3A_1308 = tpu.memref_squeeze %dma_start3A_1307 : memref<1x1x128xf32, #tpu.memory_space<vmem>> -> memref<1x128xf32, #tpu.memory_space<vmem>>
        %dma_start3A_1309 = arith.constant 0 : i32
        %dma_start3A_1310 = tpu.memref_slice %arg7[%dma_start3A_1309, %multiple_of3A_1258] : memref<1x1000000xf32, #tpu.memory_space<hbm>> -> memref<1x128xf32, #tpu.memory_space<hbm>>
        tpu.enqueue_dma source(%dma_start3A_1310 : memref<1x128xf32, #tpu.memory_space<hbm>>) target(%dma_start3A_1308 : memref<1x128xf32, #tpu.memory_space<vmem>>) target_semaphore(%arg23 : memref<!tpu.dma_semaphore, #tpu.memory_space<semaphore_mem>>)
        %slice3A_1311 = vector.extract_strided_slice %sub3A_1248 {offsets = [1], sizes = [1], strides = [1]} : vector<16xi32> to vector<1xi32>
        %squeeze3A_1312 = vector.extract %slice3A_1311[0] : i32 from vector<1xi32>
        %multiple_of3A_1313 = tpu.assume_multiple %squeeze3A_1312, 128 : i32
        %slice3A_1314 = vector.extract_strided_slice %sub3A_1252 {offsets = [1], sizes = [1], strides = [1]} : vector<16xi32> to vector<1xi32>
        %squeeze3A_1315 = vector.extract %slice3A_1314[0] : i32 from vector<1xi32>
        %multiple_of3A_1316 = tpu.assume_multiple %squeeze3A_1315, 128 : i32
        %dma_start3A_1317 = arith.constant 1 : i32
        %dma_start3A_1318 = arith.constant 0 : i32
        %dma_start3A_1319 = arith.constant 0 : i32
        %dma_start3A_1320 = tpu.memref_slice %arg12[%dma_start3A_1317, %dma_start3A_1318, %dma_start3A_1319] : memref<8x16x128xf32, #tpu.memory_space<vmem>> -> memref<1x16x128xf32, #tpu.memory_space<vmem>>
        %dma_start3A_1321 = tpu.memref_squeeze %dma_start3A_1320 : memref<1x16x128xf32, #tpu.memory_space<vmem>> -> memref<16x128xf32, #tpu.memory_space<vmem>>
        %dma_start3A_1322 = arith.constant 0 : i32
        %dma_start3A_1323 = tpu.memref_slice %arg4[%dma_start3A_1322, %multiple_of3A_1313] : memref<16x1000000xf32, #tpu.memory_space<hbm>> -> memref<16x128xf32, #tpu.memory_space<hbm>>
        %dma_start3A_1324 = arith.constant 0 : i32
        %dma_start3A_1325 = arith.constant 0 : i32
        %dma_start3A_1326 = tpu.memref_slice %arg12[%dma_start3A_1317, %dma_start3A_1324, %dma_start3A_1325] : memref<8x16x128xf32, #tpu.memory_space<vmem>> -> memref<1x16x128xf32, #tpu.memory_space<vmem>>
        %dma_start3A_1327 = tpu.memref_squeeze %dma_start3A_1326 : memref<1x16x128xf32, #tpu.memory_space<vmem>> -> memref<16x128xf32, #tpu.memory_space<vmem>>
        %dma_start3A_1328 = arith.constant 0 : i32
        %dma_start3A_1329 = tpu.memref_slice %arg4[%dma_start3A_1328, %multiple_of3A_1313] : memref<16x1000000xf32, #tpu.memory_space<hbm>> -> memref<16x128xf32, #tpu.memory_space<hbm>>
        tpu.enqueue_dma source(%dma_start3A_1329 : memref<16x128xf32, #tpu.memory_space<hbm>>) target(%dma_start3A_1327 : memref<16x128xf32, #tpu.memory_space<vmem>>) target_semaphore(%arg23 : memref<!tpu.dma_semaphore, #tpu.memory_space<semaphore_mem>>)
        %dma_start3A_1330 = arith.constant 1 : i32
        %dma_start3A_1331 = arith.constant 0 : i32
        %dma_start3A_1332 = arith.constant 0 : i32
        %dma_start3A_1333 = tpu.memref_slice %arg13[%dma_start3A_1330, %dma_start3A_1331, %dma_start3A_1332] : memref<8x16x128xf32, #tpu.memory_space<vmem>> -> memref<1x16x128xf32, #tpu.memory_space<vmem>>
        %dma_start3A_1334 = tpu.memref_squeeze %dma_start3A_1333 : memref<1x16x128xf32, #tpu.memory_space<vmem>> -> memref<16x128xf32, #tpu.memory_space<vmem>>
        %dma_start3A_1335 = arith.constant 0 : i32
        %dma_start3A_1336 = tpu.memref_slice %arg6[%dma_start3A_1335, %multiple_of3A_1316] : memref<16x1000000xf32, #tpu.memory_space<hbm>> -> memref<16x128xf32, #tpu.memory_space<hbm>>
        %dma_start3A_1337 = arith.constant 0 : i32
        %dma_start3A_1338 = arith.constant 0 : i32
        %dma_start3A_1339 = tpu.memref_slice %arg13[%dma_start3A_1330, %dma_start3A_1337, %dma_start3A_1338] : memref<8x16x128xf32, #tpu.memory_space<vmem>> -> memref<1x16x128xf32, #tpu.memory_space<vmem>>
        %dma_start3A_1340 = tpu.memref_squeeze %dma_start3A_1339 : memref<1x16x128xf32, #tpu.memory_space<vmem>> -> memref<16x128xf32, #tpu.memory_space<vmem>>
        %dma_start3A_1341 = arith.constant 0 : i32
        %dma_start3A_1342 = tpu.memref_slice %arg6[%dma_start3A_1341, %multiple_of3A_1316] : memref<16x1000000xf32, #tpu.memory_space<hbm>> -> memref<16x128xf32, #tpu.memory_space<hbm>>
        tpu.enqueue_dma source(%dma_start3A_1342 : memref<16x128xf32, #tpu.memory_space<hbm>>) target(%dma_start3A_1340 : memref<16x128xf32, #tpu.memory_space<vmem>>) target_semaphore(%arg23 : memref<!tpu.dma_semaphore, #tpu.memory_space<semaphore_mem>>)
        %dma_start3A_1343 = arith.constant 1 : i32
        %dma_start3A_1344 = arith.constant 0 : i32
        %dma_start3A_1345 = arith.constant 0 : i32
        %dma_start3A_1346 = tpu.memref_slice %arg14[%dma_start3A_1343, %dma_start3A_1344, %dma_start3A_1345] : memref<8x1x128xf32, #tpu.memory_space<vmem>> -> memref<1x1x128xf32, #tpu.memory_space<vmem>>
        %dma_start3A_1347 = tpu.memref_squeeze %dma_start3A_1346 : memref<1x1x128xf32, #tpu.memory_space<vmem>> -> memref<1x128xf32, #tpu.memory_space<vmem>>
        %dma_start3A_1348 = arith.constant 0 : i32
        %dma_start3A_1349 = tpu.memref_slice %arg5[%dma_start3A_1348, %multiple_of3A_1313] : memref<1x1000000xf32, #tpu.memory_space<hbm>> -> memref<1x128xf32, #tpu.memory_space<hbm>>
        %dma_start3A_1350 = arith.constant 0 : i32
        %dma_start3A_1351 = arith.constant 0 : i32
        %dma_start3A_1352 = tpu.memref_slice %arg14[%dma_start3A_1343, %dma_start3A_1350, %dma_start3A_1351] : memref<8x1x128xf32, #tpu.memory_space<vmem>> -> memref<1x1x128xf32, #tpu.memory_space<vmem>>
        %dma_start3A_1353 = tpu.memref_squeeze %dma_start3A_1352 : memref<1x1x128xf32, #tpu.memory_space<vmem>> -> memref<1x128xf32, #tpu.memory_space<vmem>>
        %dma_start3A_1354 = arith.constant 0 : i32
        %dma_start3A_1355 = tpu.memref_slice %arg5[%dma_start3A_1354, %multiple_of3A_1313] : memref<1x1000000xf32, #tpu.memory_space<hbm>> -> memref<1x128xf32, #tpu.memory_space<hbm>>
        tpu.enqueue_dma source(%dma_start3A_1355 : memref<1x128xf32, #tpu.memory_space<hbm>>) target(%dma_start3A_1353 : memref<1x128xf32, #tpu.memory_space<vmem>>) target_semaphore(%arg23 : memref<!tpu.dma_semaphore, #tpu.memory_space<semaphore_mem>>)
        %dma_start3A_1356 = arith.constant 1 : i32
        %dma_start3A_1357 = arith.constant 0 : i32
        %dma_start3A_1358 = arith.constant 0 : i32
        %dma_start3A_1359 = tpu.memref_slice %arg15[%dma_start3A_1356, %dma_start3A_1357, %dma_start3A_1358] : memref<8x1x128xf32, #tpu.memory_space<vmem>> -> memref<1x1x128xf32, #tpu.memory_space<vmem>>
        %dma_start3A_1360 = tpu.memref_squeeze %dma_start3A_1359 : memref<1x1x128xf32, #tpu.memory_space<vmem>> -> memref<1x128xf32, #tpu.memory_space<vmem>>
        %dma_start3A_1361 = arith.constant 0 : i32
        %dma_start3A_1362 = tpu.memref_slice %arg7[%dma_start3A_1361, %multiple_of3A_1316] : memref<1x1000000xf32, #tpu.memory_space<hbm>> -> memref<1x128xf32, #tpu.memory_space<hbm>>
        %dma_start3A_1363 = arith.constant 0 : i32
        %dma_start3A_1364 = arith.constant 0 : i32
        %dma_start3A_1365 = tpu.memref_slice %arg15[%dma_start3A_1356, %dma_start3A_1363, %dma_start3A_1364] : memref<8x1x128xf32, #tpu.memory_space<vmem>> -> memref<1x1x128xf32, #tpu.memory_space<vmem>>
        %dma_start3A_1366 = tpu.memref_squeeze %dma_start3A_1365 : memref<1x1x128xf32, #tpu.memory_space<vmem>> -> memref<1x128xf32, #tpu.memory_space<vmem>>
        %dma_start3A_1367 = arith.constant 0 : i32
        %dma_start3A_1368 = tpu.memref_slice %arg7[%dma_start3A_1367, %multiple_of3A_1316] : memref<1x1000000xf32, #tpu.memory_space<hbm>> -> memref<1x128xf32, #tpu.memory_space<hbm>>
        tpu.enqueue_dma source(%dma_start3A_1368 : memref<1x128xf32, #tpu.memory_space<hbm>>) target(%dma_start3A_1366 : memref<1x128xf32, #tpu.memory_space<vmem>>) target_semaphore(%arg23 : memref<!tpu.dma_semaphore, #tpu.memory_space<semaphore_mem>>)
        %slice3A_1369 = vector.extract_strided_slice %sub3A_1248 {offsets = [2], sizes = [1], strides = [1]} : vector<16xi32> to vector<1xi32>
        %squeeze3A_1370 = vector.extract %slice3A_1369[0] : i32 from vector<1xi32>
        %multiple_of3A_1371 = tpu.assume_multiple %squeeze3A_1370, 128 : i32
        %slice3A_1372 = vector.extract_strided_slice %sub3A_1252 {offsets = [2], sizes = [1], strides = [1]} : vector<16xi32> to vector<1xi32>
        %squeeze3A_1373 = vector.extract %slice3A_1372[0] : i32 from vector<1xi32>
        %multiple_of3A_1374 = tpu.assume_multiple %squeeze3A_1373, 128 : i32
        %dma_start3A_1375 = arith.constant 2 : i32
        %dma_start3A_1376 = arith.constant 0 : i32
        %dma_start3A_1377 = arith.constant 0 : i32
        %dma_start3A_1378 = tpu.memref_slice %arg12[%dma_start3A_1375, %dma_start3A_1376, %dma_start3A_1377] : memref<8x16x128xf32, #tpu.memory_space<vmem>> -> memref<1x16x128xf32, #tpu.memory_space<vmem>>
        %dma_start3A_1379 = tpu.memref_squeeze %dma_start3A_1378 : memref<1x16x128xf32, #tpu.memory_space<vmem>> -> memref<16x128xf32, #tpu.memory_space<vmem>>
        %dma_start3A_1380 = arith.constant 0 : i32
        %dma_start3A_1381 = tpu.memref_slice %arg4[%dma_start3A_1380, %multiple_of3A_1371] : memref<16x1000000xf32, #tpu.memory_space<hbm>> -> memref<16x128xf32, #tpu.memory_space<hbm>>
        %dma_start3A_1382 = arith.constant 0 : i32
        %dma_start3A_1383 = arith.constant 0 : i32
        %dma_start3A_1384 = tpu.memref_slice %arg12[%dma_start3A_1375, %dma_start3A_1382, %dma_start3A_1383] : memref<8x16x128xf32, #tpu.memory_space<vmem>> -> memref<1x16x128xf32, #tpu.memory_space<vmem>>
        %dma_start3A_1385 = tpu.memref_squeeze %dma_start3A_1384 : memref<1x16x128xf32, #tpu.memory_space<vmem>> -> memref<16x128xf32, #tpu.memory_space<vmem>>
        %dma_start3A_1386 = arith.constant 0 : i32
        %dma_start3A_1387 = tpu.memref_slice %arg4[%dma_start3A_1386, %multiple_of3A_1371] : memref<16x1000000xf32, #tpu.memory_space<hbm>> -> memref<16x128xf32, #tpu.memory_space<hbm>>
        tpu.enqueue_dma source(%dma_start3A_1387 : memref<16x128xf32, #tpu.memory_space<hbm>>) target(%dma_start3A_1385 : memref<16x128xf32, #tpu.memory_space<vmem>>) target_semaphore(%arg23 : memref<!tpu.dma_semaphore, #tpu.memory_space<semaphore_mem>>)
        %dma_start3A_1388 = arith.constant 2 : i32
        %dma_start3A_1389 = arith.constant 0 : i32
        %dma_start3A_1390 = arith.constant 0 : i32
        %dma_start3A_1391 = tpu.memref_slice %arg13[%dma_start3A_1388, %dma_start3A_1389, %dma_start3A_1390] : memref<8x16x128xf32, #tpu.memory_space<vmem>> -> memref<1x16x128xf32, #tpu.memory_space<vmem>>
        %dma_start3A_1392 = tpu.memref_squeeze %dma_start3A_1391 : memref<1x16x128xf32, #tpu.memory_space<vmem>> -> memref<16x128xf32, #tpu.memory_space<vmem>>
        %dma_start3A_1393 = arith.constant 0 : i32
        %dma_start3A_1394 = tpu.memref_slice %arg6[%dma_start3A_1393, %multiple_of3A_1374] : memref<16x1000000xf32, #tpu.memory_space<hbm>> -> memref<16x128xf32, #tpu.memory_space<hbm>>
        %dma_start3A_1395 = arith.constant 0 : i32
        %dma_start3A_1396 = arith.constant 0 : i32
        %dma_start3A_1397 = tpu.memref_slice %arg13[%dma_start3A_1388, %dma_start3A_1395, %dma_start3A_1396] : memref<8x16x128xf32, #tpu.memory_space<vmem>> -> memref<1x16x128xf32, #tpu.memory_space<vmem>>
        %dma_start3A_1398 = tpu.memref_squeeze %dma_start3A_1397 : memref<1x16x128xf32, #tpu.memory_space<vmem>> -> memref<16x128xf32, #tpu.memory_space<vmem>>
        %dma_start3A_1399 = arith.constant 0 : i32
        %dma_start3A_1400 = tpu.memref_slice %arg6[%dma_start3A_1399, %multiple_of3A_1374] : memref<16x1000000xf32, #tpu.memory_space<hbm>> -> memref<16x128xf32, #tpu.memory_space<hbm>>
        tpu.enqueue_dma source(%dma_start3A_1400 : memref<16x128xf32, #tpu.memory_space<hbm>>) target(%dma_start3A_1398 : memref<16x128xf32, #tpu.memory_space<vmem>>) target_semaphore(%arg23 : memref<!tpu.dma_semaphore, #tpu.memory_space<semaphore_mem>>)
        %dma_start3A_1401 = arith.constant 2 : i32
        %dma_start3A_1402 = arith.constant 0 : i32
        %dma_start3A_1403 = arith.constant 0 : i32
        %dma_start3A_1404 = tpu.memref_slice %arg14[%dma_start3A_1401, %dma_start3A_1402, %dma_start3A_1403] : memref<8x1x128xf32, #tpu.memory_space<vmem>> -> memref<1x1x128xf32, #tpu.memory_space<vmem>>
        %dma_start3A_1405 = tpu.memref_squeeze %dma_start3A_1404 : memref<1x1x128xf32, #tpu.memory_space<vmem>> -> memref<1x128xf32, #tpu.memory_space<vmem>>
        %dma_start3A_1406 = arith.constant 0 : i32
        %dma_start3A_1407 = tpu.memref_slice %arg5[%dma_start3A_1406, %multiple_of3A_1371] : memref<1x1000000xf32, #tpu.memory_space<hbm>> -> memref<1x128xf32, #tpu.memory_space<hbm>>
        %dma_start3A_1408 = arith.constant 0 : i32
        %dma_start3A_1409 = arith.constant 0 : i32
        %dma_start3A_1410 = tpu.memref_slice %arg14[%dma_start3A_1401, %dma_start3A_1408, %dma_start3A_1409] : memref<8x1x128xf32, #tpu.memory_space<vmem>> -> memref<1x1x128xf32, #tpu.memory_space<vmem>>
        %dma_start3A_1411 = tpu.memref_squeeze %dma_start3A_1410 : memref<1x1x128xf32, #tpu.memory_space<vmem>> -> memref<1x128xf32, #tpu.memory_space<vmem>>
        %dma_start3A_1412 = arith.constant 0 : i32
        %dma_start3A_1413 = tpu.memref_slice %arg5[%dma_start3A_1412, %multiple_of3A_1371] : memref<1x1000000xf32, #tpu.memory_space<hbm>> -> memref<1x128xf32, #tpu.memory_space<hbm>>
        tpu.enqueue_dma source(%dma_start3A_1413 : memref<1x128xf32, #tpu.memory_space<hbm>>) target(%dma_start3A_1411 : memref<1x128xf32, #tpu.memory_space<vmem>>) target_semaphore(%arg23 : memref<!tpu.dma_semaphore, #tpu.memory_space<semaphore_mem>>)
        %dma_start3A_1414 = arith.constant 2 : i32
        %dma_start3A_1415 = arith.constant 0 : i32
        %dma_start3A_1416 = arith.constant 0 : i32
        %dma_start3A_1417 = tpu.memref_slice %arg15[%dma_start3A_1414, %dma_start3A_1415, %dma_start3A_1416] : memref<8x1x128xf32, #tpu.memory_space<vmem>> -> memref<1x1x128xf32, #tpu.memory_space<vmem>>
        %dma_start3A_1418 = tpu.memref_squeeze %dma_start3A_1417 : memref<1x1x128xf32, #tpu.memory_space<vmem>> -> memref<1x128xf32, #tpu.memory_space<vmem>>
        %dma_start3A_1419 = arith.constant 0 : i32
        %dma_start3A_1420 = tpu.memref_slice %arg7[%dma_start3A_1419, %multiple_of3A_1374] : memref<1x1000000xf32, #tpu.memory_space<hbm>> -> memref<1x128xf32, #tpu.memory_space<hbm>>
        %dma_start3A_1421 = arith.constant 0 : i32
        %dma_start3A_1422 = arith.constant 0 : i32
        %dma_start3A_1423 = tpu.memref_slice %arg15[%dma_start3A_1414, %dma_start3A_1421, %dma_start3A_1422] : memref<8x1x128xf32, #tpu.memory_space<vmem>> -> memref<1x1x128xf32, #tpu.memory_space<vmem>>
        %dma_start3A_1424 = tpu.memref_squeeze %dma_start3A_1423 : memref<1x1x128xf32, #tpu.memory_space<vmem>> -> memref<1x128xf32, #tpu.memory_space<vmem>>
        %dma_start3A_1425 = arith.constant 0 : i32
        %dma_start3A_1426 = tpu.memref_slice %arg7[%dma_start3A_1425, %multiple_of3A_1374] : memref<1x1000000xf32, #tpu.memory_space<hbm>> -> memref<1x128xf32, #tpu.memory_space<hbm>>
        tpu.enqueue_dma source(%dma_start3A_1426 : memref<1x128xf32, #tpu.memory_space<hbm>>) target(%dma_start3A_1424 : memref<1x128xf32, #tpu.memory_space<vmem>>) target_semaphore(%arg23 : memref<!tpu.dma_semaphore, #tpu.memory_space<semaphore_mem>>)
        %slice3A_1427 = vector.extract_strided_slice %sub3A_1248 {offsets = [3], sizes = [1], strides = [1]} : vector<16xi32> to vector<1xi32>
        %squeeze3A_1428 = vector.extract %slice3A_1427[0] : i32 from vector<1xi32>
        %multiple_of3A_1429 = tpu.assume_multiple %squeeze3A_1428, 128 : i32
        %slice3A_1430 = vector.extract_strided_slice %sub3A_1252 {offsets = [3], sizes = [1], strides = [1]} : vector<16xi32> to vector<1xi32>
        %squeeze3A_1431 = vector.extract %slice3A_1430[0] : i32 from vector<1xi32>
        %multiple_of3A_1432 = tpu.assume_multiple %squeeze3A_1431, 128 : i32
        %dma_start3A_1433 = arith.constant 3 : i32
        %dma_start3A_1434 = arith.constant 0 : i32
        %dma_start3A_1435 = arith.constant 0 : i32
        %dma_start3A_1436 = tpu.memref_slice %arg12[%dma_start3A_1433, %dma_start3A_1434, %dma_start3A_1435] : memref<8x16x128xf32, #tpu.memory_space<vmem>> -> memref<1x16x128xf32, #tpu.memory_space<vmem>>
        %dma_start3A_1437 = tpu.memref_squeeze %dma_start3A_1436 : memref<1x16x128xf32, #tpu.memory_space<vmem>> -> memref<16x128xf32, #tpu.memory_space<vmem>>
        %dma_start3A_1438 = arith.constant 0 : i32
        %dma_start3A_1439 = tpu.memref_slice %arg4[%dma_start3A_1438, %multiple_of3A_1429] : memref<16x1000000xf32, #tpu.memory_space<hbm>> -> memref<16x128xf32, #tpu.memory_space<hbm>>
        %dma_start3A_1440 = arith.constant 0 : i32
        %dma_start3A_1441 = arith.constant 0 : i32
        %dma_start3A_1442 = tpu.memref_slice %arg12[%dma_start3A_1433, %dma_start3A_1440, %dma_start3A_1441] : memref<8x16x128xf32, #tpu.memory_space<vmem>> -> memref<1x16x128xf32, #tpu.memory_space<vmem>>
        %dma_start3A_1443 = tpu.memref_squeeze %dma_start3A_1442 : memref<1x16x128xf32, #tpu.memory_space<vmem>> -> memref<16x128xf32, #tpu.memory_space<vmem>>
        %dma_start3A_1444 = arith.constant 0 : i32
        %dma_start3A_1445 = tpu.memref_slice %arg4[%dma_start3A_1444, %multiple_of3A_1429] : memref<16x1000000xf32, #tpu.memory_space<hbm>> -> memref<16x128xf32, #tpu.memory_space<hbm>>
        tpu.enqueue_dma source(%dma_start3A_1445 : memref<16x128xf32, #tpu.memory_space<hbm>>) target(%dma_start3A_1443 : memref<16x128xf32, #tpu.memory_space<vmem>>) target_semaphore(%arg23 : memref<!tpu.dma_semaphore, #tpu.memory_space<semaphore_mem>>)
        %dma_start3A_1446 = arith.constant 3 : i32
        %dma_start3A_1447 = arith.constant 0 : i32
        %dma_start3A_1448 = arith.constant 0 : i32
        %dma_start3A_1449 = tpu.memref_slice %arg13[%dma_start3A_1446, %dma_start3A_1447, %dma_start3A_1448] : memref<8x16x128xf32, #tpu.memory_space<vmem>> -> memref<1x16x128xf32, #tpu.memory_space<vmem>>
        %dma_start3A_1450 = tpu.memref_squeeze %dma_start3A_1449 : memref<1x16x128xf32, #tpu.memory_space<vmem>> -> memref<16x128xf32, #tpu.memory_space<vmem>>
        %dma_start3A_1451 = arith.constant 0 : i32
        %dma_start3A_1452 = tpu.memref_slice %arg6[%dma_start3A_1451, %multiple_of3A_1432] : memref<16x1000000xf32, #tpu.memory_space<hbm>> -> memref<16x128xf32, #tpu.memory_space<hbm>>
        %dma_start3A_1453 = arith.constant 0 : i32
        %dma_start3A_1454 = arith.constant 0 : i32
        %dma_start3A_1455 = tpu.memref_slice %arg13[%dma_start3A_1446, %dma_start3A_1453, %dma_start3A_1454] : memref<8x16x128xf32, #tpu.memory_space<vmem>> -> memref<1x16x128xf32, #tpu.memory_space<vmem>>
        %dma_start3A_1456 = tpu.memref_squeeze %dma_start3A_1455 : memref<1x16x128xf32, #tpu.memory_space<vmem>> -> memref<16x128xf32, #tpu.memory_space<vmem>>
        %dma_start3A_1457 = arith.constant 0 : i32
        %dma_start3A_1458 = tpu.memref_slice %arg6[%dma_start3A_1457, %multiple_of3A_1432] : memref<16x1000000xf32, #tpu.memory_space<hbm>> -> memref<16x128xf32, #tpu.memory_space<hbm>>
        tpu.enqueue_dma source(%dma_start3A_1458 : memref<16x128xf32, #tpu.memory_space<hbm>>) target(%dma_start3A_1456 : memref<16x128xf32, #tpu.memory_space<vmem>>) target_semaphore(%arg23 : memref<!tpu.dma_semaphore, #tpu.memory_space<semaphore_mem>>)
        %dma_start3A_1459 = arith.constant 3 : i32
        %dma_start3A_1460 = arith.constant 0 : i32
        %dma_start3A_1461 = arith.constant 0 : i32
        %dma_start3A_1462 = tpu.memref_slice %arg14[%dma_start3A_1459, %dma_start3A_1460, %dma_start3A_1461] : memref<8x1x128xf32, #tpu.memory_space<vmem>> -> memref<1x1x128xf32, #tpu.memory_space<vmem>>
        %dma_start3A_1463 = tpu.memref_squeeze %dma_start3A_1462 : memref<1x1x128xf32, #tpu.memory_space<vmem>> -> memref<1x128xf32, #tpu.memory_space<vmem>>
        %dma_start3A_1464 = arith.constant 0 : i32
        %dma_start3A_1465 = tpu.memref_slice %arg5[%dma_start3A_1464, %multiple_of3A_1429] : memref<1x1000000xf32, #tpu.memory_space<hbm>> -> memref<1x128xf32, #tpu.memory_space<hbm>>
        %dma_start3A_1466 = arith.constant 0 : i32
        %dma_start3A_1467 = arith.constant 0 : i32
        %dma_start3A_1468 = tpu.memref_slice %arg14[%dma_start3A_1459, %dma_start3A_1466, %dma_start3A_1467] : memref<8x1x128xf32, #tpu.memory_space<vmem>> -> memref<1x1x128xf32, #tpu.memory_space<vmem>>
        %dma_start3A_1469 = tpu.memref_squeeze %dma_start3A_1468 : memref<1x1x128xf32, #tpu.memory_space<vmem>> -> memref<1x128xf32, #tpu.memory_space<vmem>>
        %dma_start3A_1470 = arith.constant 0 : i32
        %dma_start3A_1471 = tpu.memref_slice %arg5[%dma_start3A_1470, %multiple_of3A_1429] : memref<1x1000000xf32, #tpu.memory_space<hbm>> -> memref<1x128xf32, #tpu.memory_space<hbm>>
        tpu.enqueue_dma source(%dma_start3A_1471 : memref<1x128xf32, #tpu.memory_space<hbm>>) target(%dma_start3A_1469 : memref<1x128xf32, #tpu.memory_space<vmem>>) target_semaphore(%arg23 : memref<!tpu.dma_semaphore, #tpu.memory_space<semaphore_mem>>)
        %dma_start3A_1472 = arith.constant 3 : i32
        %dma_start3A_1473 = arith.constant 0 : i32
        %dma_start3A_1474 = arith.constant 0 : i32
        %dma_start3A_1475 = tpu.memref_slice %arg15[%dma_start3A_1472, %dma_start3A_1473, %dma_start3A_1474] : memref<8x1x128xf32, #tpu.memory_space<vmem>> -> memref<1x1x128xf32, #tpu.memory_space<vmem>>
        %dma_start3A_1476 = tpu.memref_squeeze %dma_start3A_1475 : memref<1x1x128xf32, #tpu.memory_space<vmem>> -> memref<1x128xf32, #tpu.memory_space<vmem>>
        %dma_start3A_1477 = arith.constant 0 : i32
        %dma_start3A_1478 = tpu.memref_slice %arg7[%dma_start3A_1477, %multiple_of3A_1432] : memref<1x1000000xf32, #tpu.memory_space<hbm>> -> memref<1x128xf32, #tpu.memory_space<hbm>>
        %dma_start3A_1479 = arith.constant 0 : i32
        %dma_start3A_1480 = arith.constant 0 : i32
        %dma_start3A_1481 = tpu.memref_slice %arg15[%dma_start3A_1472, %dma_start3A_1479, %dma_start3A_1480] : memref<8x1x128xf32, #tpu.memory_space<vmem>> -> memref<1x1x128xf32, #tpu.memory_space<vmem>>
        %dma_start3A_1482 = tpu.memref_squeeze %dma_start3A_1481 : memref<1x1x128xf32, #tpu.memory_space<vmem>> -> memref<1x128xf32, #tpu.memory_space<vmem>>
        %dma_start3A_1483 = arith.constant 0 : i32
        %dma_start3A_1484 = tpu.memref_slice %arg7[%dma_start3A_1483, %multiple_of3A_1432] : memref<1x1000000xf32, #tpu.memory_space<hbm>> -> memref<1x128xf32, #tpu.memory_space<hbm>>
        tpu.enqueue_dma source(%dma_start3A_1484 : memref<1x128xf32, #tpu.memory_space<hbm>>) target(%dma_start3A_1482 : memref<1x128xf32, #tpu.memory_space<vmem>>) target_semaphore(%arg23 : memref<!tpu.dma_semaphore, #tpu.memory_space<semaphore_mem>>)
        %slice3A_1485 = vector.extract_strided_slice %sub3A_1248 {offsets = [4], sizes = [1], strides = [1]} : vector<16xi32> to vector<1xi32>
        %squeeze3A_1486 = vector.extract %slice3A_1485[0] : i32 from vector<1xi32>
        %multiple_of3A_1487 = tpu.assume_multiple %squeeze3A_1486, 128 : i32
        %slice3A_1488 = vector.extract_strided_slice %sub3A_1252 {offsets = [4], sizes = [1], strides = [1]} : vector<16xi32> to vector<1xi32>
        %squeeze3A_1489 = vector.extract %slice3A_1488[0] : i32 from vector<1xi32>
        %multiple_of3A_1490 = tpu.assume_multiple %squeeze3A_1489, 128 : i32
        %dma_start3A_1491 = arith.constant 4 : i32
        %dma_start3A_1492 = arith.constant 0 : i32
        %dma_start3A_1493 = arith.constant 0 : i32
        %dma_start3A_1494 = tpu.memref_slice %arg12[%dma_start3A_1491, %dma_start3A_1492, %dma_start3A_1493] : memref<8x16x128xf32, #tpu.memory_space<vmem>> -> memref<1x16x128xf32, #tpu.memory_space<vmem>>
        %dma_start3A_1495 = tpu.memref_squeeze %dma_start3A_1494 : memref<1x16x128xf32, #tpu.memory_space<vmem>> -> memref<16x128xf32, #tpu.memory_space<vmem>>
        %dma_start3A_1496 = arith.constant 0 : i32
        %dma_start3A_1497 = tpu.memref_slice %arg4[%dma_start3A_1496, %multiple_of3A_1487] : memref<16x1000000xf32, #tpu.memory_space<hbm>> -> memref<16x128xf32, #tpu.memory_space<hbm>>
        %dma_start3A_1498 = arith.constant 0 : i32
        %dma_start3A_1499 = arith.constant 0 : i32
        %dma_start3A_1500 = tpu.memref_slice %arg12[%dma_start3A_1491, %dma_start3A_1498, %dma_start3A_1499] : memref<8x16x128xf32, #tpu.memory_space<vmem>> -> memref<1x16x128xf32, #tpu.memory_space<vmem>>
        %dma_start3A_1501 = tpu.memref_squeeze %dma_start3A_1500 : memref<1x16x128xf32, #tpu.memory_space<vmem>> -> memref<16x128xf32, #tpu.memory_space<vmem>>
        %dma_start3A_1502 = arith.constant 0 : i32
        %dma_start3A_1503 = tpu.memref_slice %arg4[%dma_start3A_1502, %multiple_of3A_1487] : memref<16x1000000xf32, #tpu.memory_space<hbm>> -> memref<16x128xf32, #tpu.memory_space<hbm>>
        tpu.enqueue_dma source(%dma_start3A_1503 : memref<16x128xf32, #tpu.memory_space<hbm>>) target(%dma_start3A_1501 : memref<16x128xf32, #tpu.memory_space<vmem>>) target_semaphore(%arg23 : memref<!tpu.dma_semaphore, #tpu.memory_space<semaphore_mem>>)
        %dma_start3A_1504 = arith.constant 4 : i32
        %dma_start3A_1505 = arith.constant 0 : i32
        %dma_start3A_1506 = arith.constant 0 : i32
        %dma_start3A_1507 = tpu.memref_slice %arg13[%dma_start3A_1504, %dma_start3A_1505, %dma_start3A_1506] : memref<8x16x128xf32, #tpu.memory_space<vmem>> -> memref<1x16x128xf32, #tpu.memory_space<vmem>>
        %dma_start3A_1508 = tpu.memref_squeeze %dma_start3A_1507 : memref<1x16x128xf32, #tpu.memory_space<vmem>> -> memref<16x128xf32, #tpu.memory_space<vmem>>
        %dma_start3A_1509 = arith.constant 0 : i32
        %dma_start3A_1510 = tpu.memref_slice %arg6[%dma_start3A_1509, %multiple_of3A_1490] : memref<16x1000000xf32, #tpu.memory_space<hbm>> -> memref<16x128xf32, #tpu.memory_space<hbm>>
        %dma_start3A_1511 = arith.constant 0 : i32
        %dma_start3A_1512 = arith.constant 0 : i32
        %dma_start3A_1513 = tpu.memref_slice %arg13[%dma_start3A_1504, %dma_start3A_1511, %dma_start3A_1512] : memref<8x16x128xf32, #tpu.memory_space<vmem>> -> memref<1x16x128xf32, #tpu.memory_space<vmem>>
        %dma_start3A_1514 = tpu.memref_squeeze %dma_start3A_1513 : memref<1x16x128xf32, #tpu.memory_space<vmem>> -> memref<16x128xf32, #tpu.memory_space<vmem>>
        %dma_start3A_1515 = arith.constant 0 : i32
        %dma_start3A_1516 = tpu.memref_slice %arg6[%dma_start3A_1515, %multiple_of3A_1490] : memref<16x1000000xf32, #tpu.memory_space<hbm>> -> memref<16x128xf32, #tpu.memory_space<hbm>>
        tpu.enqueue_dma source(%dma_start3A_1516 : memref<16x128xf32, #tpu.memory_space<hbm>>) target(%dma_start3A_1514 : memref<16x128xf32, #tpu.memory_space<vmem>>) target_semaphore(%arg23 : memref<!tpu.dma_semaphore, #tpu.memory_space<semaphore_mem>>)
        %dma_start3A_1517 = arith.constant 4 : i32
        %dma_start3A_1518 = arith.constant 0 : i32
        %dma_start3A_1519 = arith.constant 0 : i32
        %dma_start3A_1520 = tpu.memref_slice %arg14[%dma_start3A_1517, %dma_start3A_1518, %dma_start3A_1519] : memref<8x1x128xf32, #tpu.memory_space<vmem>> -> memref<1x1x128xf32, #tpu.memory_space<vmem>>
        %dma_start3A_1521 = tpu.memref_squeeze %dma_start3A_1520 : memref<1x1x128xf32, #tpu.memory_space<vmem>> -> memref<1x128xf32, #tpu.memory_space<vmem>>
        %dma_start3A_1522 = arith.constant 0 : i32
        %dma_start3A_1523 = tpu.memref_slice %arg5[%dma_start3A_1522, %multiple_of3A_1487] : memref<1x1000000xf32, #tpu.memory_space<hbm>> -> memref<1x128xf32, #tpu.memory_space<hbm>>
        %dma_start3A_1524 = arith.constant 0 : i32
        %dma_start3A_1525 = arith.constant 0 : i32
        %dma_start3A_1526 = tpu.memref_slice %arg14[%dma_start3A_1517, %dma_start3A_1524, %dma_start3A_1525] : memref<8x1x128xf32, #tpu.memory_space<vmem>> -> memref<1x1x128xf32, #tpu.memory_space<vmem>>
        %dma_start3A_1527 = tpu.memref_squeeze %dma_start3A_1526 : memref<1x1x128xf32, #tpu.memory_space<vmem>> -> memref<1x128xf32, #tpu.memory_space<vmem>>
        %dma_start3A_1528 = arith.constant 0 : i32
        %dma_start3A_1529 = tpu.memref_slice %arg5[%dma_start3A_1528, %multiple_of3A_1487] : memref<1x1000000xf32, #tpu.memory_space<hbm>> -> memref<1x128xf32, #tpu.memory_space<hbm>>
        tpu.enqueue_dma source(%dma_start3A_1529 : memref<1x128xf32, #tpu.memory_space<hbm>>) target(%dma_start3A_1527 : memref<1x128xf32, #tpu.memory_space<vmem>>) target_semaphore(%arg23 : memref<!tpu.dma_semaphore, #tpu.memory_space<semaphore_mem>>)
        %dma_start3A_1530 = arith.constant 4 : i32
        %dma_start3A_1531 = arith.constant 0 : i32
        %dma_start3A_1532 = arith.constant 0 : i32
        %dma_start3A_1533 = tpu.memref_slice %arg15[%dma_start3A_1530, %dma_start3A_1531, %dma_start3A_1532] : memref<8x1x128xf32, #tpu.memory_space<vmem>> -> memref<1x1x128xf32, #tpu.memory_space<vmem>>
        %dma_start3A_1534 = tpu.memref_squeeze %dma_start3A_1533 : memref<1x1x128xf32, #tpu.memory_space<vmem>> -> memref<1x128xf32, #tpu.memory_space<vmem>>
        %dma_start3A_1535 = arith.constant 0 : i32
        %dma_start3A_1536 = tpu.memref_slice %arg7[%dma_start3A_1535, %multiple_of3A_1490] : memref<1x1000000xf32, #tpu.memory_space<hbm>> -> memref<1x128xf32, #tpu.memory_space<hbm>>
        %dma_start3A_1537 = arith.constant 0 : i32
        %dma_start3A_1538 = arith.constant 0 : i32
        %dma_start3A_1539 = tpu.memref_slice %arg15[%dma_start3A_1530, %dma_start3A_1537, %dma_start3A_1538] : memref<8x1x128xf32, #tpu.memory_space<vmem>> -> memref<1x1x128xf32, #tpu.memory_space<vmem>>
        %dma_start3A_1540 = tpu.memref_squeeze %dma_start3A_1539 : memref<1x1x128xf32, #tpu.memory_space<vmem>> -> memref<1x128xf32, #tpu.memory_space<vmem>>
        %dma_start3A_1541 = arith.constant 0 : i32
        %dma_start3A_1542 = tpu.memref_slice %arg7[%dma_start3A_1541, %multiple_of3A_1490] : memref<1x1000000xf32, #tpu.memory_space<hbm>> -> memref<1x128xf32, #tpu.memory_space<hbm>>
        tpu.enqueue_dma source(%dma_start3A_1542 : memref<1x128xf32, #tpu.memory_space<hbm>>) target(%dma_start3A_1540 : memref<1x128xf32, #tpu.memory_space<vmem>>) target_semaphore(%arg23 : memref<!tpu.dma_semaphore, #tpu.memory_space<semaphore_mem>>)
        %slice3A_1543 = vector.extract_strided_slice %sub3A_1248 {offsets = [5], sizes = [1], strides = [1]} : vector<16xi32> to vector<1xi32>
        %squeeze3A_1544 = vector.extract %slice3A_1543[0] : i32 from vector<1xi32>
        %multiple_of3A_1545 = tpu.assume_multiple %squeeze3A_1544, 128 : i32
        %slice3A_1546 = vector.extract_strided_slice %sub3A_1252 {offsets = [5], sizes = [1], strides = [1]} : vector<16xi32> to vector<1xi32>
        %squeeze3A_1547 = vector.extract %slice3A_1546[0] : i32 from vector<1xi32>
        %multiple_of3A_1548 = tpu.assume_multiple %squeeze3A_1547, 128 : i32
        %dma_start3A_1549 = arith.constant 5 : i32
        %dma_start3A_1550 = arith.constant 0 : i32
        %dma_start3A_1551 = arith.constant 0 : i32
        %dma_start3A_1552 = tpu.memref_slice %arg12[%dma_start3A_1549, %dma_start3A_1550, %dma_start3A_1551] : memref<8x16x128xf32, #tpu.memory_space<vmem>> -> memref<1x16x128xf32, #tpu.memory_space<vmem>>
        %dma_start3A_1553 = tpu.memref_squeeze %dma_start3A_1552 : memref<1x16x128xf32, #tpu.memory_space<vmem>> -> memref<16x128xf32, #tpu.memory_space<vmem>>
        %dma_start3A_1554 = arith.constant 0 : i32
        %dma_start3A_1555 = tpu.memref_slice %arg4[%dma_start3A_1554, %multiple_of3A_1545] : memref<16x1000000xf32, #tpu.memory_space<hbm>> -> memref<16x128xf32, #tpu.memory_space<hbm>>
        %dma_start3A_1556 = arith.constant 0 : i32
        %dma_start3A_1557 = arith.constant 0 : i32
        %dma_start3A_1558 = tpu.memref_slice %arg12[%dma_start3A_1549, %dma_start3A_1556, %dma_start3A_1557] : memref<8x16x128xf32, #tpu.memory_space<vmem>> -> memref<1x16x128xf32, #tpu.memory_space<vmem>>
        %dma_start3A_1559 = tpu.memref_squeeze %dma_start3A_1558 : memref<1x16x128xf32, #tpu.memory_space<vmem>> -> memref<16x128xf32, #tpu.memory_space<vmem>>
        %dma_start3A_1560 = arith.constant 0 : i32
        %dma_start3A_1561 = tpu.memref_slice %arg4[%dma_start3A_1560, %multiple_of3A_1545] : memref<16x1000000xf32, #tpu.memory_space<hbm>> -> memref<16x128xf32, #tpu.memory_space<hbm>>
        tpu.enqueue_dma source(%dma_start3A_1561 : memref<16x128xf32, #tpu.memory_space<hbm>>) target(%dma_start3A_1559 : memref<16x128xf32, #tpu.memory_space<vmem>>) target_semaphore(%arg23 : memref<!tpu.dma_semaphore, #tpu.memory_space<semaphore_mem>>)
        %dma_start3A_1562 = arith.constant 5 : i32
        %dma_start3A_1563 = arith.constant 0 : i32
        %dma_start3A_1564 = arith.constant 0 : i32
        %dma_start3A_1565 = tpu.memref_slice %arg13[%dma_start3A_1562, %dma_start3A_1563, %dma_start3A_1564] : memref<8x16x128xf32, #tpu.memory_space<vmem>> -> memref<1x16x128xf32, #tpu.memory_space<vmem>>
        %dma_start3A_1566 = tpu.memref_squeeze %dma_start3A_1565 : memref<1x16x128xf32, #tpu.memory_space<vmem>> -> memref<16x128xf32, #tpu.memory_space<vmem>>
        %dma_start3A_1567 = arith.constant 0 : i32
        %dma_start3A_1568 = tpu.memref_slice %arg6[%dma_start3A_1567, %multiple_of3A_1548] : memref<16x1000000xf32, #tpu.memory_space<hbm>> -> memref<16x128xf32, #tpu.memory_space<hbm>>
        %dma_start3A_1569 = arith.constant 0 : i32
        %dma_start3A_1570 = arith.constant 0 : i32
        %dma_start3A_1571 = tpu.memref_slice %arg13[%dma_start3A_1562, %dma_start3A_1569, %dma_start3A_1570] : memref<8x16x128xf32, #tpu.memory_space<vmem>> -> memref<1x16x128xf32, #tpu.memory_space<vmem>>
        %dma_start3A_1572 = tpu.memref_squeeze %dma_start3A_1571 : memref<1x16x128xf32, #tpu.memory_space<vmem>> -> memref<16x128xf32, #tpu.memory_space<vmem>>
        %dma_start3A_1573 = arith.constant 0 : i32
        %dma_start3A_1574 = tpu.memref_slice %arg6[%dma_start3A_1573, %multiple_of3A_1548] : memref<16x1000000xf32, #tpu.memory_space<hbm>> -> memref<16x128xf32, #tpu.memory_space<hbm>>
        tpu.enqueue_dma source(%dma_start3A_1574 : memref<16x128xf32, #tpu.memory_space<hbm>>) target(%dma_start3A_1572 : memref<16x128xf32, #tpu.memory_space<vmem>>) target_semaphore(%arg23 : memref<!tpu.dma_semaphore, #tpu.memory_space<semaphore_mem>>)
        %dma_start3A_1575 = arith.constant 5 : i32
        %dma_start3A_1576 = arith.constant 0 : i32
        %dma_start3A_1577 = arith.constant 0 : i32
        %dma_start3A_1578 = tpu.memref_slice %arg14[%dma_start3A_1575, %dma_start3A_1576, %dma_start3A_1577] : memref<8x1x128xf32, #tpu.memory_space<vmem>> -> memref<1x1x128xf32, #tpu.memory_space<vmem>>
        %dma_start3A_1579 = tpu.memref_squeeze %dma_start3A_1578 : memref<1x1x128xf32, #tpu.memory_space<vmem>> -> memref<1x128xf32, #tpu.memory_space<vmem>>
        %dma_start3A_1580 = arith.constant 0 : i32
        %dma_start3A_1581 = tpu.memref_slice %arg5[%dma_start3A_1580, %multiple_of3A_1545] : memref<1x1000000xf32, #tpu.memory_space<hbm>> -> memref<1x128xf32, #tpu.memory_space<hbm>>
        %dma_start3A_1582 = arith.constant 0 : i32
        %dma_start3A_1583 = arith.constant 0 : i32
        %dma_start3A_1584 = tpu.memref_slice %arg14[%dma_start3A_1575, %dma_start3A_1582, %dma_start3A_1583] : memref<8x1x128xf32, #tpu.memory_space<vmem>> -> memref<1x1x128xf32, #tpu.memory_space<vmem>>
        %dma_start3A_1585 = tpu.memref_squeeze %dma_start3A_1584 : memref<1x1x128xf32, #tpu.memory_space<vmem>> -> memref<1x128xf32, #tpu.memory_space<vmem>>
        %dma_start3A_1586 = arith.constant 0 : i32
        %dma_start3A_1587 = tpu.memref_slice %arg5[%dma_start3A_1586, %multiple_of3A_1545] : memref<1x1000000xf32, #tpu.memory_space<hbm>> -> memref<1x128xf32, #tpu.memory_space<hbm>>
        tpu.enqueue_dma source(%dma_start3A_1587 : memref<1x128xf32, #tpu.memory_space<hbm>>) target(%dma_start3A_1585 : memref<1x128xf32, #tpu.memory_space<vmem>>) target_semaphore(%arg23 : memref<!tpu.dma_semaphore, #tpu.memory_space<semaphore_mem>>)
        %dma_start3A_1588 = arith.constant 5 : i32
        %dma_start3A_1589 = arith.constant 0 : i32
        %dma_start3A_1590 = arith.constant 0 : i32
        %dma_start3A_1591 = tpu.memref_slice %arg15[%dma_start3A_1588, %dma_start3A_1589, %dma_start3A_1590] : memref<8x1x128xf32, #tpu.memory_space<vmem>> -> memref<1x1x128xf32, #tpu.memory_space<vmem>>
        %dma_start3A_1592 = tpu.memref_squeeze %dma_start3A_1591 : memref<1x1x128xf32, #tpu.memory_space<vmem>> -> memref<1x128xf32, #tpu.memory_space<vmem>>
        %dma_start3A_1593 = arith.constant 0 : i32
        %dma_start3A_1594 = tpu.memref_slice %arg7[%dma_start3A_1593, %multiple_of3A_1548] : memref<1x1000000xf32, #tpu.memory_space<hbm>> -> memref<1x128xf32, #tpu.memory_space<hbm>>
        %dma_start3A_1595 = arith.constant 0 : i32
        %dma_start3A_1596 = arith.constant 0 : i32
        %dma_start3A_1597 = tpu.memref_slice %arg15[%dma_start3A_1588, %dma_start3A_1595, %dma_start3A_1596] : memref<8x1x128xf32, #tpu.memory_space<vmem>> -> memref<1x1x128xf32, #tpu.memory_space<vmem>>
        %dma_start3A_1598 = tpu.memref_squeeze %dma_start3A_1597 : memref<1x1x128xf32, #tpu.memory_space<vmem>> -> memref<1x128xf32, #tpu.memory_space<vmem>>
        %dma_start3A_1599 = arith.constant 0 : i32
        %dma_start3A_1600 = tpu.memref_slice %arg7[%dma_start3A_1599, %multiple_of3A_1548] : memref<1x1000000xf32, #tpu.memory_space<hbm>> -> memref<1x128xf32, #tpu.memory_space<hbm>>
        tpu.enqueue_dma source(%dma_start3A_1600 : memref<1x128xf32, #tpu.memory_space<hbm>>) target(%dma_start3A_1598 : memref<1x128xf32, #tpu.memory_space<vmem>>) target_semaphore(%arg23 : memref<!tpu.dma_semaphore, #tpu.memory_space<semaphore_mem>>)
        %slice3A_1601 = vector.extract_strided_slice %sub3A_1248 {offsets = [6], sizes = [1], strides = [1]} : vector<16xi32> to vector<1xi32>
        %squeeze3A_1602 = vector.extract %slice3A_1601[0] : i32 from vector<1xi32>
        %multiple_of3A_1603 = tpu.assume_multiple %squeeze3A_1602, 128 : i32
        %slice3A_1604 = vector.extract_strided_slice %sub3A_1252 {offsets = [6], sizes = [1], strides = [1]} : vector<16xi32> to vector<1xi32>
        %squeeze3A_1605 = vector.extract %slice3A_1604[0] : i32 from vector<1xi32>
        %multiple_of3A_1606 = tpu.assume_multiple %squeeze3A_1605, 128 : i32
        %dma_start3A_1607 = arith.constant 6 : i32
        %dma_start3A_1608 = arith.constant 0 : i32
        %dma_start3A_1609 = arith.constant 0 : i32
        %dma_start3A_1610 = tpu.memref_slice %arg12[%dma_start3A_1607, %dma_start3A_1608, %dma_start3A_1609] : memref<8x16x128xf32, #tpu.memory_space<vmem>> -> memref<1x16x128xf32, #tpu.memory_space<vmem>>
        %dma_start3A_1611 = tpu.memref_squeeze %dma_start3A_1610 : memref<1x16x128xf32, #tpu.memory_space<vmem>> -> memref<16x128xf32, #tpu.memory_space<vmem>>
        %dma_start3A_1612 = arith.constant 0 : i32
        %dma_start3A_1613 = tpu.memref_slice %arg4[%dma_start3A_1612, %multiple_of3A_1603] : memref<16x1000000xf32, #tpu.memory_space<hbm>> -> memref<16x128xf32, #tpu.memory_space<hbm>>
        %dma_start3A_1614 = arith.constant 0 : i32
        %dma_start3A_1615 = arith.constant 0 : i32
        %dma_start3A_1616 = tpu.memref_slice %arg12[%dma_start3A_1607, %dma_start3A_1614, %dma_start3A_1615] : memref<8x16x128xf32, #tpu.memory_space<vmem>> -> memref<1x16x128xf32, #tpu.memory_space<vmem>>
        %dma_start3A_1617 = tpu.memref_squeeze %dma_start3A_1616 : memref<1x16x128xf32, #tpu.memory_space<vmem>> -> memref<16x128xf32, #tpu.memory_space<vmem>>
        %dma_start3A_1618 = arith.constant 0 : i32
        %dma_start3A_1619 = tpu.memref_slice %arg4[%dma_start3A_1618, %multiple_of3A_1603] : memref<16x1000000xf32, #tpu.memory_space<hbm>> -> memref<16x128xf32, #tpu.memory_space<hbm>>
        tpu.enqueue_dma source(%dma_start3A_1619 : memref<16x128xf32, #tpu.memory_space<hbm>>) target(%dma_start3A_1617 : memref<16x128xf32, #tpu.memory_space<vmem>>) target_semaphore(%arg23 : memref<!tpu.dma_semaphore, #tpu.memory_space<semaphore_mem>>)
        %dma_start3A_1620 = arith.constant 6 : i32
        %dma_start3A_1621 = arith.constant 0 : i32
        %dma_start3A_1622 = arith.constant 0 : i32
        %dma_start3A_1623 = tpu.memref_slice %arg13[%dma_start3A_1620, %dma_start3A_1621, %dma_start3A_1622] : memref<8x16x128xf32, #tpu.memory_space<vmem>> -> memref<1x16x128xf32, #tpu.memory_space<vmem>>
        %dma_start3A_1624 = tpu.memref_squeeze %dma_start3A_1623 : memref<1x16x128xf32, #tpu.memory_space<vmem>> -> memref<16x128xf32, #tpu.memory_space<vmem>>
        %dma_start3A_1625 = arith.constant 0 : i32
        %dma_start3A_1626 = tpu.memref_slice %arg6[%dma_start3A_1625, %multiple_of3A_1606] : memref<16x1000000xf32, #tpu.memory_space<hbm>> -> memref<16x128xf32, #tpu.memory_space<hbm>>
        %dma_start3A_1627 = arith.constant 0 : i32
        %dma_start3A_1628 = arith.constant 0 : i32
        %dma_start3A_1629 = tpu.memref_slice %arg13[%dma_start3A_1620, %dma_start3A_1627, %dma_start3A_1628] : memref<8x16x128xf32, #tpu.memory_space<vmem>> -> memref<1x16x128xf32, #tpu.memory_space<vmem>>
        %dma_start3A_1630 = tpu.memref_squeeze %dma_start3A_1629 : memref<1x16x128xf32, #tpu.memory_space<vmem>> -> memref<16x128xf32, #tpu.memory_space<vmem>>
        %dma_start3A_1631 = arith.constant 0 : i32
        %dma_start3A_1632 = tpu.memref_slice %arg6[%dma_start3A_1631, %multiple_of3A_1606] : memref<16x1000000xf32, #tpu.memory_space<hbm>> -> memref<16x128xf32, #tpu.memory_space<hbm>>
        tpu.enqueue_dma source(%dma_start3A_1632 : memref<16x128xf32, #tpu.memory_space<hbm>>) target(%dma_start3A_1630 : memref<16x128xf32, #tpu.memory_space<vmem>>) target_semaphore(%arg23 : memref<!tpu.dma_semaphore, #tpu.memory_space<semaphore_mem>>)
        %dma_start3A_1633 = arith.constant 6 : i32
        %dma_start3A_1634 = arith.constant 0 : i32
        %dma_start3A_1635 = arith.constant 0 : i32
        %dma_start3A_1636 = tpu.memref_slice %arg14[%dma_start3A_1633, %dma_start3A_1634, %dma_start3A_1635] : memref<8x1x128xf32, #tpu.memory_space<vmem>> -> memref<1x1x128xf32, #tpu.memory_space<vmem>>
        %dma_start3A_1637 = tpu.memref_squeeze %dma_start3A_1636 : memref<1x1x128xf32, #tpu.memory_space<vmem>> -> memref<1x128xf32, #tpu.memory_space<vmem>>
        %dma_start3A_1638 = arith.constant 0 : i32
        %dma_start3A_1639 = tpu.memref_slice %arg5[%dma_start3A_1638, %multiple_of3A_1603] : memref<1x1000000xf32, #tpu.memory_space<hbm>> -> memref<1x128xf32, #tpu.memory_space<hbm>>
        %dma_start3A_1640 = arith.constant 0 : i32
        %dma_start3A_1641 = arith.constant 0 : i32
        %dma_start3A_1642 = tpu.memref_slice %arg14[%dma_start3A_1633, %dma_start3A_1640, %dma_start3A_1641] : memref<8x1x128xf32, #tpu.memory_space<vmem>> -> memref<1x1x128xf32, #tpu.memory_space<vmem>>
        %dma_start3A_1643 = tpu.memref_squeeze %dma_start3A_1642 : memref<1x1x128xf32, #tpu.memory_space<vmem>> -> memref<1x128xf32, #tpu.memory_space<vmem>>
        %dma_start3A_1644 = arith.constant 0 : i32
        %dma_start3A_1645 = tpu.memref_slice %arg5[%dma_start3A_1644, %multiple_of3A_1603] : memref<1x1000000xf32, #tpu.memory_space<hbm>> -> memref<1x128xf32, #tpu.memory_space<hbm>>
        tpu.enqueue_dma source(%dma_start3A_1645 : memref<1x128xf32, #tpu.memory_space<hbm>>) target(%dma_start3A_1643 : memref<1x128xf32, #tpu.memory_space<vmem>>) target_semaphore(%arg23 : memref<!tpu.dma_semaphore, #tpu.memory_space<semaphore_mem>>)
        %dma_start3A_1646 = arith.constant 6 : i32
        %dma_start3A_1647 = arith.constant 0 : i32
        %dma_start3A_1648 = arith.constant 0 : i32
        %dma_start3A_1649 = tpu.memref_slice %arg15[%dma_start3A_1646, %dma_start3A_1647, %dma_start3A_1648] : memref<8x1x128xf32, #tpu.memory_space<vmem>> -> memref<1x1x128xf32, #tpu.memory_space<vmem>>
        %dma_start3A_1650 = tpu.memref_squeeze %dma_start3A_1649 : memref<1x1x128xf32, #tpu.memory_space<vmem>> -> memref<1x128xf32, #tpu.memory_space<vmem>>
        %dma_start3A_1651 = arith.constant 0 : i32
        %dma_start3A_1652 = tpu.memref_slice %arg7[%dma_start3A_1651, %multiple_of3A_1606] : memref<1x1000000xf32, #tpu.memory_space<hbm>> -> memref<1x128xf32, #tpu.memory_space<hbm>>
        %dma_start3A_1653 = arith.constant 0 : i32
        %dma_start3A_1654 = arith.constant 0 : i32
        %dma_start3A_1655 = tpu.memref_slice %arg15[%dma_start3A_1646, %dma_start3A_1653, %dma_start3A_1654] : memref<8x1x128xf32, #tpu.memory_space<vmem>> -> memref<1x1x128xf32, #tpu.memory_space<vmem>>
        %dma_start3A_1656 = tpu.memref_squeeze %dma_start3A_1655 : memref<1x1x128xf32, #tpu.memory_space<vmem>> -> memref<1x128xf32, #tpu.memory_space<vmem>>
        %dma_start3A_1657 = arith.constant 0 : i32
        %dma_start3A_1658 = tpu.memref_slice %arg7[%dma_start3A_1657, %multiple_of3A_1606] : memref<1x1000000xf32, #tpu.memory_space<hbm>> -> memref<1x128xf32, #tpu.memory_space<hbm>>
        tpu.enqueue_dma source(%dma_start3A_1658 : memref<1x128xf32, #tpu.memory_space<hbm>>) target(%dma_start3A_1656 : memref<1x128xf32, #tpu.memory_space<vmem>>) target_semaphore(%arg23 : memref<!tpu.dma_semaphore, #tpu.memory_space<semaphore_mem>>)
        %slice3A_1659 = vector.extract_strided_slice %sub3A_1248 {offsets = [7], sizes = [1], strides = [1]} : vector<16xi32> to vector<1xi32>
        %squeeze3A_1660 = vector.extract %slice3A_1659[0] : i32 from vector<1xi32>
        %multiple_of3A_1661 = tpu.assume_multiple %squeeze3A_1660, 128 : i32
        %slice3A_1662 = vector.extract_strided_slice %sub3A_1252 {offsets = [7], sizes = [1], strides = [1]} : vector<16xi32> to vector<1xi32>
        %squeeze3A_1663 = vector.extract %slice3A_1662[0] : i32 from vector<1xi32>
        %multiple_of3A_1664 = tpu.assume_multiple %squeeze3A_1663, 128 : i32
        %dma_start3A_1665 = arith.constant 7 : i32
        %dma_start3A_1666 = arith.constant 0 : i32
        %dma_start3A_1667 = arith.constant 0 : i32
        %dma_start3A_1668 = tpu.memref_slice %arg12[%dma_start3A_1665, %dma_start3A_1666, %dma_start3A_1667] : memref<8x16x128xf32, #tpu.memory_space<vmem>> -> memref<1x16x128xf32, #tpu.memory_space<vmem>>
        %dma_start3A_1669 = tpu.memref_squeeze %dma_start3A_1668 : memref<1x16x128xf32, #tpu.memory_space<vmem>> -> memref<16x128xf32, #tpu.memory_space<vmem>>
        %dma_start3A_1670 = arith.constant 0 : i32
        %dma_start3A_1671 = tpu.memref_slice %arg4[%dma_start3A_1670, %multiple_of3A_1661] : memref<16x1000000xf32, #tpu.memory_space<hbm>> -> memref<16x128xf32, #tpu.memory_space<hbm>>
        %dma_start3A_1672 = arith.constant 0 : i32
        %dma_start3A_1673 = arith.constant 0 : i32
        %dma_start3A_1674 = tpu.memref_slice %arg12[%dma_start3A_1665, %dma_start3A_1672, %dma_start3A_1673] : memref<8x16x128xf32, #tpu.memory_space<vmem>> -> memref<1x16x128xf32, #tpu.memory_space<vmem>>
        %dma_start3A_1675 = tpu.memref_squeeze %dma_start3A_1674 : memref<1x16x128xf32, #tpu.memory_space<vmem>> -> memref<16x128xf32, #tpu.memory_space<vmem>>
        %dma_start3A_1676 = arith.constant 0 : i32
        %dma_start3A_1677 = tpu.memref_slice %arg4[%dma_start3A_1676, %multiple_of3A_1661] : memref<16x1000000xf32, #tpu.memory_space<hbm>> -> memref<16x128xf32, #tpu.memory_space<hbm>>
        tpu.enqueue_dma source(%dma_start3A_1677 : memref<16x128xf32, #tpu.memory_space<hbm>>) target(%dma_start3A_1675 : memref<16x128xf32, #tpu.memory_space<vmem>>) target_semaphore(%arg23 : memref<!tpu.dma_semaphore, #tpu.memory_space<semaphore_mem>>)
        %dma_start3A_1678 = arith.constant 7 : i32
        %dma_start3A_1679 = arith.constant 0 : i32
        %dma_start3A_1680 = arith.constant 0 : i32
        %dma_start3A_1681 = tpu.memref_slice %arg13[%dma_start3A_1678, %dma_start3A_1679, %dma_start3A_1680] : memref<8x16x128xf32, #tpu.memory_space<vmem>> -> memref<1x16x128xf32, #tpu.memory_space<vmem>>
        %dma_start3A_1682 = tpu.memref_squeeze %dma_start3A_1681 : memref<1x16x128xf32, #tpu.memory_space<vmem>> -> memref<16x128xf32, #tpu.memory_space<vmem>>
        %dma_start3A_1683 = arith.constant 0 : i32
        %dma_start3A_1684 = tpu.memref_slice %arg6[%dma_start3A_1683, %multiple_of3A_1664] : memref<16x1000000xf32, #tpu.memory_space<hbm>> -> memref<16x128xf32, #tpu.memory_space<hbm>>
        %dma_start3A_1685 = arith.constant 0 : i32
        %dma_start3A_1686 = arith.constant 0 : i32
        %dma_start3A_1687 = tpu.memref_slice %arg13[%dma_start3A_1678, %dma_start3A_1685, %dma_start3A_1686] : memref<8x16x128xf32, #tpu.memory_space<vmem>> -> memref<1x16x128xf32, #tpu.memory_space<vmem>>
        %dma_start3A_1688 = tpu.memref_squeeze %dma_start3A_1687 : memref<1x16x128xf32, #tpu.memory_space<vmem>> -> memref<16x128xf32, #tpu.memory_space<vmem>>
        %dma_start3A_1689 = arith.constant 0 : i32
        %dma_start3A_1690 = tpu.memref_slice %arg6[%dma_start3A_1689, %multiple_of3A_1664] : memref<16x1000000xf32, #tpu.memory_space<hbm>> -> memref<16x128xf32, #tpu.memory_space<hbm>>
        tpu.enqueue_dma source(%dma_start3A_1690 : memref<16x128xf32, #tpu.memory_space<hbm>>) target(%dma_start3A_1688 : memref<16x128xf32, #tpu.memory_space<vmem>>) target_semaphore(%arg23 : memref<!tpu.dma_semaphore, #tpu.memory_space<semaphore_mem>>)
        %dma_start3A_1691 = arith.constant 7 : i32
        %dma_start3A_1692 = arith.constant 0 : i32
        %dma_start3A_1693 = arith.constant 0 : i32
        %dma_start3A_1694 = tpu.memref_slice %arg14[%dma_start3A_1691, %dma_start3A_1692, %dma_start3A_1693] : memref<8x1x128xf32, #tpu.memory_space<vmem>> -> memref<1x1x128xf32, #tpu.memory_space<vmem>>
        %dma_start3A_1695 = tpu.memref_squeeze %dma_start3A_1694 : memref<1x1x128xf32, #tpu.memory_space<vmem>> -> memref<1x128xf32, #tpu.memory_space<vmem>>
        %dma_start3A_1696 = arith.constant 0 : i32
        %dma_start3A_1697 = tpu.memref_slice %arg5[%dma_start3A_1696, %multiple_of3A_1661] : memref<1x1000000xf32, #tpu.memory_space<hbm>> -> memref<1x128xf32, #tpu.memory_space<hbm>>
        %dma_start3A_1698 = arith.constant 0 : i32
        %dma_start3A_1699 = arith.constant 0 : i32
        %dma_start3A_1700 = tpu.memref_slice %arg14[%dma_start3A_1691, %dma_start3A_1698, %dma_start3A_1699] : memref<8x1x128xf32, #tpu.memory_space<vmem>> -> memref<1x1x128xf32, #tpu.memory_space<vmem>>
        %dma_start3A_1701 = tpu.memref_squeeze %dma_start3A_1700 : memref<1x1x128xf32, #tpu.memory_space<vmem>> -> memref<1x128xf32, #tpu.memory_space<vmem>>
        %dma_start3A_1702 = arith.constant 0 : i32
        %dma_start3A_1703 = tpu.memref_slice %arg5[%dma_start3A_1702, %multiple_of3A_1661] : memref<1x1000000xf32, #tpu.memory_space<hbm>> -> memref<1x128xf32, #tpu.memory_space<hbm>>
        tpu.enqueue_dma source(%dma_start3A_1703 : memref<1x128xf32, #tpu.memory_space<hbm>>) target(%dma_start3A_1701 : memref<1x128xf32, #tpu.memory_space<vmem>>) target_semaphore(%arg23 : memref<!tpu.dma_semaphore, #tpu.memory_space<semaphore_mem>>)
        %dma_start3A_1704 = arith.constant 7 : i32
        %dma_start3A_1705 = arith.constant 0 : i32
        %dma_start3A_1706 = arith.constant 0 : i32
        %dma_start3A_1707 = tpu.memref_slice %arg15[%dma_start3A_1704, %dma_start3A_1705, %dma_start3A_1706] : memref<8x1x128xf32, #tpu.memory_space<vmem>> -> memref<1x1x128xf32, #tpu.memory_space<vmem>>
        %dma_start3A_1708 = tpu.memref_squeeze %dma_start3A_1707 : memref<1x1x128xf32, #tpu.memory_space<vmem>> -> memref<1x128xf32, #tpu.memory_space<vmem>>
        %dma_start3A_1709 = arith.constant 0 : i32
        %dma_start3A_1710 = tpu.memref_slice %arg7[%dma_start3A_1709, %multiple_of3A_1664] : memref<1x1000000xf32, #tpu.memory_space<hbm>> -> memref<1x128xf32, #tpu.memory_space<hbm>>
        %dma_start3A_1711 = arith.constant 0 : i32
        %dma_start3A_1712 = arith.constant 0 : i32
        %dma_start3A_1713 = tpu.memref_slice %arg15[%dma_start3A_1704, %dma_start3A_1711, %dma_start3A_1712] : memref<8x1x128xf32, #tpu.memory_space<vmem>> -> memref<1x1x128xf32, #tpu.memory_space<vmem>>
        %dma_start3A_1714 = tpu.memref_squeeze %dma_start3A_1713 : memref<1x1x128xf32, #tpu.memory_space<vmem>> -> memref<1x128xf32, #tpu.memory_space<vmem>>
        %dma_start3A_1715 = arith.constant 0 : i32
        %dma_start3A_1716 = tpu.memref_slice %arg7[%dma_start3A_1715, %multiple_of3A_1664] : memref<1x1000000xf32, #tpu.memory_space<hbm>> -> memref<1x128xf32, #tpu.memory_space<hbm>>
        tpu.enqueue_dma source(%dma_start3A_1716 : memref<1x128xf32, #tpu.memory_space<hbm>>) target(%dma_start3A_1714 : memref<1x128xf32, #tpu.memory_space<vmem>>) target_semaphore(%arg23 : memref<!tpu.dma_semaphore, #tpu.memory_space<semaphore_mem>>)
      } else {
      }
      %dma_wait3A_1089 = arith.constant 0 : i32
      %dma_wait3A_1090 = tpu.memref_slice %arg2[%dma_wait3A_1089] : memref<16384xi32, #tpu.memory_space<hbm>> -> memref<8704xi32, #tpu.memory_space<hbm>>
      %dma_wait3A_1091 = arith.constant 0 : i32
      %dma_wait3A_1092 = tpu.memref_slice %arg2[%dma_wait3A_1091] : memref<16384xi32, #tpu.memory_space<hbm>> -> memref<8704xi32, #tpu.memory_space<hbm>>
      tpu.wait_dma2 semaphore(%arg24 : memref<!tpu.dma_semaphore, #tpu.memory_space<semaphore_mem>>) src(%dma_wait3A_1092 : memref<8704xi32, #tpu.memory_space<hbm>>) dst(%arg22 : memref<8704xi32, #tpu.memory_space<vmem>>)
      %dma_wait3A_1093 = arith.constant 0 : i32
      %dma_wait3A_1094 = tpu.memref_slice %arg2[%dma_wait3A_1093] : memref<16384xi32, #tpu.memory_space<hbm>> -> memref<8704xi32, #tpu.memory_space<hbm>>
      %dma_wait3A_1095 = arith.constant 0 : i32
      %dma_wait3A_1096 = tpu.memref_slice %arg2[%dma_wait3A_1095] : memref<16384xi32, #tpu.memory_space<hbm>> -> memref<8704xi32, #tpu.memory_space<hbm>>
      tpu.wait_dma2 semaphore(%arg24 : memref<!tpu.dma_semaphore, #tpu.memory_space<semaphore_mem>>) src(%dma_wait3A_1096 : memref<8704xi32, #tpu.memory_space<hbm>>) dst(%arg22 : memref<8704xi32, #tpu.memory_space<vmem>>)
      %dma_wait3A_1097 = arith.constant 0 : i32
      %dma_wait3A_1098 = tpu.memref_slice %arg2[%dma_wait3A_1097] : memref<16384xi32, #tpu.memory_space<hbm>> -> memref<8704xi32, #tpu.memory_space<hbm>>
      %dma_wait3A_1099 = arith.constant 0 : i32
      %dma_wait3A_1100 = tpu.memref_slice %arg2[%dma_wait3A_1099] : memref<16384xi32, #tpu.memory_space<hbm>> -> memref<8704xi32, #tpu.memory_space<hbm>>
      tpu.wait_dma2 semaphore(%arg24 : memref<!tpu.dma_semaphore, #tpu.memory_space<semaphore_mem>>) src(%dma_wait3A_1100 : memref<8704xi32, #tpu.memory_space<hbm>>) dst(%arg22 : memref<8704xi32, #tpu.memory_space<vmem>>)
      %dma_wait3A_1101 = arith.constant 0 : i32
      %dma_wait3A_1102 = tpu.memref_slice %arg2[%dma_wait3A_1101] : memref<16384xi32, #tpu.memory_space<hbm>> -> memref<8704xi32, #tpu.memory_space<hbm>>
      %dma_wait3A_1103 = arith.constant 0 : i32
      %dma_wait3A_1104 = tpu.memref_slice %arg2[%dma_wait3A_1103] : memref<16384xi32, #tpu.memory_space<hbm>> -> memref<8704xi32, #tpu.memory_space<hbm>>
      tpu.wait_dma2 semaphore(%arg24 : memref<!tpu.dma_semaphore, #tpu.memory_space<semaphore_mem>>) src(%dma_wait3A_1104 : memref<8704xi32, #tpu.memory_space<hbm>>) dst(%arg22 : memref<8704xi32, #tpu.memory_space<vmem>>)
      %sub3A_1105 = arith.constant 8 : i32
      %sub3A_1106 = vector.broadcast %sub3A_1105 : i32 to vector<16xi32>
      %sub3A_1107 = arith.subi %iota3A, %sub3A_1106 : vector<16xi32>
      %jit3A_1108 = arith.constant 0 : i32
      %jit3A_1109 = arith.constant 7 : i32
      %max3A_1110 = vector.broadcast %jit3A_1108 : i32 to vector<16xi32>
      %max3A_1111 = arith.maxsi %max3A_1110, %sub3A_1107 : vector<16xi32>
      %min3A_1112 = vector.broadcast %jit3A_1109 : i32 to vector<16xi32>
      %min3A_1113 = arith.minsi %min3A_1112, %max3A_1111 : vector<16xi32>
      %and3A_1114 = arith.constant 127 : i32
      %and3A_1115 = vector.broadcast %and3A_1114 : i32 to vector<16xi32>
      %and3A_1116 = arith.andi %get3A_483, %and3A_1115 : vector<16xi32>
      %and3A_1117 = arith.constant 127 : i32
      %and3A_1118 = vector.broadcast %and3A_1117 : i32 to vector<16xi32>
      %and3A_1119 = arith.andi %get3A_487, %and3A_1118 : vector<16xi32>
      %broadcast_in_dim3A_1120 = arith.constant 0 : i32
      %broadcast_in_dim3A_1121 = vector.broadcast %broadcast_in_dim3A_1120 : i32 to vector<16xi32>
      %gather3A_1122 = tpu.vector_load_idx %arg18[%min3A_1113, %broadcast_in_dim3A_1121, %and3A_1116] : memref<8x1x128xf32, #tpu.memory_space<vmem>>[vector<16xi32>, vector<16xi32>, vector<16xi32>], vector<16xf32>,
      %gather3A_1123 = tpu.vector_load_idx %arg19[%min3A_1113, %broadcast_in_dim3A_1121, %and3A_1119] : memref<8x1x128xf32, #tpu.memory_space<vmem>>[vector<16xi32>, vector<16xi32>, vector<16xi32>], vector<16xf32>,
      %add3A_1124 = arith.addf %gather3A_1122, %gather3A_1123 : vector<16xf32>
      %add3A_1125 = arith.addf %add3A_1124, %get3A_3 : vector<16xf32>
      %broadcast_in_dim3A_1126 = arith.constant 0 : i32
      %broadcast_in_dim3A_1127 = vector.broadcast %broadcast_in_dim3A_1126 : i32 to vector<16xi32>
      %gather3A_1128 = tpu.vector_load_idx %arg16[%min3A_1113, %broadcast_in_dim3A_1127, %and3A_1116] : memref<8x16x128xf32, #tpu.memory_space<vmem>>[vector<16xi32>, vector<16xi32>, vector<16xi32>], vector<16xf32>,
      %gather3A_1129 = tpu.vector_load_idx %arg17[%min3A_1113, %broadcast_in_dim3A_1127, %and3A_1119] : memref<8x16x128xf32, #tpu.memory_space<vmem>>[vector<16xi32>, vector<16xi32>, vector<16xi32>], vector<16xf32>,
      %mul3A_1130 = arith.mulf %gather3A_1128, %gather3A_1129 : vector<16xf32>
      %add3A_1131 = arith.addf %add3A_1125, %mul3A_1130 : vector<16xf32>
      %broadcast_in_dim3A_1132 = arith.constant 1 : i32
      %broadcast_in_dim3A_1133 = vector.broadcast %broadcast_in_dim3A_1132 : i32 to vector<16xi32>
      %gather3A_1134 = tpu.vector_load_idx %arg16[%min3A_1113, %broadcast_in_dim3A_1133, %and3A_1116] : memref<8x16x128xf32, #tpu.memory_space<vmem>>[vector<16xi32>, vector<16xi32>, vector<16xi32>], vector<16xf32>,
      %gather3A_1135 = tpu.vector_load_idx %arg17[%min3A_1113, %broadcast_in_dim3A_1133, %and3A_1119] : memref<8x16x128xf32, #tpu.memory_space<vmem>>[vector<16xi32>, vector<16xi32>, vector<16xi32>], vector<16xf32>,
      %mul3A_1136 = arith.mulf %gather3A_1134, %gather3A_1135 : vector<16xf32>
      %add3A_1137 = arith.addf %add3A_1131, %mul3A_1136 : vector<16xf32>
      %broadcast_in_dim3A_1138 = arith.constant 2 : i32
      %broadcast_in_dim3A_1139 = vector.broadcast %broadcast_in_dim3A_1138 : i32 to vector<16xi32>
      %gather3A_1140 = tpu.vector_load_idx %arg16[%min3A_1113, %broadcast_in_dim3A_1139, %and3A_1116] : memref<8x16x128xf32, #tpu.memory_space<vmem>>[vector<16xi32>, vector<16xi32>, vector<16xi32>], vector<16xf32>,
      %gather3A_1141 = tpu.vector_load_idx %arg17[%min3A_1113, %broadcast_in_dim3A_1139, %and3A_1119] : memref<8x16x128xf32, #tpu.memory_space<vmem>>[vector<16xi32>, vector<16xi32>, vector<16xi32>], vector<16xf32>,
      %mul3A_1142 = arith.mulf %gather3A_1140, %gather3A_1141 : vector<16xf32>
      %add3A_1143 = arith.addf %add3A_1137, %mul3A_1142 : vector<16xf32>
      %broadcast_in_dim3A_1144 = arith.constant 3 : i32
      %broadcast_in_dim3A_1145 = vector.broadcast %broadcast_in_dim3A_1144 : i32 to vector<16xi32>
      %gather3A_1146 = tpu.vector_load_idx %arg16[%min3A_1113, %broadcast_in_dim3A_1145, %and3A_1116] : memref<8x16x128xf32, #tpu.memory_space<vmem>>[vector<16xi32>, vector<16xi32>, vector<16xi32>], vector<16xf32>,
      %gather3A_1147 = tpu.vector_load_idx %arg17[%min3A_1113, %broadcast_in_dim3A_1145, %and3A_1119] : memref<8x16x128xf32, #tpu.memory_space<vmem>>[vector<16xi32>, vector<16xi32>, vector<16xi32>], vector<16xf32>,
      %mul3A_1148 = arith.mulf %gather3A_1146, %gather3A_1147 : vector<16xf32>
      %add3A_1149 = arith.addf %add3A_1143, %mul3A_1148 : vector<16xf32>
      %broadcast_in_dim3A_1150 = arith.constant 4 : i32
      %broadcast_in_dim3A_1151 = vector.broadcast %broadcast_in_dim3A_1150 : i32 to vector<16xi32>
      %gather3A_1152 = tpu.vector_load_idx %arg16[%min3A_1113, %broadcast_in_dim3A_1151, %and3A_1116] : memref<8x16x128xf32, #tpu.memory_space<vmem>>[vector<16xi32>, vector<16xi32>, vector<16xi32>], vector<16xf32>,
      %gather3A_1153 = tpu.vector_load_idx %arg17[%min3A_1113, %broadcast_in_dim3A_1151, %and3A_1119] : memref<8x16x128xf32, #tpu.memory_space<vmem>>[vector<16xi32>, vector<16xi32>, vector<16xi32>], vector<16xf32>,
      %mul3A_1154 = arith.mulf %gather3A_1152, %gather3A_1153 : vector<16xf32>
      %add3A_1155 = arith.addf %add3A_1149, %mul3A_1154 : vector<16xf32>
      %broadcast_in_dim3A_1156 = arith.constant 5 : i32
      %broadcast_in_dim3A_1157 = vector.broadcast %broadcast_in_dim3A_1156 : i32 to vector<16xi32>
      %gather3A_1158 = tpu.vector_load_idx %arg16[%min3A_1113, %broadcast_in_dim3A_1157, %and3A_1116] : memref<8x16x128xf32, #tpu.memory_space<vmem>>[vector<16xi32>, vector<16xi32>, vector<16xi32>], vector<16xf32>,
      %gather3A_1159 = tpu.vector_load_idx %arg17[%min3A_1113, %broadcast_in_dim3A_1157, %and3A_1119] : memref<8x16x128xf32, #tpu.memory_space<vmem>>[vector<16xi32>, vector<16xi32>, vector<16xi32>], vector<16xf32>,
      %mul3A_1160 = arith.mulf %gather3A_1158, %gather3A_1159 : vector<16xf32>
      %add3A_1161 = arith.addf %add3A_1155, %mul3A_1160 : vector<16xf32>
      %broadcast_in_dim3A_1162 = arith.constant 6 : i32
      %broadcast_in_dim3A_1163 = vector.broadcast %broadcast_in_dim3A_1162 : i32 to vector<16xi32>
      %gather3A_1164 = tpu.vector_load_idx %arg16[%min3A_1113, %broadcast_in_dim3A_1163, %and3A_1116] : memref<8x16x128xf32, #tpu.memory_space<vmem>>[vector<16xi32>, vector<16xi32>, vector<16xi32>], vector<16xf32>,
      %gather3A_1165 = tpu.vector_load_idx %arg17[%min3A_1113, %broadcast_in_dim3A_1163, %and3A_1119] : memref<8x16x128xf32, #tpu.memory_space<vmem>>[vector<16xi32>, vector<16xi32>, vector<16xi32>], vector<16xf32>,
      %mul3A_1166 = arith.mulf %gather3A_1164, %gather3A_1165 : vector<16xf32>
      %add3A_1167 = arith.addf %add3A_1161, %mul3A_1166 : vector<16xf32>
      %broadcast_in_dim3A_1168 = arith.constant 7 : i32
      %broadcast_in_dim3A_1169 = vector.broadcast %broadcast_in_dim3A_1168 : i32 to vector<16xi32>
      %gather3A_1170 = tpu.vector_load_idx %arg16[%min3A_1113, %broadcast_in_dim3A_1169, %and3A_1116] : memref<8x16x128xf32, #tpu.memory_space<vmem>>[vector<16xi32>, vector<16xi32>, vector<16xi32>], vector<16xf32>,
      %gather3A_1171 = tpu.vector_load_idx %arg17[%min3A_1113, %broadcast_in_dim3A_1169, %and3A_1119] : memref<8x16x128xf32, #tpu.memory_space<vmem>>[vector<16xi32>, vector<16xi32>, vector<16xi32>], vector<16xf32>,
      %mul3A_1172 = arith.mulf %gather3A_1170, %gather3A_1171 : vector<16xf32>
      %add3A_1173 = arith.addf %add3A_1167, %mul3A_1172 : vector<16xf32>
      %broadcast_in_dim3A_1174 = arith.constant 8 : i32
      %broadcast_in_dim3A_1175 = vector.broadcast %broadcast_in_dim3A_1174 : i32 to vector<16xi32>
      %gather3A_1176 = tpu.vector_load_idx %arg16[%min3A_1113, %broadcast_in_dim3A_1175, %and3A_1116] : memref<8x16x128xf32, #tpu.memory_space<vmem>>[vector<16xi32>, vector<16xi32>, vector<16xi32>], vector<16xf32>,
      %gather3A_1177 = tpu.vector_load_idx %arg17[%min3A_1113, %broadcast_in_dim3A_1175, %and3A_1119] : memref<8x16x128xf32, #tpu.memory_space<vmem>>[vector<16xi32>, vector<16xi32>, vector<16xi32>], vector<16xf32>,
      %mul3A_1178 = arith.mulf %gather3A_1176, %gather3A_1177 : vector<16xf32>
      %add3A_1179 = arith.addf %add3A_1173, %mul3A_1178 : vector<16xf32>
      %broadcast_in_dim3A_1180 = arith.constant 9 : i32
      %broadcast_in_dim3A_1181 = vector.broadcast %broadcast_in_dim3A_1180 : i32 to vector<16xi32>
      %gather3A_1182 = tpu.vector_load_idx %arg16[%min3A_1113, %broadcast_in_dim3A_1181, %and3A_1116] : memref<8x16x128xf32, #tpu.memory_space<vmem>>[vector<16xi32>, vector<16xi32>, vector<16xi32>], vector<16xf32>,
      %gather3A_1183 = tpu.vector_load_idx %arg17[%min3A_1113, %broadcast_in_dim3A_1181, %and3A_1119] : memref<8x16x128xf32, #tpu.memory_space<vmem>>[vector<16xi32>, vector<16xi32>, vector<16xi32>], vector<16xf32>,
      %mul3A_1184 = arith.mulf %gather3A_1182, %gather3A_1183 : vector<16xf32>
      %add3A_1185 = arith.addf %add3A_1179, %mul3A_1184 : vector<16xf32>
      %broadcast_in_dim3A_1186 = arith.constant 10 : i32
      %broadcast_in_dim3A_1187 = vector.broadcast %broadcast_in_dim3A_1186 : i32 to vector<16xi32>
      %gather3A_1188 = tpu.vector_load_idx %arg16[%min3A_1113, %broadcast_in_dim3A_1187, %and3A_1116] : memref<8x16x128xf32, #tpu.memory_space<vmem>>[vector<16xi32>, vector<16xi32>, vector<16xi32>], vector<16xf32>,
      %gather3A_1189 = tpu.vector_load_idx %arg17[%min3A_1113, %broadcast_in_dim3A_1187, %and3A_1119] : memref<8x16x128xf32, #tpu.memory_space<vmem>>[vector<16xi32>, vector<16xi32>, vector<16xi32>], vector<16xf32>,
      %mul3A_1190 = arith.mulf %gather3A_1188, %gather3A_1189 : vector<16xf32>
      %add3A_1191 = arith.addf %add3A_1185, %mul3A_1190 : vector<16xf32>
      %broadcast_in_dim3A_1192 = arith.constant 11 : i32
      %broadcast_in_dim3A_1193 = vector.broadcast %broadcast_in_dim3A_1192 : i32 to vector<16xi32>
      %gather3A_1194 = tpu.vector_load_idx %arg16[%min3A_1113, %broadcast_in_dim3A_1193, %and3A_1116] : memref<8x16x128xf32, #tpu.memory_space<vmem>>[vector<16xi32>, vector<16xi32>, vector<16xi32>], vector<16xf32>,
      %gather3A_1195 = tpu.vector_load_idx %arg17[%min3A_1113, %broadcast_in_dim3A_1193, %and3A_1119] : memref<8x16x128xf32, #tpu.memory_space<vmem>>[vector<16xi32>, vector<16xi32>, vector<16xi32>], vector<16xf32>,
      %mul3A_1196 = arith.mulf %gather3A_1194, %gather3A_1195 : vector<16xf32>
      %add3A_1197 = arith.addf %add3A_1191, %mul3A_1196 : vector<16xf32>
      %broadcast_in_dim3A_1198 = arith.constant 12 : i32
      %broadcast_in_dim3A_1199 = vector.broadcast %broadcast_in_dim3A_1198 : i32 to vector<16xi32>
      %gather3A_1200 = tpu.vector_load_idx %arg16[%min3A_1113, %broadcast_in_dim3A_1199, %and3A_1116] : memref<8x16x128xf32, #tpu.memory_space<vmem>>[vector<16xi32>, vector<16xi32>, vector<16xi32>], vector<16xf32>,
      %gather3A_1201 = tpu.vector_load_idx %arg17[%min3A_1113, %broadcast_in_dim3A_1199, %and3A_1119] : memref<8x16x128xf32, #tpu.memory_space<vmem>>[vector<16xi32>, vector<16xi32>, vector<16xi32>], vector<16xf32>,
      %mul3A_1202 = arith.mulf %gather3A_1200, %gather3A_1201 : vector<16xf32>
      %add3A_1203 = arith.addf %add3A_1197, %mul3A_1202 : vector<16xf32>
      %broadcast_in_dim3A_1204 = arith.constant 13 : i32
      %broadcast_in_dim3A_1205 = vector.broadcast %broadcast_in_dim3A_1204 : i32 to vector<16xi32>
      %gather3A_1206 = tpu.vector_load_idx %arg16[%min3A_1113, %broadcast_in_dim3A_1205, %and3A_1116] : memref<8x16x128xf32, #tpu.memory_space<vmem>>[vector<16xi32>, vector<16xi32>, vector<16xi32>], vector<16xf32>,
      %gather3A_1207 = tpu.vector_load_idx %arg17[%min3A_1113, %broadcast_in_dim3A_1205, %and3A_1119] : memref<8x16x128xf32, #tpu.memory_space<vmem>>[vector<16xi32>, vector<16xi32>, vector<16xi32>], vector<16xf32>,
      %mul3A_1208 = arith.mulf %gather3A_1206, %gather3A_1207 : vector<16xf32>
      %add3A_1209 = arith.addf %add3A_1203, %mul3A_1208 : vector<16xf32>
      %broadcast_in_dim3A_1210 = arith.constant 14 : i32
      %broadcast_in_dim3A_1211 = vector.broadcast %broadcast_in_dim3A_1210 : i32 to vector<16xi32>
      %gather3A_1212 = tpu.vector_load_idx %arg16[%min3A_1113, %broadcast_in_dim3A_1211, %and3A_1116] : memref<8x16x128xf32, #tpu.memory_space<vmem>>[vector<16xi32>, vector<16xi32>, vector<16xi32>], vector<16xf32>,
      %gather3A_1213 = tpu.vector_load_idx %arg17[%min3A_1113, %broadcast_in_dim3A_1211, %and3A_1119] : memref<8x16x128xf32, #tpu.memory_space<vmem>>[vector<16xi32>, vector<16xi32>, vector<16xi32>], vector<16xf32>,
      %mul3A_1214 = arith.mulf %gather3A_1212, %gather3A_1213 : vector<16xf32>
      %add3A_1215 = arith.addf %add3A_1209, %mul3A_1214 : vector<16xf32>
      %broadcast_in_dim3A_1216 = arith.constant 15 : i32
      %broadcast_in_dim3A_1217 = vector.broadcast %broadcast_in_dim3A_1216 : i32 to vector<16xi32>
      %gather3A_1218 = tpu.vector_load_idx %arg16[%min3A_1113, %broadcast_in_dim3A_1217, %and3A_1116] : memref<8x16x128xf32, #tpu.memory_space<vmem>>[vector<16xi32>, vector<16xi32>, vector<16xi32>], vector<16xf32>,
      %gather3A_1219 = tpu.vector_load_idx %arg17[%min3A_1113, %broadcast_in_dim3A_1217, %and3A_1119] : memref<8x16x128xf32, #tpu.memory_space<vmem>>[vector<16xi32>, vector<16xi32>, vector<16xi32>], vector<16xf32>,
      %mul3A_1220 = arith.mulf %gather3A_1218, %gather3A_1219 : vector<16xf32>
      %add3A_1221 = arith.addf %add3A_1215, %mul3A_1220 : vector<16xf32>
      %lt3A_1222 = arith.constant 8 : i32
      %lt3A_1223 = vector.broadcast %lt3A_1222 : i32 to vector<16xi32>
      %lt3A_1224 = arith.cmpi slt, %iota3A, %lt3A_1223 : vector<16xi32>
      %select_n3A = arith.select %lt3A_1224, %add3A_1086, %add3A_1221 : vector<16xi1>, vector<16xf32>
      %neg3A = arith.constant 0.000000e+00 : f32
      %neg3A_1225 = vector.broadcast %neg3A : f32 to vector<16xf32>
      %neg3A_1226 = arith.subf %neg3A_1225, %select_n3A : vector<16xf32>
      %exp3A = math.exp %neg3A_1226 : vector<16xf32>
      %add3A_1227 = arith.constant 1.000000e+00 : f32
      %add3A_1228 = vector.broadcast %add3A_1227 : f32 to vector<16xf32>
      %add3A_1229 = arith.addf %add3A_1228, %exp3A : vector<16xf32>
      %div3A = arith.constant 1.000000e+00 : f32
      %div3A_1230 = vector.broadcast %div3A : f32 to vector<16xf32>
      %div3A_1231 = arith.divf %div3A_1230, %add3A_1229 : vector<16xf32>
      %mul3A_1232 = arith.constant 16 : i32
      %mul3A_1233 = arith.muli %scan3A_479, %mul3A_1232 : i32
      %swap3A = arith.index_cast %mul3A_1233 : i32 to index
      %swap3A_1234 = tpu.vector_load %arg21[%swap3A] {strides = array<i32>} : memref<512xf32, #tpu.memory_space<vmem>>, vector<16xf32>,
      tpu.vector_store %arg21[%swap3A], %div3A_1231 {strides = array<i32>} : memref<512xf32, #tpu.memory_space<vmem>>, vector<16xf32>,
    }
    %scan3A_478 = arith.constant 32 : i32
    "tpu.region"() ({
      %run_scoped3A = tpu.sem_alloc : memref<!tpu.dma_semaphore, #tpu.memory_space<semaphore_mem>>
      %dma_start3A_479 = tpu.memref_slice %arg9[%mul3A_2] : memref<16384xf32, #tpu.memory_space<hbm>> -> memref<512xf32, #tpu.memory_space<hbm>>
      %dma_start3A_480 = tpu.memref_slice %arg9[%mul3A_2] : memref<16384xf32, #tpu.memory_space<hbm>> -> memref<512xf32, #tpu.memory_space<hbm>>
      tpu.enqueue_dma source(%arg21 : memref<512xf32, #tpu.memory_space<vmem>>) target(%dma_start3A_480 : memref<512xf32, #tpu.memory_space<hbm>>) target_semaphore(%run_scoped3A : memref<!tpu.dma_semaphore, #tpu.memory_space<semaphore_mem>>)
      %dma_wait3A = tpu.memref_slice %arg9[%mul3A_2] : memref<16384xf32, #tpu.memory_space<hbm>> -> memref<512xf32, #tpu.memory_space<hbm>>
      %dma_wait3A_481 = tpu.memref_slice %arg9[%mul3A_2] : memref<16384xf32, #tpu.memory_space<hbm>> -> memref<512xf32, #tpu.memory_space<hbm>>
      tpu.wait_dma2 semaphore(%run_scoped3A : memref<!tpu.dma_semaphore, #tpu.memory_space<semaphore_mem>>) src(%arg21 : memref<512xf32, #tpu.memory_space<vmem>>) dst(%dma_wait3A_481 : memref<512xf32, #tpu.memory_space<hbm>>)
      tpu.yield
    }) : () -> ()
    return
  }
}

</mosaic_0001>

<sc_bundles>
// kernel: kernel.3.cloned.1.call-start
scs
__scs_entry_jumppad:
0x0: {  	(pc) =	sbr.rel $0x88, $3  }
0x1: {  	(tag) =	ssettag $0x0;
	lr =	simm.s32 $0x1  }
0x2: {  	[smem:$0x3F9B] =	sst lr;
	_ =	strace $0xD0000000  }
0x3: {  	_ = 	snop  }
0x4: {  	_ = 	snop  }
0x5: {  	_ = 	snop  }
0x6: {  	_ = 	snop  }
0x7: {  	_ = 	snop  }
__scs_overlays_trampoline_lowered:
0x8: {  	[smem:$0x3FAA] =	sst s0  }
0x9: {  	[smem:$0x3FAB] =	sst s1  }
0xa: {  	[smem:$0x3FAC] =	sst s2  }
0xb: {  	[smem:$0x3FAD] =	sst s3  }
0xc: {  	[smem:$0x3FAE] =	sst s4  }
0xd: {  	[smem:$0x3FAF] =	sst s5  }
0xe: {  	[smem:$0x3FB0] =	sst s6  }
0xf: {  	[smem:$0x3FB1] =	sst s7  }
0x10: {  	[smem:$0x3FB2] =	sst s8  }
0x11: {  	[smem:$0x3FB3] =	sst s9;
	s0 =	simm.s32 @!p0 $0x0  }
0x12: {  	s1 =	sld [smem:$0x3F99];
	s0 =	simm.s32 @p0 $0x1  }
0x13: {  	[smem:$0x3FB4] =	sst s0;
	s0 =	simm.s32 @!p1 $0x0  }
0x14: {  	s2 =	sld [smem:$0x3F98];
	s0 =	simm.s32 @p1 $0x1  }
0x15: {  	[smem:$0x3FB5] =	sst s0;
	s0 =	simm.s32 @!p2 $0x0  }
0x16: {  	s3 =	sld [smem:$0x3FDB];
	s0 =	simm.s32 @p2 $0x1  }
0x17: {  	s4 =	simm.s32 $0x1BF5;
	[smem:$0x3FB7] =	sst s0  }
0x18: {  	s0 =	sld [smem:$0x3F9A];
	_ =	swait.ge [sflag:s4], $0x0  }
0x19: {  	s7 =	sld [smem:$0x3F9B]  }
0x1a: {  	s8 =	sadd.s32 $0xFFFFE003, lr  }
0x1b: {  	s9 =	sadd.s32 $0xFFFFFEF7, lr;
	s5 =	simm.s32 $0xFFFFFFFF;
	p2 =	slt.u32 s8, $0xFFFFF086  }
0x1c: {  	p1 =	slt.u32 s9, $0xF7A;
	s5 =	simm.s32 @!p2 $0x0  }
0x1d: {  	s5 =	simm.s32 @p1 $0x1;
	p0 =	seq.s32 s7, s2  }
0x1e: {  	s7 =	smul.u32 @!p0 $0xF7A, s2;
	p2 =	seq.s32 @!p0 s5, $0x0  }
0x1f: {  	s9 =	smul.u32 $0xF7A, s1;
	s8 =	simm.s32 @!p0 $0x1BF5;
	p2 =	por !p2, p0  }
0x20: {  	[sflag:s8] =	ssyncset.s32 @!p0 $0xFFFFF086;
	s6 =	sadd.s32 @!p0 s3, s7;
	s7 =	simm.s32 @!p0 $0x108  }
0x21: {  	s3 =	sadd.s32 s3, s9;
	s6 =	sadd.s32 @!p0 $0x88, s6;
	s7 =	simm.s32 @p2 $0x1082  }
0x22: {  	[simem:s7], [sflag:s8] =	dma.local @!p0 [hbm:s6], $0xF7A  }
0x23: {  	s9 =	sor.u32 $0xD0000000, s2;
	s6 =	simm.s32 $0x108;
	_ =	swait.ge @!p0 [sflag:s8], $0x0  }
0x24: {  	s3 =	sadd.s32 $0x88, s3;
	s6 =	simm.s32 @!p1 $0x1082;
	[sflag:s4] =	ssyncset.s32 $0xFFFFF086  }
0x25: {  	[simem:s6], [sflag:s4] =	dma.local [hbm:s3], $0xF7A  }
0x26: {  	[smem:$0x3F9B] =	sst s1;
	(tag) =	ssettag s2;
	_ =	strace s9  }
0x27: {  	s1 =	sld [smem:$0x3FAB]  }
0x28: {  	s2 =	sld [smem:$0x3FAC]  }
0x29: {  	s4 =	sld [smem:$0x3FAE]  }
0x2a: {  	p0 =	seq.s32 s5, $0x0;
	s5 =	sld [smem:$0x3FAF]  }
0x2b: {  	s6 =	sld [smem:$0x3FB0]  }
0x2c: {  	s7 =	sld [smem:$0x3FB1]  }
0x2d: {  	s3 =	simm.s32 $0x108;
	s8 =	sld [smem:$0x3FB2]  }
0x2e: {  	s3 =	simm.s32 @!p0 $0x1082;
	s9 =	sld [smem:$0x3FB3]  }
0x2f: {  	lr =	sadd.s32 s0, s3;
	s0 =	sld [smem:$0x3FAA]  }
0x30: {  	s3 =	sld [smem:$0x3FAD]  }
0x31: {  	[smem:$0x3FB6] =	sst s10  }
0x32: {  	s10 =	sld [smem:$0x3FB4];
	_ =	sdelay $0x3  }
0x33: {  	p0 =	seq.s32 s10, $0x1;
	s10 =	sld [smem:$0x3FB6];
	_ =	sdelay $0x3  }
0x34: {  	[smem:$0x3FB6] =	sst s10  }
0x35: {  	s10 =	sld [smem:$0x3FB5];
	_ =	sdelay $0x3  }
0x36: {  	p1 =	seq.s32 s10, $0x1;
	s10 =	sld [smem:$0x3FB6];
	_ =	sdelay $0x3  }
0x37: {  	[smem:$0x3FB6] =	sst s10  }
0x38: {  	s10 =	sld [smem:$0x3FB7]  }
0x39: {  	_ = 	snop;
	(pc) =	sbr.ind lr, $3  }
0x3a: {  	_ = 	snop  }
0x3b: {  	_ = 	snop  }
0x3c: {  	p2 =	seq.s32 s10, $0x1;
	s10 =	sld [smem:$0x3FB6]  }
0x3d: {  	_ =	shalt  }
0x3e: {  	_ =	shalt  }
0x3f: {  	_ =	shalt  }
0x40: {  	_ =	shalt  }
0x41: {  	_ =	shalt  }
0x42: {  	_ =	shalt  }
0x43: {  	_ =	shalt  }
0x44: {  	_ =	shalt  }
0x45: {  	_ =	shalt  }
0x46: {  	_ =	shalt  }
0x47: {  	_ =	shalt  }
0x48: {  	_ =	shalt  }
0x49: {  	_ =	shalt  }
0x4a: {  	_ =	shalt  }
0x4b: {  	_ =	shalt  }
0x4c: {  	_ =	shalt  }
0x4d: {  	_ =	shalt  }
0x4e: {  	_ =	shalt  }
0x4f: {  	_ =	shalt  }
0x50: {  	_ =	shalt  }
0x51: {  	_ =	shalt  }
0x52: {  	_ =	shalt  }
0x53: {  	_ =	shalt  }
0x54: {  	_ =	shalt  }
0x55: {  	_ =	shalt  }
0x56: {  	_ =	shalt  }
0x57: {  	_ =	shalt  }
0x58: {  	_ =	shalt  }
0x59: {  	_ =	shalt  }
0x5a: {  	_ =	shalt  }
0x5b: {  	_ =	shalt  }
0x5c: {  	_ =	shalt  }
0x5d: {  	_ =	shalt  }
0x5e: {  	_ =	shalt  }
0x5f: {  	_ =	shalt  }
0x60: {  	_ =	shalt  }
0x61: {  	_ =	shalt  }
0x62: {  	_ =	shalt  }
0x63: {  	_ =	shalt  }
0x64: {  	_ =	shalt  }
0x65: {  	_ =	shalt  }
0x66: {  	_ =	shalt  }
0x67: {  	_ =	shalt  }
0x68: {  	_ =	shalt  }
0x69: {  	_ =	shalt  }
0x6a: {  	_ =	shalt  }
0x6b: {  	_ =	shalt  }
0x6c: {  	_ =	shalt  }
0x6d: {  	_ =	shalt  }
0x6e: {  	_ =	shalt  }
0x6f: {  	_ =	shalt  }
0x70: {  	_ =	shalt  }
0x71: {  	_ =	shalt  }
0x72: {  	_ =	shalt  }
0x73: {  	_ =	shalt  }
0x74: {  	_ =	shalt  }
0x75: {  	_ =	shalt  }
0x76: {  	_ =	shalt  }
0x77: {  	_ =	shalt  }
0x78: {  	_ =	shalt  }
0x79: {  	_ =	shalt  }
0x7a: {  	_ =	shalt  }
0x7b: {  	_ =	shalt  }
0x7c: {  	_ =	shalt  }
0x7d: {  	_ =	shalt  }
0x7e: {  	_ =	shalt  }
0x7f: {  	_ =	shalt  }
0x80: {  	_ =	shalt  }
0x81: {  	_ =	shalt  }
0x82: {  	_ =	shalt  }
0x83: {  	_ =	shalt  }
0x84: {  	_ =	shalt  }
0x85: {  	_ =	shalt  }
0x86: {  	_ =	shalt  }
0x87: {  	_ =	shalt  }
.Lfunc_end0:
.L_simem_size_0:
called_computation_lowered:
.L_overlay_start_0:
0x88: {  	s2 =	sld [smem:$0x3FD9]  }
0x89: {  	s3 =	sld [smem:$0x3FFE];
	_ =	sdelay $0x1  }
0x8a: {  	s1 =	srdreg.scid  }
0x8b: {  	s0 =	sand.u32 $0x1, s1  }
0x8c: {  	s17 =	sshll.u32 s0, $0xA;
	s2 =	sadd.s32 s3, s2  }
0x8d: {  	s2 =	sadd.s32 s2, s17  }
0x8e: {  	[smem:$0x3FC2] =	sst s2  }
0x8f: {  	_ = 	snop  }
0x90: {  	s2 =	sld [smem:$0x3FC8]  }
0x91: {  	s18 =	sld [smem:$0x3FC7]  }
0x92: {  	s4 =	sld [smem:$0x3FC6]  }
0x93: {  	s5 =	sld [smem:$0x3FC5]  }
0x94: {  	s6 =	sld [smem:$0x3FD0];
	(tm) =	ssettm $0x1  }
0x95: {  	s7 =	sld [smem:$0x3FFB];
	_ =	sdelay $0x3  }
0x96: {  	_ =	strace s7  }
0x97: {  	s7 =	sld [smem:$0x3FFC];
	_ =	sdelay $0x3  }
0x98: {  	_ =	strace s7  }
0x99: {  	s7 =	sld [smem:$0x3FFD];
	_ =	sdelay $0x3  }
0x9a: {  	_ =	strace s7  }
0x9b: {  	_ =	strace $0x8FFFFFFF  }
0x9c: {  	s19 =	sld [smem:$0x3FDB];
	_ =	sdelay $0x1  }
0x9d: {  	s8 =	simm.s32 $_scs_section_size  }
0x9e: {  	s9 =	simm.s32 $_size__tile_overlayer_lowered;
	s10 =	simm.s32 $_tile_overlayer_lowered  }
0x9f: {  	s22 =	simm.s32 $0x1BFF;
	s21 =	sshll.u32 s10, $0x1;
	s7 =	sadd.s32 s8, s19  }
0xa0: {  	s11 =	simm.s32 $0x0;
	s20 =	sshll.u32 s9, $0x1;
	s9 =	sadd.s32 s21, s7  }
0xa1: {  	[timem:s11], [sflag:s22] =	dma.local [hbm:s9], s20  }
0xa2: {  	_ =	swait.ge [sflag:s22], s20  }
0xa3: {  	s8 =	ssub.s32 $0x0, s20;
	[sflag:s22] =	ssyncset.done $0x0  }
0xa4: {  	[sflag:s22] =	ssyncadd.s32 s8;
	_ =	sdelay $0x1  }
0xa5: {  	s23 =	simm.s32 $0x1B8B  }
0xa6: {  	_ =	swait.ge [sflag:s23], $0x1  }
0xa7: {  	[sflag:s23] =	ssyncset.done $0x0  }
0xa8: {  	s25 =	simm.s32 $0x1B8E;
	s24 =	sld [smem:$0x3FFE];
	[sflag:s23] =	ssyncadd.s32 $0xFFFFFFFF  }
0xa9: {  	s26 =	simm.s32 $execute0_lowered;
	[smem:$0x3FD2] =	sst s25  }
0xaa: {  	s9 =	sshll.u32 s26, $0x1;
	_ =	strace $0x80000046;
	[dreg:$0x1] =	wrdreg $0xFFFFFFFF  }
0xab: {  	s28 =	simm.s32 $_size_execute0_lowered;
	s7 =	sadd.s32 s7, s9;
	[dreg:$0x0] =	wrdreg $0x0  }
0xac: {  	s9 =	sshll.u32 s28, $0x1;
	[dreg:$0x2] =	wrdreg s7  }
0xad: {  	[dreg:$0x3] =	wrdreg s9  }
0xae: {  	[dreg:$0x4] =	wrdreg $0xC0  }
0xaf: {  	_ =	task [dreg:s11], $0x5FFFF  }
0xb0: {  	[dreg:$0x1] =	wrdreg $0xFFFFFFFF  }
0xb1: {  	[dreg:$0x0] =	wrdreg $0x60  }
0xb2: {  	[dreg:$0x2] =	wrdreg s24  }
0xb3: {  	[dreg:$0x3] =	wrdreg s2  }
0xb4: {  	[dreg:$0x4] =	wrdreg s18  }
0xb5: {  	[dreg:$0x5] =	wrdreg s4  }
0xb6: {  	[dreg:$0x6] =	wrdreg s5  }
0xb7: {  	[dreg:$0x7] =	wrdreg s6  }
0xb8: {  	[dreg:$0x8] =	wrdreg $0x9  }
0xb9: {  	_ =	task.clear_ibuf [dreg:s11], $0x9FFFF;
	_ =	strace $0x90000046  }
0xba: {  	s29 =	simm.s32 $0x9;
	_ =	strace $0x80000048  }
0xbb: {  	_ =	swait.ge [sflag:s29], $0x1  }
0xbc: {  	[sflag:s29] =	ssyncadd.s32 $0xFFFFFFFF  }
0xbd: {  	_ =	strace $0x90000048  }
0xbe: {  	_ =	sfence  }
0xbf: {  	s30 =	sld [smem:$0x0];
	_ =	sdelay $0x2  }
0xc0: {  	s31 =	sshll.u32 s1, $0xD;
	s1 =	sshrl.u32 s1, $0x2  }
0xc1: {  	s3 =	sand.u32 $0x4000, s31;
	s1 =	sadd.s32 s1, s30  }
0xc2: {  	s0 =	sor.u32 s3, s0;
	s1 =	sshll.u32 s1, $0x11  }
0xc3: {  	s0 =	sor.u32 s1, s0  }
0xc4: {  	s0 =	sadd.s32 $0x8F2B, s0  }
0xc5: {  	[sflag:s0] =	ssyncadd.remote.s32 $0x1  }
0xc6: {  	_ =	sfence.sel $0xFFFF  }
0xc7: {  	[dreg:$0x0] =	wrdreg $0xFFFFFFFF;
	(pc) =	sbr.abs _section_cstart, $3  }
0xc8: {  	[dreg:$0x1] =	wrdreg $0xFFFFFFFF  }
0xc9: {  	_ =	task.clear_ibuf [dreg:s11], $0x2FFFF;
	_ =	strace $0x9FFFFFFF  }
0xca: {  	(tm) =	ssettm $0x7FFFFFFF  }
0xcb: {  	_ =	shalt  }
tec
execute0_lowered:
.L_overlay_start_1:
0x0: {  	(tag) =	ssettag $0x1  }
0x1: {  	vm0 =	vcmask $0x300;
	v18 =	vimm.s32 $0x380;
	v17 =	vimm.s32 $0x3800  }
0x2: {  	vm1 =	vcmask $0x704;
	vm2 =	vcmask $0xB08;
	vm3 =	vcmask $0xF0C  }
0x3: {  	vm4 =	vcmask $0x1310;
	vm5 =	vcmask $0x1714;
	vm6 =	vcmask $0x1B18  }
0x4: {  	v21 =	vimm.s32 $0x3880;
	v19 =	vimm.s32 $0x3900;
	v20 =	vimm.s32 $0x3980  }
0x5: {  	v24 =	vimm.s32 $0x3A00;
	v22 =	vimm.s32 $0x3A80;
	v23 =	vimm.s32 $0x3B00  }
0x6: {  	v26 =	vimm.s32 $0x3B80;
	v6 =	vimm.s32 $0x3C00;
	v25 =	vimm.s32 $0x3C80  }
0x7: {  	v5 =	vimm.s32 $0x3D00;
	v3 =	vimm.s32 $0x3D80;
	v4 =	vimm.s32 $0x3E00  }
0x8: {  	v59 =	vimm.s32 $0x3E80;
	v60 =	vimm.s32 $0x3F00;
	v61 =	vimm.s32 $0x3F80  }
0x9: {  	vm13 =	vcmask $0x2300;
	vm14 =	vcmask $0x2724;
	vm15 =	vcmask $0x2B28  }
0xa: {  	v0 =	vsel vm0, $0x0, v18;
	v1 =	vsel vm0, $0x0, v17;
	v36 =	vsel vm0, $0x80, v21  }
0xb: {  	v37 =	vsel vm0, $0x100, v19;
	v2 =	vsel vm0, $0x180, v20;
	v41 =	vsel vm0, $0x200, v24  }
0xc: {  	v42 =	vsel vm0, $0x280, v22;
	v43 =	vsel vm0, $0x300, v23;
	v47 =	vsel vm0, $0x380, v26  }
0xd: {  	v48 =	vsel vm0, $0x400, v6;
	v49 =	vsel vm0, $0x480, v25;
	v53 =	vsel vm0, $0x500, v5  }
0xe: {  	v54 =	vsel vm0, $0x580, v3;
	v55 =	vsel vm0, $0x600, v4;
	v14 =	vsel vm0, $0x680, v59  }
0xf: {  	v15 =	vsel vm0, $0x700, v60;
	v16 =	vsel vm0, $0x780, v61;
	v18 =	vsel vm13, $0x0, v18  }
0x10: {  	v17 =	vsel vm13, $0x0, v17;
	vm0 =	vcmask $0x3B38;
	v21 =	vsel vm13, $0x80, v21  }
0x11: {  	v19 =	vsel vm13, $0x100, v19;
	v20 =	vsel vm13, $0x180, v20;
	v24 =	vsel vm13, $0x200, v24  }
0x12: {  	v22 =	vsel vm13, $0x280, v22;
	v23 =	vsel vm13, $0x300, v23;
	v26 =	vsel vm13, $0x380, v26  }
0x13: {  	v6 =	vsel vm13, $0x400, v6;
	v25 =	vsel vm13, $0x480, v25;
	v5 =	vsel vm13, $0x500, v5  }
0x14: {  	v3 =	vsel vm13, $0x580, v3;
	v4 =	vsel vm13, $0x600, v4;
	v0 =	vsel vm1, $0x80, v0  }
0x15: {  	v1 =	vsel vm1, $0x800, v1;
	v2 =	vsel vm1, $0x980, v2;
	v14 =	vsel vm1, $0xE80, v14  }
0x16: {  	v15 =	vsel vm1, $0xF00, v15;
	v16 =	vsel vm1, $0xF80, v16;
	v18 =	vsel vm14, $0x80, v18  }
0x17: {  	v17 =	vsel vm14, $0x800, v17;
	v21 =	vsel vm14, $0x880, v21;
	v19 =	vsel vm14, $0x900, v19  }
0x18: {  	v20 =	vsel vm14, $0x980, v20;
	v24 =	vsel vm14, $0xA00, v24;
	v22 =	vsel vm14, $0xA80, v22  }
0x19: {  	v23 =	vsel vm14, $0xB00, v23;
	v26 =	vsel vm14, $0xB80, v26;
	v6 =	vsel vm14, $0xC00, v6  }
0x1a: {  	v25 =	vsel vm14, $0xC80, v25;
	v5 =	vsel vm14, $0xD00, v5;
	v3 =	vsel vm14, $0xD80, v3  }
0x1b: {  	v4 =	vsel vm14, $0xE00, v4;
	v0 =	vsel vm2, $0x100, v0;
	v1 =	vsel vm2, $0x1000, v1  }
0x1c: {  	v2 =	vsel vm2, $0x1180, v2;
	v14 =	vsel vm2, $0x1680, v14;
	v15 =	vsel vm2, $0x1700, v15  }
0x1d: {  	v16 =	vsel vm2, $0x1780, v16;
	v18 =	vsel vm15, $0x100, v18;
	v17 =	vsel vm15, $0x1000, v17  }
0x1e: {  	v21 =	vsel vm15, $0x1080, v21;
	v19 =	vsel vm15, $0x1100, v19;
	v20 =	vsel vm15, $0x1180, v20  }
0x1f: {  	v24 =	vsel vm15, $0x1200, v24;
	v22 =	vsel vm15, $0x1280, v22;
	v23 =	vsel vm15, $0x1300, v23  }
0x20: {  	v26 =	vsel vm15, $0x1380, v26;
	v6 =	vsel vm15, $0x1400, v6;
	v25 =	vsel vm15, $0x1480, v25  }
0x21: {  	v5 =	vsel vm15, $0x1500, v5;
	v3 =	vsel vm15, $0x1580, v3;
	v4 =	vsel vm15, $0x1600, v4  }
0x22: {  	v0 =	vsel vm3, $0x180, v0;
	v1 =	vsel vm3, $0x1800, v1;
	v2 =	vsel vm3, $0x1980, v2  }
0x23: {  	v14 =	vsel vm3, $0x1E80, v14;
	v15 =	vsel vm3, $0x1F00, v15;
	v16 =	vsel vm3, $0x1F80, v16  }
0x24: {  	v0 =	vsel vm4, $0x200, v0;
	v1 =	vsel vm4, $0x2000, v1;
	v2 =	vsel vm4, $0x2180, v2  }
0x25: {  	v14 =	vsel vm4, $0x2680, v14;
	v15 =	vsel vm4, $0x2700, v15;
	v16 =	vsel vm4, $0x2780, v16  }
0x26: {  	v0 =	vsel vm5, $0x280, v0;
	v1 =	vsel vm5, $0x2800, v1;
	v39 =	vsel vm5, $0x2980, v2  }
0x27: {  	v2 =	vsel vm1, $0xB00, v43;
	v14 =	vsel vm5, $0x2E80, v14;
	v15 =	vsel vm5, $0x2F00, v15  }
0x28: {  	v16 =	vsel vm5, $0x2F80, v16;
	v0 =	vsel vm6, $0x300, v0;
	v35 =	vsel vm6, $0x3000, v1  }
0x29: {  	v1 =	vsel vm1, $0x900, v37;
	v40 =	vsel vm6, $0x3180, v39;
	[tilespmem:$0x1FEF0] =	vst v0;
	v0 =	vsel vm1, $0x880, v36  }
0x2a: {  	v2 =	vsel vm2, $0x1300, v2;
	v7 =	vsel vm6, $0x3680, v14;
	v0 =	vsel vm2, $0x1080, v0  }
0x2b: {  	v62 =	vsel vm6, $0x3700, v15;
	v1 =	vsel vm2, $0x1100, v1;
	v0 =	vsel vm3, $0x1880, v0  }
0x2c: {  	v63 =	vsel vm6, $0x3780, v16;
	v1 =	vsel vm3, $0x1900, v1;
	v0 =	vsel vm4, $0x2080, v0  }
0x2d: {  	v2 =	vsel vm3, $0x1B00, v2;
	v1 =	vsel vm4, $0x2100, v1;
	v0 =	vsel vm5, $0x2880, v0  }
0x2e: {  	v2 =	vsel vm4, $0x2300, v2;
	v38 =	vsel vm5, $0x2900, v1;
	v0 =	vsel vm6, $0x3080, v0  }
0x2f: {  	v45 =	vsel vm5, $0x2B00, v2;
	v2 =	vsel vm1, $0xC80, v49;
	[tilespmem:$0x1FF10] =	vst v0;
	v0 =	vsel vm6, $0x3100, v38  }
0x30: {  	v1 =	vsel vm1, $0xA80, v42;
	v46 =	vsel vm6, $0x3300, v45;
	[tilespmem:$0x1FF20] =	vst v0;
	v0 =	vsel vm1, $0xA00, v41  }
0x31: {  	v2 =	vsel vm2, $0x1480, v2;
	v1 =	vsel vm2, $0x1280, v1;
	v0 =	vsel vm2, $0x1200, v0  }
0x32: {  	v2 =	vsel vm3, $0x1C80, v2;
	v1 =	vsel vm3, $0x1A80, v1;
	v0 =	vsel vm3, $0x1A00, v0  }
0x33: {  	v2 =	vsel vm4, $0x2480, v2;
	v1 =	vsel vm4, $0x2280, v1;
	v0 =	vsel vm4, $0x2200, v0  }
0x34: {  	v51 =	vsel vm5, $0x2C80, v2;
	v2 =	vsel vm1, $0xE00, v55;
	v0 =	vsel vm5, $0x2A00, v0  }
0x35: {  	v44 =	vsel vm5, $0x2A80, v1;
	v1 =	vsel vm1, $0xC00, v48;
	v0 =	vsel vm6, $0x3200, v0  }
0x36: {  	v52 =	vsel vm6, $0x3480, v51;
	v2 =	vsel vm2, $0x1600, v2;
	[tilespmem:$0x1FF40] =	vst v0;
	v0 =	vsel vm6, $0x3280, v44  }
0x37: {  	v1 =	vsel vm2, $0x1400, v1;
	v2 =	vsel vm3, $0x1E00, v2;
	[tilespmem:$0x1FF50] =	vst v0;
	v0 =	vsel vm1, $0xB80, v47  }
0x38: {  	v1 =	vsel vm3, $0x1C00, v1;
	v2 =	vsel vm4, $0x2600, v2;
	v0 =	vsel vm2, $0x1380, v0  }
0x39: {  	v1 =	vsel vm4, $0x2400, v1;
	v57 =	vsel vm5, $0x2E00, v2;
	v0 =	vsel vm3, $0x1B80, v0  }
0x3a: {  	v50 =	vsel vm5, $0x2C00, v1;
	v1 =	vsel vm1, $0xD80, v54;
	v0 =	vsel vm4, $0x2380, v0  }
0x3b: {  	v2 =	vsel vm13, $0x680, v59;
	v1 =	vsel vm2, $0x1580, v1;
	v0 =	vsel vm5, $0x2B80, v0  }
0x3c: {  	v58 =	vsel vm6, $0x3600, v57;
	v1 =	vsel vm3, $0x1D80, v1;
	v0 =	vsel vm6, $0x3380, v0  }
0x3d: {  	v2 =	vsel vm14, $0xE80, v2;
	v1 =	vsel vm4, $0x2580, v1;
	[tilespmem:$0x1FF70] =	vst v0;
	v0 =	vsel vm6, $0x3400, v50  }
0x3e: {  	v56 =	vsel vm5, $0x2D80, v1;
	v1 =	vsel vm13, $0x780, v61;
	[tilespmem:$0x1FF80] =	vst v0;
	v0 =	vsel vm1, $0xD00, v53  }
0x3f: {  	v2 =	vsel vm15, $0x1680, v2;
	v1 =	vsel vm14, $0xF80, v1;
	v0 =	vsel vm2, $0x1500, v0  }
0x40: {  	v1 =	vsel vm15, $0x1780, v1;
	vm1 =	vcmask $0x3734;
	v0 =	vsel vm3, $0x1D00, v0  }
0x41: {  	vm2 =	vcmask $0x3330;
	vm3 =	vcmask $0x2F2C;
	v0 =	vsel vm4, $0x2500, v0  }
0x42: {  	v18 =	vsel vm3, $0x180, v18;
	v17 =	vsel vm3, $0x1800, v17;
	v21 =	vsel vm3, $0x1880, v21  }
0x43: {  	v19 =	vsel vm3, $0x1900, v19;
	v20 =	vsel vm3, $0x1980, v20;
	v24 =	vsel vm3, $0x1A00, v24  }
0x44: {  	v22 =	vsel vm3, $0x1A80, v22;
	v23 =	vsel vm3, $0x1B00, v23;
	v26 =	vsel vm3, $0x1B80, v26  }
0x45: {  	v6 =	vsel vm3, $0x1C00, v6;
	v25 =	vsel vm3, $0x1C80, v25;
	v5 =	vsel vm3, $0x1D00, v5  }
0x46: {  	v3 =	vsel vm3, $0x1D80, v3;
	v4 =	vsel vm3, $0x1E00, v4;
	v2 =	vsel vm3, $0x1E80, v2  }
0x47: {  	v1 =	vsel vm3, $0x1F80, v1;
	v0 =	vsel vm5, $0x2D00, v0;
	v18 =	vsel vm2, $0x200, v18  }
0x48: {  	s4 =	rddreg [dreg:$0x0];
	v17 =	vsel vm2, $0x2000, v17;
	v21 =	vsel vm2, $0x2080, v21;
	v20 =	vsel vm2, $0x2180, v20  }
0x49: {  	s0 =	rddreg [dreg:$0x1];
	v24 =	vsel vm2, $0x2200, v24;
	v23 =	vsel vm2, $0x2300, v23;
	v26 =	vsel vm2, $0x2380, v26  }
0x4a: {  	s1 =	rddreg [dreg:$0x2];
	s14 =	simm.s32 $0x7A1400;
	v6 =	vsel vm2, $0x2400, v6;
	v5 =	vsel vm2, $0x2500, v5;
	v3 =	vsel vm2, $0x2580, v3  }
0x4b: {  	s2 =	rddreg [dreg:$0x3];
	s16 =	simm.s32 $0x400;
	s17 =	simm.s32 $0x4400;
	v4 =	vsel vm2, $0x2600, v4;
	v2 =	vsel vm2, $0x2680, v2;
	v1 =	vsel vm2, $0x2780, v1  }
0x4c: {  	s3 =	rddreg [dreg:$0x4];
	s18 =	simm.s32 $0x8400;
	s19 =	simm.s32 $0x8800;
	[tilespmem:$0x1FF00] =	vst v35;
	v0 =	vsel vm6, $0x3500, v0;
	v18 =	vsel vm1, $0x280, v18;
	v27 =	vsel vm1, $0x2800, v17  }
0x4d: {  	s5 =	rddreg [dreg:$0x5];
	s28 =	simm.s32 $0x8C00;
	s29 =	simm.s32 $0xCC00;
	[tilespmem:$0x1FF30] =	vst v40;
	v21 =	vsel vm1, $0x2880, v21;
	v24 =	vsel vm1, $0x2A00, v24;
	v26 =	vsel vm1, $0x2B80, v26  }
0x4e: {  	s6 =	srdreg.scid;
	s30 =	simm.s32 $0x10C00;
	s31 =	simm.s32 $0x11000;
	[tilespmem:$0x1FFD0] =	vst v7;
	v6 =	vsel vm1, $0x2C00, v6;
	v5 =	vsel vm1, $0x2D00, v5;
	v3 =	vsel vm1, $0x2D80, v3  }
0x4f: {  	s8 =	stileid.u32;
	s15 =	simm.s32 $0xBC00;
	s11 =	simm.s32 $0x10400;
	[tilespmem:$0x1FFE0] =	vst v62;
	v4 =	vsel vm1, $0x2E00, v4;
	v2 =	vsel vm1, $0x2E80, v2;
	v1 =	vsel vm1, $0x2F80, v1  }
0x50: {  	s23 =	simm.s32 $0x3;
	s12 =	simm.s32 $0x10F80;
	s20 =	simm.s32 $0x11380;
	[tilespmem:$0x1FFA0] =	vst v0;
	v0 =	vsel vm6, $0x3580, v56;
	v17 =	vsel vm0, $0x300, v18;
	v18 =	vsel vm0, $0x3000, v27  }
0x51: {  	s21 =	simm.s32 $0x1;
	s22 =	simm.s32 $0x2;
	s7 =	sand.u32 $0x1, s6;
	[tilespmem:$0x1FFF0] =	vst v63;
	v27 =	vsel vm2, $0x2100, v19;
	v19 =	vsel vm0, $0x3080, v21;
	v28 =	vsel vm0, $0x3500, v5  }
0x52: {  	s13 =	simm.s32 $0x0;
	s8 =	sshll.u32 s8, $0x7;
	s9 =	sshll.u32 s7, $0x6;
	[tilespmem:$0x1FF60] =	vst v46;
	v29 =	vsel vm0, $0x3580, v3;
	v30 =	vsel vm0, $0x3600, v4;
	v31 =	vsel vm0, $0x3680, v2  }
0x53: {  	s6 =	simm.s32 $0x0;
	s7 =	ssub.s32 $0x2, s7;
	s8 =	sor.u32 s9, s8;
	[tilespmem:$0x1FF90] =	vst v52;
	v33 =	vsel vm0, $0x3780, v1;
	v21 =	vsel vm1, $0x2900, v27;
	v27 =	vsel vm1, $0x2980, v20  }
0x54: {  	[smem:$0x7FF] =	sst s6;
	s10 =	sshrl.u32 s7, $0x1;
	s9 =	sadd.s32 s8, s4;
	[tilespmem:$0x1FFB0] =	vst v0;
	v0 =	vsel vm13, $0x700, v60;
	v20 =	vsel vm0, $0x3100, v21;
	v21 =	vsel vm0, $0x3180, v27  }
0x55: {  	s4 =	sadd.s32 $0x1600, s4;
	s24 =	ssub.s32 s7, s10;
	s25 =	sadd.s32 $0xE00, s9;
	[tilespmem:$0x1FFC0] =	vst v58;
	v27 =	vsel vm2, $0x2280, v22;
	v22 =	vsel vm0, $0x3200, v24;
	v0 =	vsel vm14, $0xF00, v0  }
.Ltmp0:
0x56: {  	_ =	strace $0x80000047;
	[dreg:$0x7] =	wrdreg s4;
	v24 =	vsel vm1, $0x2A80, v27;
	v27 =	vsel vm1, $0x2B00, v23;
	v0 =	vsel vm15, $0x1700, v0;
	(pc) =	sbr.rel .LBB2_1-.Ltmp0, $4  }
0x57: {  	s5 =	sadd.s32 s5, s8;
	s26 =	sadd.s32 $0x600, s9;
	[dreg:$0x8] =	wrdreg s25;
	v23 =	vsel vm0, $0x3280, v24;
	v24 =	vsel vm0, $0x3300, v27;
	v0 =	vsel vm3, $0x1F00, v0  }
0x58: {  	s7 =	simm.s32 $0xFC00;
	s8 =	simm.s32 $0x10F00;
	[dreg:$0x9] =	wrdreg s26;
	v27 =	vsel vm2, $0x2480, v25;
	v25 =	vsel vm0, $0x3380, v26;
	v0 =	vsel vm2, $0x2700, v0  }
0x59: {  	s10 =	simm.s32 $0xC400;
	[dreg:$0xa] =	wrdreg s5;
	s4 =	smax.u32 s24, $0x1;
	v26 =	vsel vm0, $0x3400, v6;
	v27 =	vsel vm1, $0x2C80, v27;
	v0 =	vsel vm1, $0x2F00, v0  }
0x5a: {  	s9 =	simm.s32 $0x11300;
	s5 =	simm.s32 $0x9400;
	[dreg:$0xb] =	wrdreg s4;
	v27 =	vsel vm0, $0x3480, v27;
	v32 =	vsel vm0, $0x3700, v0;
	vm0 =	vmmov $0xff  }
.LBB2_5:
0x5b: {  	s4 =	rddreg [dreg:$0xa];
	s13 =	simm.s32 $0x11480;
	s23 =	simm.s32 $0x3  }
0x5c: {  	[hbm4b:s4+s6] =	stream.linear.scatter [tilespmem:s13], [sflag:$0x3], $0x200, $0x38;
	[tilespmem:$0x11680] =	vst v63  }
0x5d: {  	_ =	swait.ge [sflag:s23], $0x200  }
0x5e: {  	s25 =	rddreg [dreg:$0xc]  }
0x5f: {  	s26 =	rddreg [dreg:$0xb];
	s13 =	sadd.s32 $0x1, s25  }
0x60: {  	p0 =	sne.s32 s13, s26  }
.Ltmp1:
0x61: {  	_ = 	snop;
	(pc) =	sbr.rel @!p0 .LBB2_6-.Ltmp1, $3  }
0x62: {  	_ =	sdelay $0x1  }
0x63: {  	[sflag:s23] =	ssyncset.done $0x0  }
0x64: {  	[sflag:s23] =	ssyncadd.s32 $0xFFFFFE00  }
.LBB2_1:
0x65: {  	[dreg:$0xc] =	wrdreg s13  }
0x66: {  	s4 =	rddreg [dreg:$0x8]  }
0x67: {  	[tilespmem:s6], [sflag:$0x3] =	stream.linear.gather [hbm4b:s4+s6], $0x200, $0x38;
	[tilespmem:$0x11680] =	vst v63  }
0x68: {  	_ =	swait.ge [sflag:s23], $0x200  }
0x69: {  	[sflag:s23] =	ssyncset.done $0x0  }
0x6a: {  	s24 =	simm.s32 $0x200;
	s13 =	rddreg [dreg:$0x9];
	[sflag:s23] =	ssyncadd.s32 $0xFFFFFE00  }
0x6b: {  	[tilespmem:s24], [sflag:$0x3] =	stream.linear.gather [hbm4b:s13+s6], $0x200, $0x38;
	[tilespmem:$0x11680] =	vst v63  }
0x6c: {  	_ =	swait.ge [sflag:s23], $0x200  }
0x6d: {  	[sflag:s23] =	ssyncset.done $0x0  }
0x6e: {  	s26 =	simm.s32 $0x11400;
	s25 =	rddreg [dreg:$0x7];
	[sflag:s23] =	ssyncadd.s32 $0xFFFFFE00  }
0x6f: {  	[tilespmem:s26], [sflag:$0x3] =	stream.linear.gather [hbm4b:s25+s6], $0x80, $0x38;
	[tilespmem:$0x11680] =	vst v63  }
0x70: {  	_ =	swait.ge [sflag:s23], $0x80  }
0x71: {  	[sflag:s23] =	ssyncset.done $0x0  }
0x72: {  	[sflag:s23] =	ssyncadd.s32 $0xFFFFFF80  }
0x73: {  	v0 =	vld [tilespmem:$0x0]  }
0x74: {  	v1 =	vld [tilespmem:$0x200];
	_ =	sdelay $0x3  }
0x75: {  	v0 =	vand.u32 $0xFFFFFF80, v0  }
0x76: {  	v1 =	vand.u32 $0xFFFFFF80, v1;
	(v2sf) =	vpush v0, $0x0  }
0x77: {  	(v2sf) =	vpush v1, $0x0;
	_ =	sdelay $0x7  }
0x78: {  	(v2sf) =	vpush v0, $0x1  }
0x79: {  	(v2sf) =	vpush v1, $0x1;
	_ =	sdelay $0x4  }
0x7a: {  	s4 =	spop (v2sf)  }
0x7b: {  	s13 =	spop (v2sf);
	s25 =	sadd.s32 s0, s4  }
0x7c: {  	v34 =	vld [tilespmem:$0x11400];
	[tilespmem:s16], [sflag:$0x1] =	stream.strided.gather [hbm4b:s25+s16], $0x800, s14, s16, $0x38  }
0x7d: {  	(v2sf) =	vpush v0, $0x2;
	s23 =	sshrl.u32 s4, $0x3;
	s26 =	sadd.s32 s2, s13  }
0x7e: {  	(v2sf) =	vpush v1, $0x2;
	[tilespmem:s17], [sflag:$0x1] =	stream.strided.gather [hbm4b:s26+s16], $0x800, s14, s16, $0x38;
	[tilespmem:$0x11680] =	vst v63  }
0x7f: {  	s23 =	sadd.s32 s1, s23;
	s4 =	sshrl.u32 s13, $0x3  }
0x80: {  	[tilespmem:s18], [sflag:$0x1] =	stream.linear.gather [hbm4b:s23+s6], $0x80, $0x38;
	[tilespmem:$0x11680] =	vst v63  }
0x81: {  	s23 =	sadd.s32 s3, s4  }
0x82: {  	[tilespmem:s19], [sflag:$0x1] =	stream.linear.gather [hbm4b:s23+s6], $0x80, $0x38;
	[tilespmem:$0x11680] =	vst v63  }
0x83: {  	s23 =	spop (v2sf)  }
0x84: {  	s26 =	simm.s32 $0xC00;
	s24 =	spop (v2sf);
	s13 =	sadd.s32 s0, s23  }
0x85: {  	[tilespmem:s26], [sflag:$0x1] =	stream.strided.gather [hbm4b:s13+s16], $0x800, s14, s16, $0x38;
	[tilespmem:$0x11680] =	vst v63  }
0x86: {  	(v2sf) =	vpush v0, $0x3;
	s23 =	sshrl.u32 s23, $0x3;
	s13 =	sadd.s32 s2, s24;
	s26 =	simm.s32 $0x4C00  }
0x87: {  	(v2sf) =	vpush v1, $0x3;
	[tilespmem:s26], [sflag:$0x1] =	stream.strided.gather [hbm4b:s13+s16], $0x800, s14, s16, $0x38;
	[tilespmem:$0x11680] =	vst v63  }
0x88: {  	s23 =	sadd.s32 s1, s23;
	s25 =	sshrl.u32 s24, $0x3;
	s13 =	simm.s32 $0x8480  }
0x89: {  	[tilespmem:s13], [sflag:$0x1] =	stream.linear.gather [hbm4b:s23+s6], $0x80, $0x38;
	[tilespmem:$0x11680] =	vst v63  }
0x8a: {  	s26 =	simm.s32 $0x8880;
	s23 =	sadd.s32 s3, s25  }
0x8b: {  	[tilespmem:s26], [sflag:$0x1] =	stream.linear.gather [hbm4b:s23+s6], $0x80, $0x38;
	[tilespmem:$0x11680] =	vst v63  }
0x8c: {  	s23 =	spop (v2sf)  }
0x8d: {  	s26 =	simm.s32 $0x1400;
	s24 =	spop (v2sf);
	s13 =	sadd.s32 s0, s23  }
0x8e: {  	[tilespmem:s26], [sflag:$0x1] =	stream.strided.gather [hbm4b:s13+s16], $0x800, s14, s16, $0x38;
	[tilespmem:$0x11680] =	vst v63  }
0x8f: {  	(v2sf) =	vpush v0, $0x4;
	s23 =	sshrl.u32 s23, $0x3;
	s13 =	sadd.s32 s2, s24;
	s26 =	simm.s32 $0x5400  }
0x90: {  	(v2sf) =	vpush v1, $0x4;
	[tilespmem:s26], [sflag:$0x1] =	stream.strided.gather [hbm4b:s13+s16], $0x800, s14, s16, $0x38;
	[tilespmem:$0x11680] =	vst v63  }
0x91: {  	s23 =	sadd.s32 s1, s23;
	s25 =	sshrl.u32 s24, $0x3;
	s13 =	simm.s32 $0x8500  }
0x92: {  	[tilespmem:s13], [sflag:$0x1] =	stream.linear.gather [hbm4b:s23+s6], $0x80, $0x38;
	[tilespmem:$0x11680] =	vst v63  }
0x93: {  	s26 =	simm.s32 $0x8900;
	s23 =	sadd.s32 s3, s25  }
0x94: {  	[tilespmem:s26], [sflag:$0x1] =	stream.linear.gather [hbm4b:s23+s6], $0x80, $0x38;
	[tilespmem:$0x11680] =	vst v63  }
0x95: {  	s23 =	spop (v2sf)  }
0x96: {  	s26 =	simm.s32 $0x1C00;
	s24 =	spop (v2sf);
	s13 =	sadd.s32 s0, s23  }
0x97: {  	[tilespmem:s26], [sflag:$0x1] =	stream.strided.gather [hbm4b:s13+s16], $0x800, s14, s16, $0x38;
	[tilespmem:$0x11680] =	vst v63  }
0x98: {  	(v2sf) =	vpush v0, $0x5;
	s23 =	sshrl.u32 s23, $0x3;
	s13 =	sadd.s32 s2, s24;
	s26 =	simm.s32 $0x5C00  }
0x99: {  	(v2sf) =	vpush v1, $0x5;
	[tilespmem:s26], [sflag:$0x1] =	stream.strided.gather [hbm4b:s13+s16], $0x800, s14, s16, $0x38;
	[tilespmem:$0x11680] =	vst v63  }
0x9a: {  	s23 =	sadd.s32 s1, s23;
	s25 =	sshrl.u32 s24, $0x3;
	s13 =	simm.s32 $0x8580  }
0x9b: {  	[tilespmem:s13], [sflag:$0x1] =	stream.linear.gather [hbm4b:s23+s6], $0x80, $0x38;
	[tilespmem:$0x11680] =	vst v63  }
0x9c: {  	s26 =	simm.s32 $0x8980;
	s23 =	sadd.s32 s3, s25  }
0x9d: {  	[tilespmem:s26], [sflag:$0x1] =	stream.linear.gather [hbm4b:s23+s6], $0x80, $0x38;
	[tilespmem:$0x11680] =	vst v63  }
0x9e: {  	s23 =	spop (v2sf)  }
0x9f: {  	s26 =	simm.s32 $0x2400;
	(v2sf) =	vpush v0, $0x6;
	s24 =	spop (v2sf);
	s13 =	sadd.s32 s0, s23  }
0xa0: {  	[tilespmem:s26], [sflag:$0x1] =	stream.strided.gather [hbm4b:s13+s16], $0x800, s14, s16, $0x38;
	[tilespmem:$0x11680] =	vst v63  }
0xa1: {  	s23 =	sshrl.u32 s23, $0x3;
	(v2sf) =	vpush v1, $0x6;
	s13 =	sadd.s32 s2, s24;
	s26 =	simm.s32 $0x6400  }
0xa2: {  	[tilespmem:s26], [sflag:$0x1] =	stream.strided.gather [hbm4b:s13+s16], $0x800, s14, s16, $0x38;
	[tilespmem:$0x11680] =	vst v63  }
0xa3: {  	s23 =	sadd.s32 s1, s23;
	s25 =	sshrl.u32 s24, $0x3;
	s13 =	simm.s32 $0x8600  }
0xa4: {  	[tilespmem:s13], [sflag:$0x1] =	stream.linear.gather [hbm4b:s23+s6], $0x80, $0x38;
	[tilespmem:$0x11680] =	vst v63  }
0xa5: {  	s26 =	simm.s32 $0x8A00;
	s23 =	sadd.s32 s3, s25  }
0xa6: {  	[tilespmem:s26], [sflag:$0x1] =	stream.linear.gather [hbm4b:s23+s6], $0x80, $0x38;
	[tilespmem:$0x11680] =	vst v63  }
0xa7: {  	s23 =	spop (v2sf)  }
0xa8: {  	s26 =	simm.s32 $0x2C00;
	(v2sf) =	vpush v0, $0x7;
	s24 =	spop (v2sf);
	s13 =	sadd.s32 s0, s23  }
0xa9: {  	[tilespmem:s26], [sflag:$0x1] =	stream.strided.gather [hbm4b:s13+s16], $0x800, s14, s16, $0x38;
	[tilespmem:$0x11680] =	vst v63  }
0xaa: {  	s23 =	sshrl.u32 s23, $0x3;
	(v2sf) =	vpush v1, $0x7;
	s13 =	sadd.s32 s2, s24;
	s26 =	simm.s32 $0x6C00  }
0xab: {  	[tilespmem:s26], [sflag:$0x1] =	stream.strided.gather [hbm4b:s13+s16], $0x800, s14, s16, $0x38;
	[tilespmem:$0x11680] =	vst v63  }
0xac: {  	s23 =	sadd.s32 s1, s23;
	s25 =	sshrl.u32 s24, $0x3;
	s13 =	simm.s32 $0x8680  }
0xad: {  	[tilespmem:s13], [sflag:$0x1] =	stream.linear.gather [hbm4b:s23+s6], $0x80, $0x38;
	[tilespmem:$0x11680] =	vst v63  }
0xae: {  	s26 =	simm.s32 $0x8A80;
	s23 =	sadd.s32 s3, s25;
	s24 =	spop (v2sf)  }
0xaf: {  	[tilespmem:s26], [sflag:$0x1] =	stream.linear.gather [hbm4b:s23+s6], $0x80, $0x38;
	[tilespmem:$0x11680] =	vst v63  }
0xb0: {  	s23 =	spop (v2sf)  }
0xb1: {  	s13 =	sadd.s32 s0, s24;
	s26 =	simm.s32 $0x3400;
	s24 =	sshrl.u32 s24, $0x3  }
0xb2: {  	[tilespmem:s26], [sflag:$0x1] =	stream.strided.gather [hbm4b:s13+s16], $0x800, s14, s16, $0x38;
	[tilespmem:$0x11680] =	vst v63  }
0xb3: {  	s4 =	sadd.s32 s2, s23;
	s23 =	sshrl.u32 s23, $0x3;
	s13 =	simm.s32 $0x7400  }
0xb4: {  	[tilespmem:s13], [sflag:$0x1] =	stream.strided.gather [hbm4b:s4+s16], $0x800, s14, s16, $0x38;
	[tilespmem:$0x11680] =	vst v63  }
0xb5: {  	s25 =	simm.s32 $0x8700;
	s24 =	sadd.s32 s1, s24;
	s23 =	sadd.s32 s3, s23  }
0xb6: {  	[tilespmem:s25], [sflag:$0x1] =	stream.linear.gather [hbm4b:s24+s6], $0x80, $0x38;
	[tilespmem:$0x11680] =	vst v63  }
0xb7: {  	s26 =	simm.s32 $0x8B00;
	s25 =	simm.s32 $0x8780;
	s24 =	spop (v2sf)  }
0xb8: {  	[tilespmem:s26], [sflag:$0x1] =	stream.linear.gather [hbm4b:s23+s6], $0x80, $0x38;
	[tilespmem:$0x11680] =	vst v63  }
0xb9: {  	s23 =	spop (v2sf);
	s13 =	sadd.s32 s0, s24;
	s26 =	simm.s32 $0x3C00  }
0xba: {  	[tilespmem:s26], [sflag:$0x1] =	stream.strided.gather [hbm4b:s13+s16], $0x800, s14, s16, $0x38;
	[tilespmem:$0x11680] =	vst v63  }
0xbb: {  	s24 =	sshrl.u32 s24, $0x3;
	s4 =	sadd.s32 s2, s23;
	s13 =	simm.s32 $0x7C00  }
0xbc: {  	[tilespmem:s13], [sflag:$0x1] =	stream.strided.gather [hbm4b:s4+s16], $0x800, s14, s16, $0x38;
	[tilespmem:$0x11680] =	vst v63  }
.Ltmp2:
0xbd: {  	s24 =	sadd.s32 s1, s24;
	s23 =	sshrl.u32 s23, $0x3;
	(pc) =	sbr.rel .LBB2_2-.Ltmp2, $4  }
0xbe: {  	[tilespmem:s25], [sflag:$0x1] =	stream.linear.gather [hbm4b:s24+s6], $0x80, $0x38;
	[tilespmem:$0x11680] =	vst v63  }
0xbf: {  	s23 =	sadd.s32 s3, s23;
	s26 =	simm.s32 $0x8B80  }
0xc0: {  	[tilespmem:s26], [sflag:$0x1] =	stream.linear.gather [hbm4b:s23+s6], $0x80, $0x38;
	[tilespmem:$0x11680] =	vst v63  }
0xc1: {  	s23 =	simm.s32 $0x0  }
.LBB2_4:
0xc2: {  	_ =	swait.ge [sflag:s22], $0x2200  }
0xc3: {  	[sflag:s22] =	ssyncset.done $0x0  }
0xc4: {  	[sflag:s22] =	ssyncadd.s32 $0xFFFFDE00  }
0xc5: {  	_ =	swait.ge [sflag:s22], $0x2200  }
0xc6: {  	[sflag:s22] =	ssyncset.done $0x0  }
0xc7: {  	[sflag:s22] =	ssyncadd.s32 $0xFFFFDE00  }
0xc8: {  	_ =	swait.ge [sflag:s22], $0x2200  }
0xc9: {  	v7 =	vor.u32 v17, v36;
	[sflag:s22] =	ssyncset.done $0x0  }
0xca: {  	v8 =	vor.u32 v17, v35;
	[sflag:s22] =	ssyncadd.s32 $0xFFFFDE00  }
0xcb: {  	v9 =	vor.u32 v18, v36;
	_ =	swait.ge [sflag:s22], $0x2200  }
0xcc: {  	v10 =	vor.u32 v18, v35;
	[sflag:s22] =	ssyncset.done $0x0  }
0xcd: {  	v11 =	vor.u32 v19, v36;
	[sflag:s22] =	ssyncadd.s32 $0xFFFFDE00  }
0xce: {  	v12 =	vor.u32 v19, v35;
	v5 =	vadd.f32 v6, v5;
	v7 =	vld.idx.msk [tilespmem:v7+s30+$0x0], $0xffff  }
0xcf: {  	v14 =	vor.u32 v20, v35;
	v8 =	vld.idx.msk [tilespmem:v8+s31+$0x0], $0xffff  }
0xd0: {  	v13 =	vor.u32 v20, v36;
	v3 =	vmul.f32 v4, v3;
	v5 =	vadd.f32 v5, v34;
	v9 =	vld.idx.msk [tilespmem:v9+s28+$0x0], $0xffff  }
0xd1: {  	v15 =	vor.u32 v21, v36;
	v10 =	vld.idx.msk [tilespmem:v10+s29+$0x0], $0xffff  }
0xd2: {  	v16 =	vor.u32 v21, v35;
	v1 =	vmul.f32 v2, v1;
	v3 =	vadd.f32 v3, v5;
	v11 =	vld.idx.msk [tilespmem:v11+s28+$0x0], $0xffff  }
0xd3: {  	v5 =	vor.u32 v24, v36;
	v6 =	vld.idx.msk [tilespmem:v12+s29+$0x0], $0xffff  }
0xd4: {  	v0 =	vmul.f32 v0, v63;
	v1 =	vadd.f32 v1, v3;
	v12 =	vor.u32 v22, v36;
	v4 =	vld.idx.msk [tilespmem:v14+s29+$0x0], $0xffff  }
0xd5: {  	v62 =	vmul.f32 v62, v61;
	v7 =	vadd.f32 v8, v7;
	v8 =	vld.idx.msk [tilespmem:v13+s28+$0x0], $0xffff;
	v13 =	vor.u32 v22, v35  }
0xd6: {  	v0 =	vadd.f32 v0, v1;
	v9 =	vmul.f32 v10, v9;
	v10 =	vld.idx.msk [tilespmem:v15+s28+$0x0], $0xffff;
	v15 =	vor.u32 v23, v35  }
0xd7: {  	v14 =	vor.u32 v23, v36;
	v2 =	vld.idx.msk [tilespmem:v16+s29+$0x0], $0xffff;
	v7 =	vadd.f32 v7, v34  }
0xd8: {  	v0 =	vadd.f32 v62, v0;
	v62 =	vmul.f32 v58, v57;
	v58 =	vor.u32 v29, v36;
	v5 =	vld.idx.msk [tilespmem:v5+s28+$0x0], $0xffff  }
0xd9: {  	v6 =	vmul.f32 v6, v11;
	v11 =	vor.u32 v24, v35;
	v7 =	vadd.f32 v9, v7;
	v9 =	vld.idx.msk [tilespmem:v12+s28+$0x0], $0xffff  }
0xda: {  	v12 =	vor.u32 v25, v36;
	v3 =	vld.idx.msk [tilespmem:v13+s29+$0x0], $0xffff  }
0xdb: {  	v4 =	vmul.f32 v4, v8;
	v8 =	vor.u32 v25, v35;
	v63 =	vld.idx.msk [tilespmem:v15+s29+$0x0], $0xffff;
	v6 =	vadd.f32 v6, v7  }
0xdc: {  	v57 =	vmul.f32 v56, v55;
	v7 =	vld.idx.msk [tilespmem:v14+s28+$0x0], $0xffff;
	v14 =	vor.u32 v26, v36  }
0xdd: {  	v56 =	vld.idx.msk [tilespmem:v58+s28+$0x0], $0xffff;
	v2 =	vmul.f32 v2, v10;
	v4 =	vadd.f32 v4, v6;
	v6 =	vor.u32 v26, v35  }
0xde: {  	v59 =	vmul.f32 v60, v59;
	v61 =	vor.u32 v27, v36;
	v60 =	vld.idx.msk [tilespmem:v11+s29+$0x0], $0xffff  }
0xdf: {  	v2 =	vadd.f32 v2, v4;
	v3 =	vmul.f32 v3, v9;
	v4 =	vld.idx.msk [tilespmem:v12+s28+$0x0], $0xffff;
	v9 =	vor.u32 v27, v35  }
0xe0: {  	v0 =	vadd.f32 v59, v0;
	v13 =	vor.u32 v28, v35;
	v8 =	vld.idx.msk [tilespmem:v8+s29+$0x0], $0xffff  }
0xe1: {  	v12 =	vor.u32 v28, v36;
	v63 =	vmul.f32 v63, v7;
	v7 =	vld.idx.msk [tilespmem:v14+s28+$0x0], $0xffff;
	v2 =	vadd.f32 v3, v2  }
0xe2: {  	v0 =	vadd.f32 v62, v0;
	v62 =	vor.u32 v30, v36;
	v6 =	vld.idx.msk [tilespmem:v6+s29+$0x0], $0xffff  }
0xe3: {  	v59 =	vmul.f32 v60, v5;
	v5 =	vld.idx.msk [tilespmem:v61+s28+$0x0], $0xffff;
	v60 =	vor.u32 v29, v35;
	v2 =	vadd.f32 v63, v2  }
0xe4: {  	v0 =	vadd.f32 v57, v0;
	v61 =	vmul.f32 v54, v53;
	v9 =	vld.idx.msk [tilespmem:v9+s29+$0x0], $0xffff  }
0xe5: {  	v53 =	vld.idx.msk [tilespmem:v13+s29+$0x0], $0xffff;
	v63 =	vmul.f32 v8, v4;
	v8 =	vor.u32 v30, v35;
	v2 =	vadd.f32 v59, v2  }
0xe6: {  	v52 =	vmul.f32 v52, v51;
	v54 =	vor.u32 v31, v36;
	v0 =	vadd.f32 v61, v0;
	v4 =	vld.idx.msk [tilespmem:v12+s28+$0x0], $0xffff  }
0xe7: {  	v57 =	vor.u32 v31, v35;
	v61 =	vld.idx.msk [tilespmem:v62+s28+$0x0], $0xffff;
	v2 =	vadd.f32 v63, v2;
	v55 =	vmul.f32 v6, v7  }
0xe8: {  	v58 =	vmul.f32 v50, v49;
	v62 =	vor.u32 v32, v35;
	v0 =	vadd.f32 v52, v0;
	v10 =	vld.idx.msk [tilespmem:v60+s29+$0x0], $0xffff  }
0xe9: {  	v59 =	vor.u32 v32, v36;
	v2 =	vadd.f32 v55, v2;
	v60 =	vmul.f32 v9, v5  }
0xea: {  	v49 =	vor.u32 v33, v35;
	v0 =	vadd.f32 v58, v0;
	v36 =	vor.u32 v33, v36;
	v8 =	vld.idx.msk [tilespmem:v8+s29+$0x0], $0xffff  }
0xeb: {  	v63 =	vmul.f32 v48, v47;
	v48 =	vld.idx.msk [tilespmem:v54+s28+$0x0], $0xffff;
	v47 =	vmul.f32 v53, v4;
	v2 =	vadd.f32 v60, v2  }
0xec: {  	v50 =	vmul.f32 v46, v44;
	v7 =	vld.idx.msk [tilespmem:v57+s29+$0x0], $0xffff  }
0xed: {  	v0 =	vadd.f32 v63, v0;
	v51 =	vmul.f32 v10, v56;
	v9 =	vld.idx.msk [tilespmem:v62+s29+$0x0], $0xffff;
	v2 =	vadd.f32 v47, v2  }
0xee: {  	v53 =	vmul.f32 v45, v42;
	v52 =	vld.idx.msk [tilespmem:v59+s28+$0x0], $0xffff  }
0xef: {  	v57 =	vld.idx.msk [tilespmem:v49+s29+$0x0], $0xffff;
	v0 =	vadd.f32 v50, v0;
	v54 =	vmul.f32 v8, v61;
	v2 =	vadd.f32 v51, v2  }
0xf0: {  	v56 =	vmul.f32 v43, v41;
	v55 =	vld.idx.msk [tilespmem:v36+s28+$0x0], $0xffff  }
0xf1: {  	v58 =	vmul.f32 v7, v48;
	v0 =	vadd.f32 v53, v0;
	v2 =	vadd.f32 v54, v2  }
0xf2: {  	v59 =	vmul.f32 v40, v38  }
0xf3: {  	v0 =	vadd.f32 v56, v0;
	v60 =	vmul.f32 v9, v52;
	v2 =	vadd.f32 v58, v2  }
0xf4: {  	v61 =	vmul.f32 v39, v37  }
0xf5: {  	v62 =	vmul.f32 v57, v55;
	v0 =	vadd.f32 v59, v0;
	v2 =	vadd.f32 v60, v2;
	_ =	sdelay $0x1  }
0xf6: {  	v0 =	vadd.f32 v61, v0;
	v63 =	vadd.f32 v62, v2;
	_ =	sdelay $0x1  }
0xf7: {  	v0 =	vsel vm0, v0, v63  }
0xf8: {  	v0 =	vsub.f32 $0.0e+00, v0;
	_ =	sdelay $0x1  }
0xf9: {  	v0 =	vmul.f32 $1.442695020e+00, v0;
	_ =	sdelay $0x1  }
0xfa: {  	(erf) = vpow2.f32 v0;
	_ =	sdelay $0x8  }
0xfb: {  	v0 =	vpop (erf)  }
0xfc: {  	v0 =	vadd.f32 $1.000000000e+00, v0;
	_ =	sdelay $0x1  }
0xfd: {  	(erf) = vrcp.f32 v0;
	_ =	sdelay $0x3  }
0xfe: {  	s23 =	sadd.s32 $0x40, s23  }
0xff: {  	p0 =	sne.s32 s23, $0x800  }
.Ltmp3:
0x100: {  	_ = 	snop;
	(pc) =	sbr.rel @!p0 .LBB2_5-.Ltmp3, $3  }
0x101: {  	_ =	sdelay $0x1  }
0x102: {  	v0 =	vpop (erf)  }
0x103: {  	[tilespmem:s24+$0x11480] =	vst v0  }
.LBB2_2:
0x104: {  	s24 =	sshra.s32 s23, $0x2  }
0x105: {  	v0 =	vld [tilespmem:s24+$0x0]  }
0x106: {  	v1 =	vld [tilespmem:s24+$0x200];
	_ =	sdelay $0x3  }
0x107: {  	v2 =	vand.u32 $0xFFFFFF80, v0  }
0x108: {  	v3 =	vand.u32 $0xFFFFFF80, v1;
	(v2sf) =	vpush v2, $0x8  }
0x109: {  	(v2sf) =	vpush v3, $0x8;
	_ =	sdelay $0x7  }
0x10a: {  	(v2sf) =	vpush v2, $0x9  }
0x10b: {  	(v2sf) =	vpush v3, $0x9;
	_ =	sdelay $0x4  }
0x10c: {  	s25 =	spop (v2sf)  }
0x10d: {  	s26 =	spop (v2sf);
	s4 =	sadd.s32 s0, s25  }
0x10e: {  	[tilespmem:s28], [sflag:$0x2] =	stream.strided.gather [hbm4b:s4+s16], $0x800, s14, s16, $0x38;
	[tilespmem:$0x11680] =	vst v63  }
0x10f: {  	(v2sf) =	vpush v2, $0xA;
	s25 =	sshrl.u32 s25, $0x3;
	s13 =	sadd.s32 s2, s26  }
0x110: {  	(v2sf) =	vpush v3, $0xA;
	[tilespmem:s29], [sflag:$0x2] =	stream.strided.gather [hbm4b:s13+s16], $0x800, s14, s16, $0x38;
	[tilespmem:$0x11680] =	vst v63  }
0x111: {  	s4 =	sadd.s32 s1, s25;
	s26 =	sshrl.u32 s26, $0x3  }
0x112: {  	[tilespmem:s30], [sflag:$0x2] =	stream.linear.gather [hbm4b:s4+s6], $0x80, $0x38;
	[tilespmem:$0x11680] =	vst v63  }
0x113: {  	s4 =	sadd.s32 s3, s26  }
0x114: {  	[tilespmem:s31], [sflag:$0x2] =	stream.linear.gather [hbm4b:s4+s6], $0x80, $0x38;
	[tilespmem:$0x11680] =	vst v63  }
0x115: {  	s4 =	spop (v2sf)  }
0x116: {  	s25 =	spop (v2sf);
	s13 =	sadd.s32 s0, s4  }
0x117: {  	[tilespmem:s5], [sflag:$0x2] =	stream.strided.gather [hbm4b:s13+s16], $0x800, s14, s16, $0x38;
	[tilespmem:$0x11680] =	vst v63  }
0x118: {  	(v2sf) =	vpush v2, $0xB;
	s4 =	sshrl.u32 s4, $0x3;
	s26 =	sadd.s32 s2, s25;
	s13 =	simm.s32 $0xD400  }
0x119: {  	(v2sf) =	vpush v3, $0xB;
	[tilespmem:s13], [sflag:$0x2] =	stream.strided.gather [hbm4b:s26+s16], $0x800, s14, s16, $0x38;
	[tilespmem:$0x11680] =	vst v63  }
0x11a: {  	s4 =	sadd.s32 s1, s4;
	s26 =	simm.s32 $0x10C80;
	s13 =	sshrl.u32 s25, $0x3  }
0x11b: {  	[tilespmem:s26], [sflag:$0x2] =	stream.linear.gather [hbm4b:s4+s6], $0x80, $0x38;
	[tilespmem:$0x11680] =	vst v63  }
0x11c: {  	s25 =	simm.s32 $0x11080;
	s4 =	sadd.s32 s3, s13  }
0x11d: {  	[tilespmem:s25], [sflag:$0x2] =	stream.linear.gather [hbm4b:s4+s6], $0x80, $0x38;
	[tilespmem:$0x11680] =	vst v63  }
0x11e: {  	s4 =	spop (v2sf)  }
0x11f: {  	s13 =	simm.s32 $0x9C00;
	s25 =	spop (v2sf);
	s26 =	sadd.s32 s0, s4  }
0x120: {  	[tilespmem:s13], [sflag:$0x2] =	stream.strided.gather [hbm4b:s26+s16], $0x800, s14, s16, $0x38;
	[tilespmem:$0x11680] =	vst v63  }
0x121: {  	(v2sf) =	vpush v2, $0xC;
	s4 =	sshrl.u32 s4, $0x3;
	s26 =	sadd.s32 s2, s25;
	s13 =	simm.s32 $0xDC00  }
0x122: {  	(v2sf) =	vpush v3, $0xC;
	[tilespmem:s13], [sflag:$0x2] =	stream.strided.gather [hbm4b:s26+s16], $0x800, s14, s16, $0x38;
	[tilespmem:$0x11680] =	vst v63  }
0x123: {  	s4 =	sadd.s32 s1, s4;
	s26 =	simm.s32 $0x10D00;
	s13 =	sshrl.u32 s25, $0x3  }
0x124: {  	[tilespmem:s26], [sflag:$0x2] =	stream.linear.gather [hbm4b:s4+s6], $0x80, $0x38;
	[tilespmem:$0x11680] =	vst v63  }
0x125: {  	s25 =	simm.s32 $0x11100;
	s4 =	sadd.s32 s3, s13  }
0x126: {  	[tilespmem:s25], [sflag:$0x2] =	stream.linear.gather [hbm4b:s4+s6], $0x80, $0x38;
	[tilespmem:$0x11680] =	vst v63  }
0x127: {  	s4 =	spop (v2sf)  }
0x128: {  	s13 =	simm.s32 $0xA400;
	s25 =	spop (v2sf);
	s26 =	sadd.s32 s0, s4  }
0x129: {  	[tilespmem:s13], [sflag:$0x2] =	stream.strided.gather [hbm4b:s26+s16], $0x800, s14, s16, $0x38;
	[tilespmem:$0x11680] =	vst v63  }
0x12a: {  	(v2sf) =	vpush v2, $0xD;
	s4 =	sshrl.u32 s4, $0x3;
	s26 =	sadd.s32 s2, s25;
	s13 =	simm.s32 $0xE400  }
0x12b: {  	(v2sf) =	vpush v3, $0xD;
	[tilespmem:s13], [sflag:$0x2] =	stream.strided.gather [hbm4b:s26+s16], $0x800, s14, s16, $0x38;
	[tilespmem:$0x11680] =	vst v63  }
0x12c: {  	s4 =	sadd.s32 s1, s4;
	s26 =	simm.s32 $0x10D80;
	s13 =	sshrl.u32 s25, $0x3  }
0x12d: {  	[tilespmem:s26], [sflag:$0x2] =	stream.linear.gather [hbm4b:s4+s6], $0x80, $0x38;
	[tilespmem:$0x11680] =	vst v63  }
0x12e: {  	s25 =	simm.s32 $0x11180;
	s4 =	sadd.s32 s3, s13  }
0x12f: {  	[tilespmem:s25], [sflag:$0x2] =	stream.linear.gather [hbm4b:s4+s6], $0x80, $0x38;
	[tilespmem:$0x11680] =	vst v63  }
0x130: {  	s4 =	spop (v2sf)  }
0x131: {  	s13 =	simm.s32 $0xAC00;
	(v2sf) =	vpush v2, $0xE;
	s25 =	spop (v2sf);
	s26 =	sadd.s32 s0, s4  }
0x132: {  	[tilespmem:s13], [sflag:$0x2] =	stream.strided.gather [hbm4b:s26+s16], $0x800, s14, s16, $0x38;
	[tilespmem:$0x11680] =	vst v63  }
0x133: {  	s4 =	sshrl.u32 s4, $0x3;
	(v2sf) =	vpush v3, $0xE;
	s26 =	sadd.s32 s2, s25;
	s13 =	simm.s32 $0xEC00  }
0x134: {  	[tilespmem:s13], [sflag:$0x2] =	stream.strided.gather [hbm4b:s26+s16], $0x800, s14, s16, $0x38;
	[tilespmem:$0x11680] =	vst v63  }
0x135: {  	s4 =	sadd.s32 s1, s4;
	s26 =	simm.s32 $0x10E00;
	s13 =	sshrl.u32 s25, $0x3  }
0x136: {  	[tilespmem:s26], [sflag:$0x2] =	stream.linear.gather [hbm4b:s4+s6], $0x80, $0x38;
	[tilespmem:$0x11680] =	vst v63  }
0x137: {  	s25 =	simm.s32 $0x11200;
	s4 =	sadd.s32 s3, s13  }
0x138: {  	[tilespmem:s25], [sflag:$0x2] =	stream.linear.gather [hbm4b:s4+s6], $0x80, $0x38;
	[tilespmem:$0x11680] =	vst v63  }
0x139: {  	s4 =	spop (v2sf);
	(v2sf) =	vpush v2, $0xF  }
0x13a: {  	s13 =	simm.s32 $0xB400;
	s25 =	spop (v2sf);
	s26 =	sadd.s32 s0, s4  }
0x13b: {  	(v2sf) =	vpush v3, $0xF;
	[tilespmem:s13], [sflag:$0x2] =	stream.strided.gather [hbm4b:s26+s16], $0x800, s14, s16, $0x38;
	[tilespmem:$0x11680] =	vst v63  }
0x13c: {  	s4 =	sshrl.u32 s4, $0x3;
	s26 =	sadd.s32 s2, s25;
	s13 =	simm.s32 $0xF400  }
0x13d: {  	[tilespmem:s13], [sflag:$0x2] =	stream.strided.gather [hbm4b:s26+s16], $0x800, s14, s16, $0x38;
	[tilespmem:$0x11680] =	vst v63  }
0x13e: {  	s4 =	sadd.s32 s1, s4;
	s26 =	simm.s32 $0x10E80;
	s13 =	sshrl.u32 s25, $0x3  }
0x13f: {  	[tilespmem:s26], [sflag:$0x2] =	stream.linear.gather [hbm4b:s4+s6], $0x80, $0x38;
	[tilespmem:$0x11680] =	vst v63  }
0x140: {  	s4 =	sadd.s32 s3, s13;
	s26 =	simm.s32 $0x11280;
	s25 =	spop (v2sf)  }
0x141: {  	[tilespmem:s26], [sflag:$0x2] =	stream.linear.gather [hbm4b:s4+s6], $0x80, $0x38;
	[tilespmem:$0x11680] =	vst v63  }
0x142: {  	s4 =	spop (v2sf);
	s13 =	sadd.s32 s0, s25  }
0x143: {  	[tilespmem:s15], [sflag:$0x2] =	stream.strided.gather [hbm4b:s13+s16], $0x800, s14, s16, $0x38;
	[tilespmem:$0x11680] =	vst v63  }
0x144: {  	s25 =	sshrl.u32 s25, $0x3;
	s13 =	sadd.s32 s2, s4  }
0x145: {  	[tilespmem:s7], [sflag:$0x2] =	stream.strided.gather [hbm4b:s13+s16], $0x800, s14, s16, $0x38;
	[tilespmem:$0x11680] =	vst v63  }
0x146: {  	s25 =	sadd.s32 s1, s25;
	s4 =	sshrl.u32 s4, $0x3  }
0x147: {  	[tilespmem:s8], [sflag:$0x2] =	stream.linear.gather [hbm4b:s25+s6], $0x80, $0x38;
	[tilespmem:$0x11680] =	vst v63  }
0x148: {  	s4 =	sadd.s32 s3, s4;
	s25 =	spop (v2sf)  }
0x149: {  	[tilespmem:s9], [sflag:$0x2] =	stream.linear.gather [hbm4b:s4+s6], $0x80, $0x38;
	[tilespmem:$0x11680] =	vst v63  }
0x14a: {  	s4 =	spop (v2sf);
	s13 =	sadd.s32 s0, s25  }
0x14b: {  	[tilespmem:s10], [sflag:$0x2] =	stream.strided.gather [hbm4b:s13+s16], $0x800, s14, s16, $0x38;
	[tilespmem:$0x11680] =	vst v63  }
0x14c: {  	s25 =	sshrl.u32 s25, $0x3;
	s13 =	sadd.s32 s2, s4  }
0x14d: {  	[tilespmem:s11], [sflag:$0x2] =	stream.strided.gather [hbm4b:s13+s16], $0x800, s14, s16, $0x38;
	[tilespmem:$0x11680] =	vst v63  }
0x14e: {  	s25 =	sadd.s32 s1, s25;
	s4 =	sshrl.u32 s4, $0x3  }
0x14f: {  	[tilespmem:s12], [sflag:$0x2] =	stream.linear.gather [hbm4b:s25+s6], $0x80, $0x38;
	[tilespmem:$0x11680] =	vst v63  }
0x150: {  	s4 =	sadd.s32 s3, s4  }
0x151: {  	[tilespmem:s20], [sflag:$0x2] =	stream.linear.gather [hbm4b:s4+s6], $0x80, $0x38;
	[tilespmem:$0x11680] =	vst v63  }
0x152: {  	_ =	swait.ge [sflag:s21], $0x2200  }
0x153: {  	[sflag:s21] =	ssyncset.done $0x0  }
0x154: {  	[sflag:s21] =	ssyncadd.s32 $0xFFFFDE00  }
0x155: {  	_ =	swait.ge [sflag:s21], $0x2200  }
0x156: {  	[sflag:s21] =	ssyncset.done $0x0  }
0x157: {  	[sflag:s21] =	ssyncadd.s32 $0xFFFFDE00  }
0x158: {  	_ =	swait.ge [sflag:s21], $0x2200  }
0x159: {  	[sflag:s21] =	ssyncset.done $0x0  }
0x15a: {  	[sflag:s21] =	ssyncadd.s32 $0xFFFFDE00  }
0x15b: {  	v35 =	vand.u32 $0x7F, v1;
	v1 =	vld [tilespmem:$0x1FEF0];
	_ =	swait.ge [sflag:s21], $0x2200  }
0x15c: {  	v7 =	vld [tilespmem:$0x1FF50];
	_ =	sdelay $0x3  }
0x15d: {  	v36 =	vand.u32 $0x7F, v0  }
0x15e: {  	v55 =	vor.u32 v7, v36;
	v9 =	vor.u32 v7, v35;
	v7 =	vld [tilespmem:$0x1FF60]  }
0x15f: {  	v3 =	vld [tilespmem:$0x1FF00]  }
0x160: {  	v0 =	vor.u32 v1, v36  }
0x161: {  	v1 =	vor.u32 v1, v35  }
0x162: {  	v8 =	vld [tilespmem:$0x1FFE0]  }
0x163: {  	[sflag:s21] =	ssyncset.done $0x0;
	v10 =	vor.u32 v7, v36;
	v11 =	vor.u32 v7, v35;
	v7 =	vld [tilespmem:$0x1FF70]  }
0x164: {  	[sflag:s21] =	ssyncadd.s32 $0xFFFFDE00;
	v2 =	vor.u32 v3, v36;
	v4 =	vor.u32 v3, v35;
	v3 =	vld [tilespmem:$0x1FF10]  }
0x165: {  	v5 =	vld.idx.msk [tilespmem:v0+s18+$0x0], $0xffff  }
0x166: {  	v6 =	vld.idx.msk [tilespmem:v1+s19+$0x0], $0xffff  }
0x167: {  	v1 =	vld [tilespmem:$0x1FF20]  }
0x168: {  	v12 =	vor.u32 v7, v36;
	v13 =	vor.u32 v7, v35;
	v7 =	vld [tilespmem:$0x1FF80]  }
0x169: {  	v37 =	vor.u32 v3, v36;
	v0 =	vor.u32 v3, v35;
	v3 =	vld.idx.msk [tilespmem:v2+s16+$0x0], $0xffff  }
0x16a: {  	v4 =	vld.idx.msk [tilespmem:v4+s17+$0x0], $0xffff  }
0x16b: {  	v2 =	vld [tilespmem:$0x1FF30]  }
0x16c: {  	v57 =	vld.idx.msk [tilespmem:v55+s16+$0x0], $0xffff  }
0x16d: {  	v14 =	vor.u32 v7, v36;
	v44 =	vor.u32 v7, v35;
	v7 =	vld [tilespmem:$0x1FF90]  }
0x16e: {  	v58 =	vld.idx.msk [tilespmem:v9+s17+$0x0], $0xffff  }
0x16f: {  	v38 =	vor.u32 v1, v36;
	v39 =	vor.u32 v1, v35;
	v1 =	vld.idx.msk [tilespmem:v37+s16+$0x0], $0xffff  }
0x170: {  	v40 =	vor.u32 v2, v36;
	v53 =	vor.u32 v2, v35;
	v2 =	vld.idx.msk [tilespmem:v0+s17+$0x0], $0xffff  }
0x171: {  	v0 =	vld [tilespmem:$0x1FF40]  }
0x172: {  	v45 =	vor.u32 v7, v36;
	v46 =	vor.u32 v7, v35;
	v7 =	vld [tilespmem:$0x1FFA0]  }
0x173: {  	v55 =	vld.idx.msk [tilespmem:v10+s16+$0x0], $0xffff  }
0x174: {  	v56 =	vld.idx.msk [tilespmem:v11+s17+$0x0], $0xffff  }
0x175: {  	v63 =	vld.idx.msk [tilespmem:v38+s16+$0x0], $0xffff  }
0x176: {  	v41 =	vor.u32 v0, v36;
	v54 =	vor.u32 v0, v35;
	v0 =	vld.idx.msk [tilespmem:v39+s17+$0x0], $0xffff  }
0x177: {  	v47 =	vor.u32 v7, v36;
	v9 =	vor.u32 v7, v35;
	v7 =	vld [tilespmem:$0x1FFB0]  }
0x178: {  	v61 =	vld.idx.msk [tilespmem:v40+s16+$0x0], $0xffff  }
0x179: {  	v62 =	vld.idx.msk [tilespmem:v53+s17+$0x0], $0xffff  }
0x17a: {  	v53 =	vld.idx.msk [tilespmem:v12+s16+$0x0], $0xffff  }
0x17b: {  	v59 =	vld.idx.msk [tilespmem:v41+s16+$0x0], $0xffff  }
0x17c: {  	v10 =	vor.u32 v7, v36;
	v11 =	vor.u32 v7, v35;
	v7 =	vld [tilespmem:$0x1FFC0]  }
0x17d: {  	v60 =	vld.idx.msk [tilespmem:v54+s17+$0x0], $0xffff  }
0x17e: {  	v54 =	vld.idx.msk [tilespmem:v13+s17+$0x0], $0xffff  }
0x17f: {  	v51 =	vld.idx.msk [tilespmem:v14+s16+$0x0], $0xffff  }
0x180: {  	v52 =	vld.idx.msk [tilespmem:v44+s17+$0x0], $0xffff  }
0x181: {  	v38 =	vor.u32 v7, v36;
	v14 =	vor.u32 v7, v35;
	v7 =	vld [tilespmem:$0x1FFD0]  }
0x182: {  	v49 =	vld.idx.msk [tilespmem:v45+s16+$0x0], $0xffff  }
0x183: {  	v50 =	vld.idx.msk [tilespmem:v46+s17+$0x0], $0xffff  }
0x184: {  	v48 =	vld.idx.msk [tilespmem:v9+s17+$0x0], $0xffff  }
0x185: {  	v9 =	vld [tilespmem:$0x1FFF0]  }
0x186: {  	v47 =	vld.idx.msk [tilespmem:v47+s16+$0x0], $0xffff;
	v12 =	vor.u32 v7, v36  }
0x187: {  	v44 =	vld.idx.msk [tilespmem:v10+s16+$0x0], $0xffff;
	v13 =	vor.u32 v7, v35  }
0x188: {  	v46 =	vld.idx.msk [tilespmem:v11+s17+$0x0], $0xffff;
	v7 =	vor.u32 v8, v36  }
0x189: {  	v42 =	vld.idx.msk [tilespmem:v38+s16+$0x0], $0xffff;
	v8 =	vor.u32 v8, v35  }
0x18a: {  	v45 =	vld.idx.msk [tilespmem:v14+s17+$0x0], $0xffff;
	v14 =	vor.u32 v9, v36  }
0x18b: {  	p0 =	seq.s32 s23, $0x7C0;
	v9 =	vor.u32 v9, v35;
	v41 =	vld.idx.msk [tilespmem:v12+s16+$0x0], $0xffff  }
.Ltmp4:
0x18c: {  	v43 =	vld.idx.msk [tilespmem:v13+s17+$0x0], $0xffff;
	(pc) =	sbr.rel @p0 .LBB2_4-.Ltmp4, $4  }
0x18d: {  	v38 =	vld.idx.msk [tilespmem:v7+s16+$0x0], $0xffff  }
0x18e: {  	v40 =	vld.idx.msk [tilespmem:v8+s17+$0x0], $0xffff  }
0x18f: {  	v37 =	vld.idx.msk [tilespmem:v14+s16+$0x0], $0xffff  }
0x190: {  	v39 =	vld.idx.msk [tilespmem:v9+s17+$0x0], $0xffff  }
0x191: {  	v7 =	vld [tilespmem:s24+$0x10]  }
0x192: {  	v8 =	vld [tilespmem:s24+$0x210];
	_ =	sdelay $0x3  }
0x193: {  	v7 =	vand.u32 $0xFFFFFF80, v7  }
0x194: {  	v8 =	vand.u32 $0xFFFFFF80, v8;
	(v2sf) =	vpush v7, $0x0  }
0x195: {  	(v2sf) =	vpush v8, $0x0;
	_ =	sdelay $0x7  }
0x196: {  	(v2sf) =	vpush v7, $0x1  }
0x197: {  	(v2sf) =	vpush v8, $0x1;
	_ =	sdelay $0x4  }
0x198: {  	s4 =	spop (v2sf)  }
0x199: {  	s25 =	spop (v2sf);
	s26 =	sadd.s32 s0, s4  }
0x19a: {  	[tilespmem:s16], [sflag:$0x1] =	stream.strided.gather [hbm4b:s26+s16], $0x800, s14, s16, $0x38;
	[tilespmem:$0x11680] =	vst v63  }
0x19b: {  	(v2sf) =	vpush v7, $0x2;
	s4 =	sshrl.u32 s4, $0x3;
	s13 =	sadd.s32 s2, s25  }
0x19c: {  	(v2sf) =	vpush v8, $0x2;
	[tilespmem:s17], [sflag:$0x1] =	stream.strided.gather [hbm4b:s13+s16], $0x800, s14, s16, $0x38;
	[tilespmem:$0x11680] =	vst v63  }
0x19d: {  	s4 =	sadd.s32 s1, s4;
	s5 =	sshrl.u32 s25, $0x3  }
0x19e: {  	[tilespmem:s18], [sflag:$0x1] =	stream.linear.gather [hbm4b:s4+s6], $0x80, $0x38;
	[tilespmem:$0x11680] =	vst v63  }
0x19f: {  	s4 =	sadd.s32 s3, s5  }
0x1a0: {  	[tilespmem:s19], [sflag:$0x1] =	stream.linear.gather [hbm4b:s4+s6], $0x80, $0x38;
	[tilespmem:$0x11680] =	vst v63  }
0x1a1: {  	s4 =	spop (v2sf)  }
0x1a2: {  	s5 =	simm.s32 $0xC00;
	s25 =	spop (v2sf);
	s13 =	sadd.s32 s0, s4  }
0x1a3: {  	[tilespmem:s5], [sflag:$0x1] =	stream.strided.gather [hbm4b:s13+s16], $0x800, s14, s16, $0x38;
	[tilespmem:$0x11680] =	vst v63  }
0x1a4: {  	(v2sf) =	vpush v7, $0x3;
	s4 =	sshrl.u32 s4, $0x3;
	s5 =	sadd.s32 s2, s25;
	s13 =	simm.s32 $0x4C00  }
0x1a5: {  	(v2sf) =	vpush v8, $0x3;
	[tilespmem:s13], [sflag:$0x1] =	stream.strided.gather [hbm4b:s5+s16], $0x800, s14, s16, $0x38;
	[tilespmem:$0x11680] =	vst v63  }
0x1a6: {  	s4 =	sadd.s32 s1, s4;
	s25 =	sshrl.u32 s25, $0x3;
	s13 =	simm.s32 $0x8480  }
0x1a7: {  	[tilespmem:s13], [sflag:$0x1] =	stream.linear.gather [hbm4b:s4+s6], $0x80, $0x38;
	[tilespmem:$0x11680] =	vst v63  }
0x1a8: {  	s26 =	simm.s32 $0x8880;
	s4 =	sadd.s32 s3, s25  }
0x1a9: {  	[tilespmem:s26], [sflag:$0x1] =	stream.linear.gather [hbm4b:s4+s6], $0x80, $0x38;
	[tilespmem:$0x11680] =	vst v63  }
0x1aa: {  	s4 =	spop (v2sf)  }
0x1ab: {  	s13 =	simm.s32 $0x1400;
	s25 =	spop (v2sf);
	s5 =	sadd.s32 s0, s4  }
0x1ac: {  	[tilespmem:s13], [sflag:$0x1] =	stream.strided.gather [hbm4b:s5+s16], $0x800, s14, s16, $0x38;
	[tilespmem:$0x11680] =	vst v63  }
0x1ad: {  	(v2sf) =	vpush v7, $0x4;
	s4 =	sshrl.u32 s4, $0x3;
	s5 =	sadd.s32 s2, s25;
	s13 =	simm.s32 $0x5400  }
0x1ae: {  	(v2sf) =	vpush v8, $0x4;
	[tilespmem:s13], [sflag:$0x1] =	stream.strided.gather [hbm4b:s5+s16], $0x800, s14, s16, $0x38;
	[tilespmem:$0x11680] =	vst v63  }
0x1af: {  	s4 =	sadd.s32 s1, s4;
	s25 =	sshrl.u32 s25, $0x3;
	s13 =	simm.s32 $0x8500  }
0x1b0: {  	[tilespmem:s13], [sflag:$0x1] =	stream.linear.gather [hbm4b:s4+s6], $0x80, $0x38;
	[tilespmem:$0x11680] =	vst v63  }
0x1b1: {  	s26 =	simm.s32 $0x8900;
	s4 =	sadd.s32 s3, s25  }
0x1b2: {  	[tilespmem:s26], [sflag:$0x1] =	stream.linear.gather [hbm4b:s4+s6], $0x80, $0x38;
	[tilespmem:$0x11680] =	vst v63  }
0x1b3: {  	s4 =	spop (v2sf)  }
0x1b4: {  	s13 =	simm.s32 $0x1C00;
	s25 =	spop (v2sf);
	s5 =	sadd.s32 s0, s4  }
0x1b5: {  	[tilespmem:s13], [sflag:$0x1] =	stream.strided.gather [hbm4b:s5+s16], $0x800, s14, s16, $0x38;
	[tilespmem:$0x11680] =	vst v63  }
0x1b6: {  	(v2sf) =	vpush v7, $0x5;
	s4 =	sshrl.u32 s4, $0x3;
	s5 =	sadd.s32 s2, s25;
	s13 =	simm.s32 $0x5C00  }
0x1b7: {  	(v2sf) =	vpush v8, $0x5;
	[tilespmem:s13], [sflag:$0x1] =	stream.strided.gather [hbm4b:s5+s16], $0x800, s14, s16, $0x38;
	[tilespmem:$0x11680] =	vst v63  }
0x1b8: {  	s4 =	sadd.s32 s1, s4;
	s25 =	sshrl.u32 s25, $0x3;
	s13 =	simm.s32 $0x8580  }
0x1b9: {  	[tilespmem:s13], [sflag:$0x1] =	stream.linear.gather [hbm4b:s4+s6], $0x80, $0x38;
	[tilespmem:$0x11680] =	vst v63  }
0x1ba: {  	s26 =	simm.s32 $0x8980;
	s4 =	sadd.s32 s3, s25  }
0x1bb: {  	[tilespmem:s26], [sflag:$0x1] =	stream.linear.gather [hbm4b:s4+s6], $0x80, $0x38;
	[tilespmem:$0x11680] =	vst v63  }
0x1bc: {  	s4 =	spop (v2sf)  }
0x1bd: {  	s13 =	simm.s32 $0x2400;
	(v2sf) =	vpush v7, $0x6;
	s25 =	spop (v2sf);
	s5 =	sadd.s32 s0, s4  }
0x1be: {  	[tilespmem:s13], [sflag:$0x1] =	stream.strided.gather [hbm4b:s5+s16], $0x800, s14, s16, $0x38;
	[tilespmem:$0x11680] =	vst v63  }
0x1bf: {  	s4 =	sshrl.u32 s4, $0x3;
	(v2sf) =	vpush v8, $0x6;
	s5 =	sadd.s32 s2, s25;
	s13 =	simm.s32 $0x6400  }
0x1c0: {  	[tilespmem:s13], [sflag:$0x1] =	stream.strided.gather [hbm4b:s5+s16], $0x800, s14, s16, $0x38;
	[tilespmem:$0x11680] =	vst v63  }
0x1c1: {  	s4 =	sadd.s32 s1, s4;
	s25 =	sshrl.u32 s25, $0x3;
	s13 =	simm.s32 $0x8600  }
0x1c2: {  	[tilespmem:s13], [sflag:$0x1] =	stream.linear.gather [hbm4b:s4+s6], $0x80, $0x38;
	[tilespmem:$0x11680] =	vst v63  }
0x1c3: {  	s26 =	simm.s32 $0x8A00;
	s4 =	sadd.s32 s3, s25  }
0x1c4: {  	[tilespmem:s26], [sflag:$0x1] =	stream.linear.gather [hbm4b:s4+s6], $0x80, $0x38;
	[tilespmem:$0x11680] =	vst v63  }
0x1c5: {  	s4 =	spop (v2sf);
	(v2sf) =	vpush v7, $0x7  }
0x1c6: {  	s13 =	simm.s32 $0x2C00;
	s25 =	spop (v2sf);
	s5 =	sadd.s32 s0, s4  }
0x1c7: {  	(v2sf) =	vpush v8, $0x7;
	[tilespmem:s13], [sflag:$0x1] =	stream.strided.gather [hbm4b:s5+s16], $0x800, s14, s16, $0x38;
	[tilespmem:$0x11680] =	vst v63  }
0x1c8: {  	s4 =	sshrl.u32 s4, $0x3;
	s5 =	sadd.s32 s2, s25;
	s13 =	simm.s32 $0x6C00  }
0x1c9: {  	[tilespmem:s13], [sflag:$0x1] =	stream.strided.gather [hbm4b:s5+s16], $0x800, s14, s16, $0x38;
	[tilespmem:$0x11680] =	vst v63  }
0x1ca: {  	s26 =	simm.s32 $0x8680;
	s4 =	sadd.s32 s1, s4;
	s13 =	sshrl.u32 s25, $0x3  }
0x1cb: {  	[tilespmem:s26], [sflag:$0x1] =	stream.linear.gather [hbm4b:s4+s6], $0x80, $0x38;
	[tilespmem:$0x11680] =	vst v63  }
0x1cc: {  	s4 =	sadd.s32 s3, s13;
	s26 =	simm.s32 $0x8A80;
	s25 =	spop (v2sf)  }
0x1cd: {  	[tilespmem:s26], [sflag:$0x1] =	stream.linear.gather [hbm4b:s4+s6], $0x80, $0x38;
	[tilespmem:$0x11680] =	vst v63  }
0x1ce: {  	s13 =	simm.s32 $0x3400;
	s4 =	spop (v2sf);
	s5 =	sadd.s32 s0, s25  }
0x1cf: {  	[tilespmem:s13], [sflag:$0x1] =	stream.strided.gather [hbm4b:s5+s16], $0x800, s14, s16, $0x38;
	[tilespmem:$0x11680] =	vst v63  }
0x1d0: {  	s25 =	sshrl.u32 s25, $0x3;
	s5 =	sadd.s32 s2, s4;
	s13 =	simm.s32 $0x7400  }
0x1d1: {  	[tilespmem:s13], [sflag:$0x1] =	stream.strided.gather [hbm4b:s5+s16], $0x800, s14, s16, $0x38;
	[tilespmem:$0x11680] =	vst v63  }
0x1d2: {  	s25 =	sadd.s32 s1, s25;
	s4 =	sshrl.u32 s4, $0x3;
	s13 =	simm.s32 $0x8700  }
0x1d3: {  	[tilespmem:s13], [sflag:$0x1] =	stream.linear.gather [hbm4b:s25+s6], $0x80, $0x38;
	[tilespmem:$0x11680] =	vst v63  }
0x1d4: {  	s26 =	simm.s32 $0x8B00;
	s4 =	sadd.s32 s3, s4;
	s25 =	spop (v2sf)  }
0x1d5: {  	[tilespmem:s26], [sflag:$0x1] =	stream.linear.gather [hbm4b:s4+s6], $0x80, $0x38;
	[tilespmem:$0x11680] =	vst v63  }
0x1d6: {  	s13 =	simm.s32 $0x3C00;
	s4 =	spop (v2sf);
	s5 =	sadd.s32 s0, s25  }
0x1d7: {  	[tilespmem:s13], [sflag:$0x1] =	stream.strided.gather [hbm4b:s5+s16], $0x800, s14, s16, $0x38;
	[tilespmem:$0x11680] =	vst v63  }
0x1d8: {  	s5 =	sadd.s32 s2, s4;
	s13 =	simm.s32 $0x7C00  }
0x1d9: {  	[tilespmem:s13], [sflag:$0x1] =	stream.strided.gather [hbm4b:s5+s16], $0x800, s14, s16, $0x38;
	[tilespmem:$0x11680] =	vst v63  }
.Ltmp5:
0x1da: {  	s25 =	sshrl.u32 s25, $0x3;
	(pc) =	sbr.rel .LBB2_4-.Ltmp5, $4  }
0x1db: {  	s25 =	sadd.s32 s1, s25;
	s4 =	sshrl.u32 s4, $0x3;
	s13 =	simm.s32 $0x8780  }
0x1dc: {  	[tilespmem:s13], [sflag:$0x1] =	stream.linear.gather [hbm4b:s25+s6], $0x80, $0x38;
	[tilespmem:$0x11680] =	vst v63  }
0x1dd: {  	s26 =	simm.s32 $0x8B80;
	s4 =	sadd.s32 s3, s4;
	s5 =	simm.s32 $0x9400  }
0x1de: {  	[tilespmem:s26], [sflag:$0x1] =	stream.linear.gather [hbm4b:s4+s6], $0x80, $0x38;
	[tilespmem:$0x11680] =	vst v63  }
.LBB2_6:
0x1df: {  	_ =	sfence.sel $0x180000  }
0x1e0: {  	[bflag:$0x0] =	sbarrier.arrive $0xFFFF  }
0x1e1: {  	_ =	strace $0x90000047  }
0x1e2: {  	s0 =	stileid.u32;
	[bflag:$0x2] =	sbarrier.arrive $0xFFFF  }
0x1e3: {  	p0 =	sne.s32 s0, $0x0;
	s0 =	rddreg [dreg:$0x6]  }
0x1e4: {  	s0 =	sadd.s32 @!p0 $0x100000, s0  }
0x1e5: {  	[sflag:s0] =	ssyncadd.tile.s32 @!p0 $0x1;
	_ =	shalt  }
.Lfunc_end2:
_tile_overlayer_lowered:
.L_overlay_start_2:
0x1e6: {  	(tag) =	ssettag $0x2  }
0x1e7: {  	s0 =	rddreg [dreg:$0x0];
	s2 =	stileid.u32  }
0x1e8: {  	s1 =	rddreg [dreg:$0x1];
	p0 =	sne.s32 s2, $0x0  }
0x1e9: {  	s3 =	rddreg [dreg:$0x2];
	[bflag:$0x3] =	sbarrier.arrive $0xFFFF;
	s2 =	simm.s32 @!p0 $0x1C03  }
0x1ea: {  	[timem:s3], [sflag:s2] =	dma.local @!p0 [hbm:s0], s1  }
0x1eb: {  	s0 =	simm.s32 @!p0 $0x3  }
0x1ec: {  	_ =	swait.ge @!p0 [sflag:s0], s1  }
0x1ed: {  	s1 =	ssub.s32 @!p0 $0x0, s1;
	[sflag:s0] =	ssyncset.done @!p0 $0x0  }
0x1ee: {  	[sflag:s0] =	ssyncadd.s32 @!p0 s1  }
0x1ef: {  	[bflag:$0x3] =	sbarrier.arrive $0xFFFF  }
0x1f0: {  	_ =	shalt  }

</sc_bundles>
